<compile_context>
chip_gen: v7x
topology: tpu7x:2x2x1
jax: 0.10.2.dev20260603
libtpu: 0.0.44.dev20260713+nightly
codegen_flags: <defaults>
</compile_context>

<pallas_src>
import functools

import jax
import jax.numpy as jnp
from jax import lax
from jax.experimental import pallas as pl
from jax.experimental.pallas import tpu as pltpu
from jax.experimental.pallas import tpu_sc as plsc

N_UP = 524288
N_DOWN = 262144
D = 128
_C = 128
_L = 16
_NG = 2
_NR = 4


def _make_kernel():
    info = plsc.get_sparse_core_info()
    nc, ns = info.num_cores, info.num_subcores
    nw = nc * ns
    rows_per_w = N_UP // nw
    n_chunks = rows_per_w // _C
    mesh = plsc.VectorSubcoreMesh(core_axis_name="c", subcore_axis_name="s")

    @functools.partial(
        pl.kernel,
        mesh=mesh,
        out_type=jax.ShapeDtypeStruct((N_UP, D), jnp.float32),
        scratch_types=[
            pltpu.VMEM((rows_per_w // _C, _C), jnp.int32),
            pltpu.VMEM((_NG, _C, D), jnp.float32),
            pltpu.VMEM((_NR, _C, D), jnp.float32),
        ]
        + [pltpu.SemaphoreType.DMA] * (_NG + 2 * _NR),
    )
    def k(res_hbm, down_hbm, idx_hbm, out_hbm, idx_v, gat_v, ro_v, *sems):
        sg = sems[0:_NG]
        sr = sems[_NG:_NG + _NR]
        so = sems[_NG + _NR:_NG + 2 * _NR]
        wid = lax.axis_index("s") * nc + lax.axis_index("c")
        base = wid * rows_per_w

        pltpu.sync_copy(
            idx_hbm.at[pl.ds(wid * n_chunks, n_chunks)], idx_v)

        def issue(g, bg, br):
            r0 = base + g * _C
            pltpu.async_copy(down_hbm.at[idx_v.at[g]], gat_v.at[bg], sg[bg])
            pltpu.async_copy(res_hbm.at[pl.ds(r0, _C)], ro_v.at[br], sr[br])

        def wait_inputs(g, bg, br):
            r0 = base + g * _C
            pltpu.make_async_copy(
                down_hbm.at[idx_v.at[g]], gat_v.at[bg], sg[bg]).wait()
            pltpu.make_async_copy(
                res_hbm.at[pl.ds(r0, _C)], ro_v.at[br], sr[br]).wait()

        def wait_store(g, br):
            r0 = base + g * _C
            pltpu.make_async_copy(
                ro_v.at[br], out_hbm.at[pl.ds(r0, _C)], so[br]).wait()

        def add_chunk(bg, br):
            def row_body(r, c):
                for j in range(D // _L):
                    s = pl.ds(j * _L, _L)
                    ro_v[br, r, s] = ro_v[br, r, s] + gat_v[bg, r, s]
                return c

            lax.fori_loop(0, _C, row_body, 0)

        def store(g, br):
            r0 = base + g * _C
            pltpu.async_copy(ro_v.at[br], out_hbm.at[pl.ds(r0, _C)], so[br])

        issue(0, 0, 0)
        issue(1, 1, 1)

        for g in range(4):
            bg, br = g % _NG, g % _NR
            wait_inputs(g, bg, br)
            add_chunk(bg, br)
            store(g, br)
            gn = g + _NG
            brn = gn % _NR
            if gn >= _NR:
                wait_store(gn - _NR, brn)
            issue(gn, gn % _NG, brn)

        def body(gg, c):
            for b in range(_NR):
                g = gg * _NR + b
                bg, br = b % _NG, b
                wait_inputs(g, bg, br)
                add_chunk(bg, br)
                store(g, br)

                @pl.when(g + _NG < n_chunks)
                def _():
                    brn = (b + _NG) % _NR
                    wait_store(g + _NG - _NR, brn)
                    issue(g + _NG, bg, brn)

            return c

        lax.fori_loop(1, n_chunks // _NR, body, 0)

        for br in range(_NR):
            wait_store(n_chunks - _NR + br, br)

    return k


_unpool = _make_kernel()


def kernel(residual_feat, down_feat, unpool_ind):
    idx2d = unpool_ind.astype(jnp.int32).reshape(N_UP // _C, _C)
    return _unpool(residual_feat, down_feat, idx2d)

# --- scband reference (transcript-rebuilt; emitter-appended) ---
"""Pipeline reference for scband-additive-unpool-layer-12627203851171 (READ-ONLY COPY).

The authoritative reference and input builder live on the scoring server;
editing this copy changes nothing except your own understanding.
"""

import jax, jax.numpy as jnp
import numpy as np

N_UP = 524288
N_DOWN = 262144
D = 128
SUBBUCK_SIZE = 2


def setup_inputs(seed: int = 0) -> dict:
    key = jax.random.key(seed)
    k1, k2, k3 = jax.random.split(key, 3)
    residual_feat = jax.random.normal(k1, (N_UP, D), dtype=jnp.float32)
    down_feat = jax.random.normal(k2, (N_DOWN, D), dtype=jnp.float32)
    unpool_ind = jax.random.randint(k3, (N_UP,), 0, N_DOWN, dtype=jnp.int64 if jax.config.jax_enable_x64 else jnp.int32)
    return {"residual_feat": residual_feat, "down_feat": down_feat, "unpool_ind": unpool_ind}


def reference(residual_feat, down_feat, unpool_ind):
    # additive_unpool_fwd: for each upsampled slot i (grouped into subbuckets of
    # size subbuck_size), gather the downsampled feature of its source bucket
    # (buffers.unpool_ind) and add it to the residual feature at that slot.
    #   up_add_feat[i, :] = residual_feat[i, :] + down_feat[unpool_ind[i], :]
    gathered = jnp.take(down_feat, unpool_ind, axis=0)
    up_add_feat = residual_feat + gathered
    return up_add_feat

if __name__ == "__main__":
    import jax
    _d = setup_inputs()
    print(jax.jit(kernel)(*tuple(_d.values())))

</pallas_src>

<mosaic_0001>
#map = affine_map<(d0, d1) -> (0, 0)>
module attributes {stable_mosaic.version = 14 : i64} {
  func.func @k(%arg0: i32, %arg1: i32, %arg2: memref<524288x128xf32, #tpu.memory_space<hbm>>, %arg3: memref<262144x128xf32, #tpu.memory_space<hbm>>, %arg4: memref<4096x128xi32, #tpu.memory_space<hbm>>, %arg5: memref<524288x128xf32, #tpu.memory_space<hbm>>, %arg6: memref<128x128xi32, #tpu.memory_space<vmem>>, %arg7: memref<2x128x128xf32, #tpu.memory_space<vmem>>, %arg8: memref<4x128x128xf32, #tpu.memory_space<vmem>>, %arg9: memref<!tpu.dma_semaphore, #tpu.memory_space<semaphore_mem>>, %arg10: memref<!tpu.dma_semaphore, #tpu.memory_space<semaphore_mem>>, %arg11: memref<!tpu.dma_semaphore, #tpu.memory_space<semaphore_mem>>, %arg12: memref<!tpu.dma_semaphore, #tpu.memory_space<semaphore_mem>>, %arg13: memref<!tpu.dma_semaphore, #tpu.memory_space<semaphore_mem>>, %arg14: memref<!tpu.dma_semaphore, #tpu.memory_space<semaphore_mem>>, %arg15: memref<!tpu.dma_semaphore, #tpu.memory_space<semaphore_mem>>, %arg16: memref<!tpu.dma_semaphore, #tpu.memory_space<semaphore_mem>>, %arg17: memref<!tpu.dma_semaphore, #tpu.memory_space<semaphore_mem>>, %arg18: memref<!tpu.dma_semaphore, #tpu.memory_space<semaphore_mem>>) attributes {dimension_semantics = [#tpu.dimension_semantics<core_parallel>, #tpu.dimension_semantics<subcore_parallel>], iteration_bounds = array<i64: 2, 16>, scalar_prefetch = 0 : i64, scratch_operands = 13 : i64, tpu.core_type = #tpu.core_type<sc_vector_subcore>, window_params = [{transform_indices = #map}, {transform_indices = #map}, {transform_indices = #map}, {transform_indices = #map}]} {
    %mul3A = arith.constant 2 : i32
    %mul3A_0 = arith.muli %arg1, %mul3A : i32
    %add3A = arith.addi %mul3A_0, %arg0 : i32
    %mul3A_1 = arith.constant 16384 : i32
    %mul3A_2 = arith.muli %add3A, %mul3A_1 : i32
    %mul3A_3 = arith.constant 128 : i32
    %mul3A_4 = arith.muli %add3A, %mul3A_3 : i32
    "tpu.region"() ({
      %run_scoped3A = tpu.sem_alloc : memref<!tpu.dma_semaphore, #tpu.memory_space<semaphore_mem>>
      %dma_start3A_452 = arith.constant 0 : i32
      %dma_start3A_453 = tpu.memref_slice %arg4[%mul3A_4, %dma_start3A_452] : memref<4096x128xi32, #tpu.memory_space<hbm>> -> memref<128x128xi32, #tpu.memory_space<hbm>>
      %dma_start3A_454 = arith.constant 0 : i32
      %dma_start3A_455 = tpu.memref_slice %arg4[%mul3A_4, %dma_start3A_454] : memref<4096x128xi32, #tpu.memory_space<hbm>> -> memref<128x128xi32, #tpu.memory_space<hbm>>
      tpu.enqueue_dma source(%dma_start3A_455 : memref<128x128xi32, #tpu.memory_space<hbm>>) target(%arg6 : memref<128x128xi32, #tpu.memory_space<vmem>>) target_semaphore(%run_scoped3A : memref<!tpu.dma_semaphore, #tpu.memory_space<semaphore_mem>>)
      %dma_wait3A_456 = arith.constant 0 : i32
      %dma_wait3A_457 = tpu.memref_slice %arg4[%mul3A_4, %dma_wait3A_456] : memref<4096x128xi32, #tpu.memory_space<hbm>> -> memref<128x128xi32, #tpu.memory_space<hbm>>
      %dma_wait3A_458 = arith.constant 0 : i32
      %dma_wait3A_459 = tpu.memref_slice %arg4[%mul3A_4, %dma_wait3A_458] : memref<4096x128xi32, #tpu.memory_space<hbm>> -> memref<128x128xi32, #tpu.memory_space<hbm>>
      tpu.wait_dma2 semaphore(%run_scoped3A : memref<!tpu.dma_semaphore, #tpu.memory_space<semaphore_mem>>) src(%dma_wait3A_459 : memref<128x128xi32, #tpu.memory_space<hbm>>) dst(%arg6 : memref<128x128xi32, #tpu.memory_space<vmem>>)
      tpu.yield
    }) : () -> ()
    %add3A_5 = arith.constant 0 : i32
    %add3A_6 = arith.addi %mul3A_2, %add3A_5 : i32
    %dma_start3A = arith.constant 0 : i32
    %dma_start3A_7 = arith.constant 0 : i32
    %dma_start3A_8 = arith.constant 0 : i32
    %dma_start3A_9 = arith.constant 0 : i32
    %dma_start3A_10 = tpu.memref_slice %arg7[%dma_start3A_7, %dma_start3A_8, %dma_start3A_9] : memref<2x128x128xf32, #tpu.memory_space<vmem>> -> memref<1x128x128xf32, #tpu.memory_space<vmem>>
    %dma_start3A_11 = tpu.memref_squeeze %dma_start3A_10 : memref<1x128x128xf32, #tpu.memory_space<vmem>> -> memref<128x128xf32, #tpu.memory_space<vmem>>
    %dma_start3A_12 = arith.constant 0 : i32
    %dma_start3A_13 = tpu.memref_slice %arg6[%dma_start3A, %dma_start3A_12] : memref<128x128xi32, #tpu.memory_space<vmem>> -> memref<1x128xi32, #tpu.memory_space<vmem>>
    %dma_start3A_14 = tpu.memref_squeeze %dma_start3A_13 : memref<1x128xi32, #tpu.memory_space<vmem>> -> memref<128xi32, #tpu.memory_space<vmem>>
    %dma_start3A_15 = arith.constant 0 : i32
    %dma_start3A_16 = arith.constant 0 : i32
    %dma_start3A_17 = tpu.memref_slice %arg3[%dma_start3A_15, %dma_start3A_16] : memref<262144x128xf32, #tpu.memory_space<hbm>> -> memref<262144x128xf32, #tpu.memory_space<hbm>>
    tpu.enqueue_indirect_dma source(%dma_start3A_17 : memref<262144x128xf32, #tpu.memory_space<hbm>>) target(%dma_start3A_11 : memref<128x128xf32, #tpu.memory_space<vmem>>) offsets(%dma_start3A_14 : memref<128xi32, #tpu.memory_space<vmem>>) semaphore(%arg9 : memref<!tpu.dma_semaphore, #tpu.memory_space<semaphore_mem>>)
    %dma_start3A_18 = arith.constant 0 : i32
    %dma_start3A_19 = arith.constant 0 : i32
    %dma_start3A_20 = arith.constant 0 : i32
    %dma_start3A_21 = tpu.memref_slice %arg8[%dma_start3A_18, %dma_start3A_19, %dma_start3A_20] : memref<4x128x128xf32, #tpu.memory_space<vmem>> -> memref<1x128x128xf32, #tpu.memory_space<vmem>>
    %dma_start3A_22 = tpu.memref_squeeze %dma_start3A_21 : memref<1x128x128xf32, #tpu.memory_space<vmem>> -> memref<128x128xf32, #tpu.memory_space<vmem>>
    %dma_start3A_23 = arith.constant 0 : i32
    %dma_start3A_24 = tpu.memref_slice %arg2[%add3A_6, %dma_start3A_23] : memref<524288x128xf32, #tpu.memory_space<hbm>> -> memref<128x128xf32, #tpu.memory_space<hbm>>
    %dma_start3A_25 = arith.constant 0 : i32
    %dma_start3A_26 = arith.constant 0 : i32
    %dma_start3A_27 = tpu.memref_slice %arg8[%dma_start3A_18, %dma_start3A_25, %dma_start3A_26] : memref<4x128x128xf32, #tpu.memory_space<vmem>> -> memref<1x128x128xf32, #tpu.memory_space<vmem>>
    %dma_start3A_28 = tpu.memref_squeeze %dma_start3A_27 : memref<1x128x128xf32, #tpu.memory_space<vmem>> -> memref<128x128xf32, #tpu.memory_space<vmem>>
    %dma_start3A_29 = arith.constant 0 : i32
    %dma_start3A_30 = tpu.memref_slice %arg2[%add3A_6, %dma_start3A_29] : memref<524288x128xf32, #tpu.memory_space<hbm>> -> memref<128x128xf32, #tpu.memory_space<hbm>>
    tpu.enqueue_dma source(%dma_start3A_30 : memref<128x128xf32, #tpu.memory_space<hbm>>) target(%dma_start3A_28 : memref<128x128xf32, #tpu.memory_space<vmem>>) target_semaphore(%arg11 : memref<!tpu.dma_semaphore, #tpu.memory_space<semaphore_mem>>)
    %add3A_31 = arith.constant 128 : i32
    %add3A_32 = arith.addi %mul3A_2, %add3A_31 : i32
    %dma_start3A_33 = arith.constant 1 : i32
    %dma_start3A_34 = arith.constant 1 : i32
    %dma_start3A_35 = arith.constant 0 : i32
    %dma_start3A_36 = arith.constant 0 : i32
    %dma_start3A_37 = tpu.memref_slice %arg7[%dma_start3A_34, %dma_start3A_35, %dma_start3A_36] : memref<2x128x128xf32, #tpu.memory_space<vmem>> -> memref<1x128x128xf32, #tpu.memory_space<vmem>>
    %dma_start3A_38 = tpu.memref_squeeze %dma_start3A_37 : memref<1x128x128xf32, #tpu.memory_space<vmem>> -> memref<128x128xf32, #tpu.memory_space<vmem>>
    %dma_start3A_39 = arith.constant 0 : i32
    %dma_start3A_40 = tpu.memref_slice %arg6[%dma_start3A_33, %dma_start3A_39] : memref<128x128xi32, #tpu.memory_space<vmem>> -> memref<1x128xi32, #tpu.memory_space<vmem>>
    %dma_start3A_41 = tpu.memref_squeeze %dma_start3A_40 : memref<1x128xi32, #tpu.memory_space<vmem>> -> memref<128xi32, #tpu.memory_space<vmem>>
    %dma_start3A_42 = arith.constant 0 : i32
    %dma_start3A_43 = arith.constant 0 : i32
    %dma_start3A_44 = tpu.memref_slice %arg3[%dma_start3A_42, %dma_start3A_43] : memref<262144x128xf32, #tpu.memory_space<hbm>> -> memref<262144x128xf32, #tpu.memory_space<hbm>>
    tpu.enqueue_indirect_dma source(%dma_start3A_44 : memref<262144x128xf32, #tpu.memory_space<hbm>>) target(%dma_start3A_38 : memref<128x128xf32, #tpu.memory_space<vmem>>) offsets(%dma_start3A_41 : memref<128xi32, #tpu.memory_space<vmem>>) semaphore(%arg10 : memref<!tpu.dma_semaphore, #tpu.memory_space<semaphore_mem>>)
    %dma_start3A_45 = arith.constant 1 : i32
    %dma_start3A_46 = arith.constant 0 : i32
    %dma_start3A_47 = arith.constant 0 : i32
    %dma_start3A_48 = tpu.memref_slice %arg8[%dma_start3A_45, %dma_start3A_46, %dma_start3A_47] : memref<4x128x128xf32, #tpu.memory_space<vmem>> -> memref<1x128x128xf32, #tpu.memory_space<vmem>>
    %dma_start3A_49 = tpu.memref_squeeze %dma_start3A_48 : memref<1x128x128xf32, #tpu.memory_space<vmem>> -> memref<128x128xf32, #tpu.memory_space<vmem>>
    %dma_start3A_50 = arith.constant 0 : i32
    %dma_start3A_51 = tpu.memref_slice %arg2[%add3A_32, %dma_start3A_50] : memref<524288x128xf32, #tpu.memory_space<hbm>> -> memref<128x128xf32, #tpu.memory_space<hbm>>
    %dma_start3A_52 = arith.constant 0 : i32
    %dma_start3A_53 = arith.constant 0 : i32
    %dma_start3A_54 = tpu.memref_slice %arg8[%dma_start3A_45, %dma_start3A_52, %dma_start3A_53] : memref<4x128x128xf32, #tpu.memory_space<vmem>> -> memref<1x128x128xf32, #tpu.memory_space<vmem>>
    %dma_start3A_55 = tpu.memref_squeeze %dma_start3A_54 : memref<1x128x128xf32, #tpu.memory_space<vmem>> -> memref<128x128xf32, #tpu.memory_space<vmem>>
    %dma_start3A_56 = arith.constant 0 : i32
    %dma_start3A_57 = tpu.memref_slice %arg2[%add3A_32, %dma_start3A_56] : memref<524288x128xf32, #tpu.memory_space<hbm>> -> memref<128x128xf32, #tpu.memory_space<hbm>>
    tpu.enqueue_dma source(%dma_start3A_57 : memref<128x128xf32, #tpu.memory_space<hbm>>) target(%dma_start3A_55 : memref<128x128xf32, #tpu.memory_space<vmem>>) target_semaphore(%arg12 : memref<!tpu.dma_semaphore, #tpu.memory_space<semaphore_mem>>)
    %add3A_58 = arith.constant 0 : i32
    %add3A_59 = arith.addi %mul3A_2, %add3A_58 : i32
    %dma_wait3A = arith.constant 0 : i32
    %dma_wait3A_60 = arith.constant 0 : i32
    %dma_wait3A_61 = arith.constant 0 : i32
    %dma_wait3A_62 = arith.constant 0 : i32
    %dma_wait3A_63 = tpu.memref_slice %arg7[%dma_wait3A_60, %dma_wait3A_61, %dma_wait3A_62] : memref<2x128x128xf32, #tpu.memory_space<vmem>> -> memref<1x128x128xf32, #tpu.memory_space<vmem>>
    %dma_wait3A_64 = tpu.memref_squeeze %dma_wait3A_63 : memref<1x128x128xf32, #tpu.memory_space<vmem>> -> memref<128x128xf32, #tpu.memory_space<vmem>>
    %dma_wait3A_65 = arith.constant 0 : i32
    %dma_wait3A_66 = tpu.memref_slice %arg6[%dma_wait3A, %dma_wait3A_65] : memref<128x128xi32, #tpu.memory_space<vmem>> -> memref<1x128xi32, #tpu.memory_space<vmem>>
    %dma_wait3A_67 = tpu.memref_squeeze %dma_wait3A_66 : memref<1x128xi32, #tpu.memory_space<vmem>> -> memref<128xi32, #tpu.memory_space<vmem>>
    %dma_wait3A_68 = arith.constant 0 : i32
    %dma_wait3A_69 = arith.constant 0 : i32
    %dma_wait3A_70 = tpu.memref_slice %arg3[%dma_wait3A_68, %dma_wait3A_69] : memref<262144x128xf32, #tpu.memory_space<hbm>> -> memref<262144x128xf32, #tpu.memory_space<hbm>>
    tpu.wait_indirect_dma semaphore(%arg9 : memref<!tpu.dma_semaphore, #tpu.memory_space<semaphore_mem>>) src(%dma_wait3A_70 : memref<262144x128xf32, #tpu.memory_space<hbm>>) dst(%dma_wait3A_64 : memref<128x128xf32, #tpu.memory_space<vmem>>)
    %dma_wait3A_71 = arith.constant 0 : i32
    %dma_wait3A_72 = arith.constant 0 : i32
    %dma_wait3A_73 = arith.constant 0 : i32
    %dma_wait3A_74 = tpu.memref_slice %arg8[%dma_wait3A_71, %dma_wait3A_72, %dma_wait3A_73] : memref<4x128x128xf32, #tpu.memory_space<vmem>> -> memref<1x128x128xf32, #tpu.memory_space<vmem>>
    %dma_wait3A_75 = tpu.memref_squeeze %dma_wait3A_74 : memref<1x128x128xf32, #tpu.memory_space<vmem>> -> memref<128x128xf32, #tpu.memory_space<vmem>>
    %dma_wait3A_76 = arith.constant 0 : i32
    %dma_wait3A_77 = tpu.memref_slice %arg2[%add3A_59, %dma_wait3A_76] : memref<524288x128xf32, #tpu.memory_space<hbm>> -> memref<128x128xf32, #tpu.memory_space<hbm>>
    %dma_wait3A_78 = arith.constant 0 : i32
    %dma_wait3A_79 = arith.constant 0 : i32
    %dma_wait3A_80 = tpu.memref_slice %arg8[%dma_wait3A_71, %dma_wait3A_78, %dma_wait3A_79] : memref<4x128x128xf32, #tpu.memory_space<vmem>> -> memref<1x128x128xf32, #tpu.memory_space<vmem>>
    %dma_wait3A_81 = tpu.memref_squeeze %dma_wait3A_80 : memref<1x128x128xf32, #tpu.memory_space<vmem>> -> memref<128x128xf32, #tpu.memory_space<vmem>>
    %dma_wait3A_82 = arith.constant 0 : i32
    %dma_wait3A_83 = tpu.memref_slice %arg2[%add3A_59, %dma_wait3A_82] : memref<524288x128xf32, #tpu.memory_space<hbm>> -> memref<128x128xf32, #tpu.memory_space<hbm>>
    tpu.wait_dma2 semaphore(%arg11 : memref<!tpu.dma_semaphore, #tpu.memory_space<semaphore_mem>>) src(%dma_wait3A_83 : memref<128x128xf32, #tpu.memory_space<hbm>>) dst(%dma_wait3A_81 : memref<128x128xf32, #tpu.memory_space<vmem>>)
    %scan3A = arith.constant 0 : i32
    %scan3A_84 = arith.constant 0 : i32
    %scan3A_85 = arith.constant 128 : i32
    %scan3A_86 = arith.addi %scan3A_84, %scan3A_85 : i32
    %scan3A_87 = arith.constant 1 : i32
    scf.for %scan3A_452 = %scan3A_84 to %scan3A_86 step %scan3A_87  : i32 {
      %get3A = arith.constant 0 : i32
      %get3A_453 = arith.index_cast %get3A : i32 to index
      %get3A_454 = arith.index_cast %scan3A_452 : i32 to index
      %get3A_455 = arith.constant 0 : index
      %get3A_456 = tpu.vector_load %arg8[%get3A_453, %get3A_454, %get3A_455] {strides = array<i32>} : memref<4x128x128xf32, #tpu.memory_space<vmem>>, vector<1x1x16xf32>,
      %get3A_457 = vector.shape_cast %get3A_456 : vector<1x1x16xf32> to vector<16xf32>
      %get3A_458 = arith.constant 0 : i32
      %get3A_459 = arith.index_cast %get3A_458 : i32 to index
      %get3A_460 = arith.index_cast %scan3A_452 : i32 to index
      %get3A_461 = arith.constant 0 : index
      %get3A_462 = tpu.vector_load %arg7[%get3A_459, %get3A_460, %get3A_461] {strides = array<i32>} : memref<2x128x128xf32, #tpu.memory_space<vmem>>, vector<1x1x16xf32>,
      %get3A_463 = vector.shape_cast %get3A_462 : vector<1x1x16xf32> to vector<16xf32>
      %add3A_464 = arith.addf %get3A_457, %get3A_463 : vector<16xf32>
      %swap3A = arith.constant 0 : i32
      %swap3A_465 = arith.index_cast %swap3A : i32 to index
      %swap3A_466 = arith.index_cast %scan3A_452 : i32 to index
      %swap3A_467 = arith.constant 0 : index
      %swap3A_468 = tpu.vector_load %arg8[%swap3A_465, %swap3A_466, %swap3A_467] {strides = array<i32>} : memref<4x128x128xf32, #tpu.memory_space<vmem>>, vector<1x1x16xf32>,
      %swap3A_469 = vector.shape_cast %swap3A_468 : vector<1x1x16xf32> to vector<16xf32>
      %swap3A_470 = vector.shape_cast %add3A_464 : vector<16xf32> to vector<1x1x16xf32>
      tpu.vector_store %arg8[%swap3A_465, %swap3A_466, %swap3A_467], %swap3A_470 {strides = array<i32>} : memref<4x128x128xf32, #tpu.memory_space<vmem>>, vector<1x1x16xf32>,
      %get3A_471 = arith.constant 0 : i32
      %get3A_472 = arith.index_cast %get3A_471 : i32 to index
      %get3A_473 = arith.index_cast %scan3A_452 : i32 to index
      %get3A_474 = arith.constant 16 : index
      %get3A_475 = tpu.vector_load %arg8[%get3A_472, %get3A_473, %get3A_474] {strides = array<i32>} : memref<4x128x128xf32, #tpu.memory_space<vmem>>, vector<1x1x16xf32>,
      %get3A_476 = vector.shape_cast %get3A_475 : vector<1x1x16xf32> to vector<16xf32>
      %get3A_477 = arith.constant 0 : i32
      %get3A_478 = arith.index_cast %get3A_477 : i32 to index
      %get3A_479 = arith.index_cast %scan3A_452 : i32 to index
      %get3A_480 = arith.constant 16 : index
      %get3A_481 = tpu.vector_load %arg7[%get3A_478, %get3A_479, %get3A_480] {strides = array<i32>} : memref<2x128x128xf32, #tpu.memory_space<vmem>>, vector<1x1x16xf32>,
      %get3A_482 = vector.shape_cast %get3A_481 : vector<1x1x16xf32> to vector<16xf32>
      %add3A_483 = arith.addf %get3A_476, %get3A_482 : vector<16xf32>
      %swap3A_484 = arith.constant 0 : i32
      %swap3A_485 = arith.index_cast %swap3A_484 : i32 to index
      %swap3A_486 = arith.index_cast %scan3A_452 : i32 to index
      %swap3A_487 = arith.constant 16 : index
      %swap3A_488 = tpu.vector_load %arg8[%swap3A_485, %swap3A_486, %swap3A_487] {strides = array<i32>} : memref<4x128x128xf32, #tpu.memory_space<vmem>>, vector<1x1x16xf32>,
      %swap3A_489 = vector.shape_cast %swap3A_488 : vector<1x1x16xf32> to vector<16xf32>
      %swap3A_490 = vector.shape_cast %add3A_483 : vector<16xf32> to vector<1x1x16xf32>
      tpu.vector_store %arg8[%swap3A_485, %swap3A_486, %swap3A_487], %swap3A_490 {strides = array<i32>} : memref<4x128x128xf32, #tpu.memory_space<vmem>>, vector<1x1x16xf32>,
      %get3A_491 = arith.constant 0 : i32
      %get3A_492 = arith.index_cast %get3A_491 : i32 to index
      %get3A_493 = arith.index_cast %scan3A_452 : i32 to index
      %get3A_494 = arith.constant 32 : index
      %get3A_495 = tpu.vector_load %arg8[%get3A_492, %get3A_493, %get3A_494] {strides = array<i32>} : memref<4x128x128xf32, #tpu.memory_space<vmem>>, vector<1x1x16xf32>,
      %get3A_496 = vector.shape_cast %get3A_495 : vector<1x1x16xf32> to vector<16xf32>
      %get3A_497 = arith.constant 0 : i32
      %get3A_498 = arith.index_cast %get3A_497 : i32 to index
      %get3A_499 = arith.index_cast %scan3A_452 : i32 to index
      %get3A_500 = arith.constant 32 : index
      %get3A_501 = tpu.vector_load %arg7[%get3A_498, %get3A_499, %get3A_500] {strides = array<i32>} : memref<2x128x128xf32, #tpu.memory_space<vmem>>, vector<1x1x16xf32>,
      %get3A_502 = vector.shape_cast %get3A_501 : vector<1x1x16xf32> to vector<16xf32>
      %add3A_503 = arith.addf %get3A_496, %get3A_502 : vector<16xf32>
      %swap3A_504 = arith.constant 0 : i32
      %swap3A_505 = arith.index_cast %swap3A_504 : i32 to index
      %swap3A_506 = arith.index_cast %scan3A_452 : i32 to index
      %swap3A_507 = arith.constant 32 : index
      %swap3A_508 = tpu.vector_load %arg8[%swap3A_505, %swap3A_506, %swap3A_507] {strides = array<i32>} : memref<4x128x128xf32, #tpu.memory_space<vmem>>, vector<1x1x16xf32>,
      %swap3A_509 = vector.shape_cast %swap3A_508 : vector<1x1x16xf32> to vector<16xf32>
      %swap3A_510 = vector.shape_cast %add3A_503 : vector<16xf32> to vector<1x1x16xf32>
      tpu.vector_store %arg8[%swap3A_505, %swap3A_506, %swap3A_507], %swap3A_510 {strides = array<i32>} : memref<4x128x128xf32, #tpu.memory_space<vmem>>, vector<1x1x16xf32>,
      %get3A_511 = arith.constant 0 : i32
      %get3A_512 = arith.index_cast %get3A_511 : i32 to index
      %get3A_513 = arith.index_cast %scan3A_452 : i32 to index
      %get3A_514 = arith.constant 48 : index
      %get3A_515 = tpu.vector_load %arg8[%get3A_512, %get3A_513, %get3A_514] {strides = array<i32>} : memref<4x128x128xf32, #tpu.memory_space<vmem>>, vector<1x1x16xf32>,
      %get3A_516 = vector.shape_cast %get3A_515 : vector<1x1x16xf32> to vector<16xf32>
      %get3A_517 = arith.constant 0 : i32
      %get3A_518 = arith.index_cast %get3A_517 : i32 to index
      %get3A_519 = arith.index_cast %scan3A_452 : i32 to index
      %get3A_520 = arith.constant 48 : index
      %get3A_521 = tpu.vector_load %arg7[%get3A_518, %get3A_519, %get3A_520] {strides = array<i32>} : memref<2x128x128xf32, #tpu.memory_space<vmem>>, vector<1x1x16xf32>,
      %get3A_522 = vector.shape_cast %get3A_521 : vector<1x1x16xf32> to vector<16xf32>
      %add3A_523 = arith.addf %get3A_516, %get3A_522 : vector<16xf32>
      %swap3A_524 = arith.constant 0 : i32
      %swap3A_525 = arith.index_cast %swap3A_524 : i32 to index
      %swap3A_526 = arith.index_cast %scan3A_452 : i32 to index
      %swap3A_527 = arith.constant 48 : index
      %swap3A_528 = tpu.vector_load %arg8[%swap3A_525, %swap3A_526, %swap3A_527] {strides = array<i32>} : memref<4x128x128xf32, #tpu.memory_space<vmem>>, vector<1x1x16xf32>,
      %swap3A_529 = vector.shape_cast %swap3A_528 : vector<1x1x16xf32> to vector<16xf32>
      %swap3A_530 = vector.shape_cast %add3A_523 : vector<16xf32> to vector<1x1x16xf32>
      tpu.vector_store %arg8[%swap3A_525, %swap3A_526, %swap3A_527], %swap3A_530 {strides = array<i32>} : memref<4x128x128xf32, #tpu.memory_space<vmem>>, vector<1x1x16xf32>,
      %get3A_531 = arith.constant 0 : i32
      %get3A_532 = arith.index_cast %get3A_531 : i32 to index
      %get3A_533 = arith.index_cast %scan3A_452 : i32 to index
      %get3A_534 = arith.constant 64 : index
      %get3A_535 = tpu.vector_load %arg8[%get3A_532, %get3A_533, %get3A_534] {strides = array<i32>} : memref<4x128x128xf32, #tpu.memory_space<vmem>>, vector<1x1x16xf32>,
      %get3A_536 = vector.shape_cast %get3A_535 : vector<1x1x16xf32> to vector<16xf32>
      %get3A_537 = arith.constant 0 : i32
      %get3A_538 = arith.index_cast %get3A_537 : i32 to index
      %get3A_539 = arith.index_cast %scan3A_452 : i32 to index
      %get3A_540 = arith.constant 64 : index
      %get3A_541 = tpu.vector_load %arg7[%get3A_538, %get3A_539, %get3A_540] {strides = array<i32>} : memref<2x128x128xf32, #tpu.memory_space<vmem>>, vector<1x1x16xf32>,
      %get3A_542 = vector.shape_cast %get3A_541 : vector<1x1x16xf32> to vector<16xf32>
      %add3A_543 = arith.addf %get3A_536, %get3A_542 : vector<16xf32>
      %swap3A_544 = arith.constant 0 : i32
      %swap3A_545 = arith.index_cast %swap3A_544 : i32 to index
      %swap3A_546 = arith.index_cast %scan3A_452 : i32 to index
      %swap3A_547 = arith.constant 64 : index
      %swap3A_548 = tpu.vector_load %arg8[%swap3A_545, %swap3A_546, %swap3A_547] {strides = array<i32>} : memref<4x128x128xf32, #tpu.memory_space<vmem>>, vector<1x1x16xf32>,
      %swap3A_549 = vector.shape_cast %swap3A_548 : vector<1x1x16xf32> to vector<16xf32>
      %swap3A_550 = vector.shape_cast %add3A_543 : vector<16xf32> to vector<1x1x16xf32>
      tpu.vector_store %arg8[%swap3A_545, %swap3A_546, %swap3A_547], %swap3A_550 {strides = array<i32>} : memref<4x128x128xf32, #tpu.memory_space<vmem>>, vector<1x1x16xf32>,
      %get3A_551 = arith.constant 0 : i32
      %get3A_552 = arith.index_cast %get3A_551 : i32 to index
      %get3A_553 = arith.index_cast %scan3A_452 : i32 to index
      %get3A_554 = arith.constant 80 : index
      %get3A_555 = tpu.vector_load %arg8[%get3A_552, %get3A_553, %get3A_554] {strides = array<i32>} : memref<4x128x128xf32, #tpu.memory_space<vmem>>, vector<1x1x16xf32>,
      %get3A_556 = vector.shape_cast %get3A_555 : vector<1x1x16xf32> to vector<16xf32>
      %get3A_557 = arith.constant 0 : i32
      %get3A_558 = arith.index_cast %get3A_557 : i32 to index
      %get3A_559 = arith.index_cast %scan3A_452 : i32 to index
      %get3A_560 = arith.constant 80 : index
      %get3A_561 = tpu.vector_load %arg7[%get3A_558, %get3A_559, %get3A_560] {strides = array<i32>} : memref<2x128x128xf32, #tpu.memory_space<vmem>>, vector<1x1x16xf32>,
      %get3A_562 = vector.shape_cast %get3A_561 : vector<1x1x16xf32> to vector<16xf32>
      %add3A_563 = arith.addf %get3A_556, %get3A_562 : vector<16xf32>
      %swap3A_564 = arith.constant 0 : i32
      %swap3A_565 = arith.index_cast %swap3A_564 : i32 to index
      %swap3A_566 = arith.index_cast %scan3A_452 : i32 to index
      %swap3A_567 = arith.constant 80 : index
      %swap3A_568 = tpu.vector_load %arg8[%swap3A_565, %swap3A_566, %swap3A_567] {strides = array<i32>} : memref<4x128x128xf32, #tpu.memory_space<vmem>>, vector<1x1x16xf32>,
      %swap3A_569 = vector.shape_cast %swap3A_568 : vector<1x1x16xf32> to vector<16xf32>
      %swap3A_570 = vector.shape_cast %add3A_563 : vector<16xf32> to vector<1x1x16xf32>
      tpu.vector_store %arg8[%swap3A_565, %swap3A_566, %swap3A_567], %swap3A_570 {strides = array<i32>} : memref<4x128x128xf32, #tpu.memory_space<vmem>>, vector<1x1x16xf32>,
      %get3A_571 = arith.constant 0 : i32
      %get3A_572 = arith.index_cast %get3A_571 : i32 to index
      %get3A_573 = arith.index_cast %scan3A_452 : i32 to index
      %get3A_574 = arith.constant 96 : index
      %get3A_575 = tpu.vector_load %arg8[%get3A_572, %get3A_573, %get3A_574] {strides = array<i32>} : memref<4x128x128xf32, #tpu.memory_space<vmem>>, vector<1x1x16xf32>,
      %get3A_576 = vector.shape_cast %get3A_575 : vector<1x1x16xf32> to vector<16xf32>
      %get3A_577 = arith.constant 0 : i32
      %get3A_578 = arith.index_cast %get3A_577 : i32 to index
      %get3A_579 = arith.index_cast %scan3A_452 : i32 to index
      %get3A_580 = arith.constant 96 : index
      %get3A_581 = tpu.vector_load %arg7[%get3A_578, %get3A_579, %get3A_580] {strides = array<i32>} : memref<2x128x128xf32, #tpu.memory_space<vmem>>, vector<1x1x16xf32>,
      %get3A_582 = vector.shape_cast %get3A_581 : vector<1x1x16xf32> to vector<16xf32>
      %add3A_583 = arith.addf %get3A_576, %get3A_582 : vector<16xf32>
      %swap3A_584 = arith.constant 0 : i32
      %swap3A_585 = arith.index_cast %swap3A_584 : i32 to index
      %swap3A_586 = arith.index_cast %scan3A_452 : i32 to index
      %swap3A_587 = arith.constant 96 : index
      %swap3A_588 = tpu.vector_load %arg8[%swap3A_585, %swap3A_586, %swap3A_587] {strides = array<i32>} : memref<4x128x128xf32, #tpu.memory_space<vmem>>, vector<1x1x16xf32>,
      %swap3A_589 = vector.shape_cast %swap3A_588 : vector<1x1x16xf32> to vector<16xf32>
      %swap3A_590 = vector.shape_cast %add3A_583 : vector<16xf32> to vector<1x1x16xf32>
      tpu.vector_store %arg8[%swap3A_585, %swap3A_586, %swap3A_587], %swap3A_590 {strides = array<i32>} : memref<4x128x128xf32, #tpu.memory_space<vmem>>, vector<1x1x16xf32>,
      %get3A_591 = arith.constant 0 : i32
      %get3A_592 = arith.index_cast %get3A_591 : i32 to index
      %get3A_593 = arith.index_cast %scan3A_452 : i32 to index
      %get3A_594 = arith.constant 112 : index
      %get3A_595 = tpu.vector_load %arg8[%get3A_592, %get3A_593, %get3A_594] {strides = array<i32>} : memref<4x128x128xf32, #tpu.memory_space<vmem>>, vector<1x1x16xf32>,
      %get3A_596 = vector.shape_cast %get3A_595 : vector<1x1x16xf32> to vector<16xf32>
      %get3A_597 = arith.constant 0 : i32
      %get3A_598 = arith.index_cast %get3A_597 : i32 to index
      %get3A_599 = arith.index_cast %scan3A_452 : i32 to index
      %get3A_600 = arith.constant 112 : index
      %get3A_601 = tpu.vector_load %arg7[%get3A_598, %get3A_599, %get3A_600] {strides = array<i32>} : memref<2x128x128xf32, #tpu.memory_space<vmem>>, vector<1x1x16xf32>,
      %get3A_602 = vector.shape_cast %get3A_601 : vector<1x1x16xf32> to vector<16xf32>
      %add3A_603 = arith.addf %get3A_596, %get3A_602 : vector<16xf32>
      %swap3A_604 = arith.constant 0 : i32
      %swap3A_605 = arith.index_cast %swap3A_604 : i32 to index
      %swap3A_606 = arith.index_cast %scan3A_452 : i32 to index
      %swap3A_607 = arith.constant 112 : index
      %swap3A_608 = tpu.vector_load %arg8[%swap3A_605, %swap3A_606, %swap3A_607] {strides = array<i32>} : memref<4x128x128xf32, #tpu.memory_space<vmem>>, vector<1x1x16xf32>,
      %swap3A_609 = vector.shape_cast %swap3A_608 : vector<1x1x16xf32> to vector<16xf32>
      %swap3A_610 = vector.shape_cast %add3A_603 : vector<16xf32> to vector<1x1x16xf32>
      tpu.vector_store %arg8[%swap3A_605, %swap3A_606, %swap3A_607], %swap3A_610 {strides = array<i32>} : memref<4x128x128xf32, #tpu.memory_space<vmem>>, vector<1x1x16xf32>,
    }
    %scan3A_88 = arith.constant 128 : i32
    %add3A_89 = arith.constant 0 : i32
    %add3A_90 = arith.addi %mul3A_2, %add3A_89 : i32
    %dma_start3A_91 = arith.constant 0 : i32
    %dma_start3A_92 = arith.constant 0 : i32
    %dma_start3A_93 = arith.constant 0 : i32
    %dma_start3A_94 = tpu.memref_slice %arg8[%dma_start3A_91, %dma_start3A_92, %dma_start3A_93] : memref<4x128x128xf32, #tpu.memory_space<vmem>> -> memref<1x128x128xf32, #tpu.memory_space<vmem>>
    %dma_start3A_95 = tpu.memref_squeeze %dma_start3A_94 : memref<1x128x128xf32, #tpu.memory_space<vmem>> -> memref<128x128xf32, #tpu.memory_space<vmem>>
    %dma_start3A_96 = arith.constant 0 : i32
    %dma_start3A_97 = tpu.memref_slice %arg5[%add3A_90, %dma_start3A_96] : memref<524288x128xf32, #tpu.memory_space<hbm>> -> memref<128x128xf32, #tpu.memory_space<hbm>>
    %dma_start3A_98 = arith.constant 0 : i32
    %dma_start3A_99 = tpu.memref_slice %arg5[%add3A_90, %dma_start3A_98] : memref<524288x128xf32, #tpu.memory_space<hbm>> -> memref<128x128xf32, #tpu.memory_space<hbm>>
    %dma_start3A_100 = arith.constant 0 : i32
    %dma_start3A_101 = arith.constant 0 : i32
    %dma_start3A_102 = tpu.memref_slice %arg8[%dma_start3A_91, %dma_start3A_100, %dma_start3A_101] : memref<4x128x128xf32, #tpu.memory_space<vmem>> -> memref<1x128x128xf32, #tpu.memory_space<vmem>>
    %dma_start3A_103 = tpu.memref_squeeze %dma_start3A_102 : memref<1x128x128xf32, #tpu.memory_space<vmem>> -> memref<128x128xf32, #tpu.memory_space<vmem>>
    tpu.enqueue_dma source(%dma_start3A_103 : memref<128x128xf32, #tpu.memory_space<vmem>>) target(%dma_start3A_99 : memref<128x128xf32, #tpu.memory_space<hbm>>) target_semaphore(%arg15 : memref<!tpu.dma_semaphore, #tpu.memory_space<semaphore_mem>>)
    %add3A_104 = arith.constant 256 : i32
    %add3A_105 = arith.addi %mul3A_2, %add3A_104 : i32
    %dma_start3A_106 = arith.constant 2 : i32
    %dma_start3A_107 = arith.constant 0 : i32
    %dma_start3A_108 = arith.constant 0 : i32
    %dma_start3A_109 = arith.constant 0 : i32
    %dma_start3A_110 = tpu.memref_slice %arg7[%dma_start3A_107, %dma_start3A_108, %dma_start3A_109] : memref<2x128x128xf32, #tpu.memory_space<vmem>> -> memref<1x128x128xf32, #tpu.memory_space<vmem>>
    %dma_start3A_111 = tpu.memref_squeeze %dma_start3A_110 : memref<1x128x128xf32, #tpu.memory_space<vmem>> -> memref<128x128xf32, #tpu.memory_space<vmem>>
    %dma_start3A_112 = arith.constant 0 : i32
    %dma_start3A_113 = tpu.memref_slice %arg6[%dma_start3A_106, %dma_start3A_112] : memref<128x128xi32, #tpu.memory_space<vmem>> -> memref<1x128xi32, #tpu.memory_space<vmem>>
    %dma_start3A_114 = tpu.memref_squeeze %dma_start3A_113 : memref<1x128xi32, #tpu.memory_space<vmem>> -> memref<128xi32, #tpu.memory_space<vmem>>
    %dma_start3A_115 = arith.constant 0 : i32
    %dma_start3A_116 = arith.constant 0 : i32
    %dma_start3A_117 = tpu.memref_slice %arg3[%dma_start3A_115, %dma_start3A_116] : memref<262144x128xf32, #tpu.memory_space<hbm>> -> memref<262144x128xf32, #tpu.memory_space<hbm>>
    tpu.enqueue_indirect_dma source(%dma_start3A_117 : memref<262144x128xf32, #tpu.memory_space<hbm>>) target(%dma_start3A_111 : memref<128x128xf32, #tpu.memory_space<vmem>>) offsets(%dma_start3A_114 : memref<128xi32, #tpu.memory_space<vmem>>) semaphore(%arg9 : memref<!tpu.dma_semaphore, #tpu.memory_space<semaphore_mem>>)
    %dma_start3A_118 = arith.constant 2 : i32
    %dma_start3A_119 = arith.constant 0 : i32
    %dma_start3A_120 = arith.constant 0 : i32
    %dma_start3A_121 = tpu.memref_slice %arg8[%dma_start3A_118, %dma_start3A_119, %dma_start3A_120] : memref<4x128x128xf32, #tpu.memory_space<vmem>> -> memref<1x128x128xf32, #tpu.memory_space<vmem>>
    %dma_start3A_122 = tpu.memref_squeeze %dma_start3A_121 : memref<1x128x128xf32, #tpu.memory_space<vmem>> -> memref<128x128xf32, #tpu.memory_space<vmem>>
    %dma_start3A_123 = arith.constant 0 : i32
    %dma_start3A_124 = tpu.memref_slice %arg2[%add3A_105, %dma_start3A_123] : memref<524288x128xf32, #tpu.memory_space<hbm>> -> memref<128x128xf32, #tpu.memory_space<hbm>>
    %dma_start3A_125 = arith.constant 0 : i32
    %dma_start3A_126 = arith.constant 0 : i32
    %dma_start3A_127 = tpu.memref_slice %arg8[%dma_start3A_118, %dma_start3A_125, %dma_start3A_126] : memref<4x128x128xf32, #tpu.memory_space<vmem>> -> memref<1x128x128xf32, #tpu.memory_space<vmem>>
    %dma_start3A_128 = tpu.memref_squeeze %dma_start3A_127 : memref<1x128x128xf32, #tpu.memory_space<vmem>> -> memref<128x128xf32, #tpu.memory_space<vmem>>
    %dma_start3A_129 = arith.constant 0 : i32
    %dma_start3A_130 = tpu.memref_slice %arg2[%add3A_105, %dma_start3A_129] : memref<524288x128xf32, #tpu.memory_space<hbm>> -> memref<128x128xf32, #tpu.memory_space<hbm>>
    tpu.enqueue_dma source(%dma_start3A_130 : memref<128x128xf32, #tpu.memory_space<hbm>>) target(%dma_start3A_128 : memref<128x128xf32, #tpu.memory_space<vmem>>) target_semaphore(%arg13 : memref<!tpu.dma_semaphore, #tpu.memory_space<semaphore_mem>>)
    %add3A_131 = arith.constant 128 : i32
    %add3A_132 = arith.addi %mul3A_2, %add3A_131 : i32
    %dma_wait3A_133 = arith.constant 1 : i32
    %dma_wait3A_134 = arith.constant 1 : i32
    %dma_wait3A_135 = arith.constant 0 : i32
    %dma_wait3A_136 = arith.constant 0 : i32
    %dma_wait3A_137 = tpu.memref_slice %arg7[%dma_wait3A_134, %dma_wait3A_135, %dma_wait3A_136] : memref<2x128x128xf32, #tpu.memory_space<vmem>> -> memref<1x128x128xf32, #tpu.memory_space<vmem>>
    %dma_wait3A_138 = tpu.memref_squeeze %dma_wait3A_137 : memref<1x128x128xf32, #tpu.memory_space<vmem>> -> memref<128x128xf32, #tpu.memory_space<vmem>>
    %dma_wait3A_139 = arith.constant 0 : i32
    %dma_wait3A_140 = tpu.memref_slice %arg6[%dma_wait3A_133, %dma_wait3A_139] : memref<128x128xi32, #tpu.memory_space<vmem>> -> memref<1x128xi32, #tpu.memory_space<vmem>>
    %dma_wait3A_141 = tpu.memref_squeeze %dma_wait3A_140 : memref<1x128xi32, #tpu.memory_space<vmem>> -> memref<128xi32, #tpu.memory_space<vmem>>
    %dma_wait3A_142 = arith.constant 0 : i32
    %dma_wait3A_143 = arith.constant 0 : i32
    %dma_wait3A_144 = tpu.memref_slice %arg3[%dma_wait3A_142, %dma_wait3A_143] : memref<262144x128xf32, #tpu.memory_space<hbm>> -> memref<262144x128xf32, #tpu.memory_space<hbm>>
    tpu.wait_indirect_dma semaphore(%arg10 : memref<!tpu.dma_semaphore, #tpu.memory_space<semaphore_mem>>) src(%dma_wait3A_144 : memref<262144x128xf32, #tpu.memory_space<hbm>>) dst(%dma_wait3A_138 : memref<128x128xf32, #tpu.memory_space<vmem>>)
    %dma_wait3A_145 = arith.constant 1 : i32
    %dma_wait3A_146 = arith.constant 0 : i32
    %dma_wait3A_147 = arith.constant 0 : i32
    %dma_wait3A_148 = tpu.memref_slice %arg8[%dma_wait3A_145, %dma_wait3A_146, %dma_wait3A_147] : memref<4x128x128xf32, #tpu.memory_space<vmem>> -> memref<1x128x128xf32, #tpu.memory_space<vmem>>
    %dma_wait3A_149 = tpu.memref_squeeze %dma_wait3A_148 : memref<1x128x128xf32, #tpu.memory_space<vmem>> -> memref<128x128xf32, #tpu.memory_space<vmem>>
    %dma_wait3A_150 = arith.constant 0 : i32
    %dma_wait3A_151 = tpu.memref_slice %arg2[%add3A_132, %dma_wait3A_150] : memref<524288x128xf32, #tpu.memory_space<hbm>> -> memref<128x128xf32, #tpu.memory_space<hbm>>
    %dma_wait3A_152 = arith.constant 0 : i32
    %dma_wait3A_153 = arith.constant 0 : i32
    %dma_wait3A_154 = tpu.memref_slice %arg8[%dma_wait3A_145, %dma_wait3A_152, %dma_wait3A_153] : memref<4x128x128xf32, #tpu.memory_space<vmem>> -> memref<1x128x128xf32, #tpu.memory_space<vmem>>
    %dma_wait3A_155 = tpu.memref_squeeze %dma_wait3A_154 : memref<1x128x128xf32, #tpu.memory_space<vmem>> -> memref<128x128xf32, #tpu.memory_space<vmem>>
    %dma_wait3A_156 = arith.constant 0 : i32
    %dma_wait3A_157 = tpu.memref_slice %arg2[%add3A_132, %dma_wait3A_156] : memref<524288x128xf32, #tpu.memory_space<hbm>> -> memref<128x128xf32, #tpu.memory_space<hbm>>
    tpu.wait_dma2 semaphore(%arg12 : memref<!tpu.dma_semaphore, #tpu.memory_space<semaphore_mem>>) src(%dma_wait3A_157 : memref<128x128xf32, #tpu.memory_space<hbm>>) dst(%dma_wait3A_155 : memref<128x128xf32, #tpu.memory_space<vmem>>)
    %scan3A_158 = arith.constant 0 : i32
    %scan3A_159 = arith.constant 0 : i32
    %scan3A_160 = arith.constant 128 : i32
    %scan3A_161 = arith.addi %scan3A_159, %scan3A_160 : i32
    %scan3A_162 = arith.constant 1 : i32
    scf.for %scan3A_452 = %scan3A_159 to %scan3A_161 step %scan3A_162  : i32 {
      %get3A = arith.constant 1 : i32
      %get3A_453 = arith.index_cast %get3A : i32 to index
      %get3A_454 = arith.index_cast %scan3A_452 : i32 to index
      %get3A_455 = arith.constant 0 : index
      %get3A_456 = tpu.vector_load %arg8[%get3A_453, %get3A_454, %get3A_455] {strides = array<i32>} : memref<4x128x128xf32, #tpu.memory_space<vmem>>, vector<1x1x16xf32>,
      %get3A_457 = vector.shape_cast %get3A_456 : vector<1x1x16xf32> to vector<16xf32>
      %get3A_458 = arith.constant 1 : i32
      %get3A_459 = arith.index_cast %get3A_458 : i32 to index
      %get3A_460 = arith.index_cast %scan3A_452 : i32 to index
      %get3A_461 = arith.constant 0 : index
      %get3A_462 = tpu.vector_load %arg7[%get3A_459, %get3A_460, %get3A_461] {strides = array<i32>} : memref<2x128x128xf32, #tpu.memory_space<vmem>>, vector<1x1x16xf32>,
      %get3A_463 = vector.shape_cast %get3A_462 : vector<1x1x16xf32> to vector<16xf32>
      %add3A_464 = arith.addf %get3A_457, %get3A_463 : vector<16xf32>
      %swap3A = arith.constant 1 : i32
      %swap3A_465 = arith.index_cast %swap3A : i32 to index
      %swap3A_466 = arith.index_cast %scan3A_452 : i32 to index
      %swap3A_467 = arith.constant 0 : index
      %swap3A_468 = tpu.vector_load %arg8[%swap3A_465, %swap3A_466, %swap3A_467] {strides = array<i32>} : memref<4x128x128xf32, #tpu.memory_space<vmem>>, vector<1x1x16xf32>,
      %swap3A_469 = vector.shape_cast %swap3A_468 : vector<1x1x16xf32> to vector<16xf32>
      %swap3A_470 = vector.shape_cast %add3A_464 : vector<16xf32> to vector<1x1x16xf32>
      tpu.vector_store %arg8[%swap3A_465, %swap3A_466, %swap3A_467], %swap3A_470 {strides = array<i32>} : memref<4x128x128xf32, #tpu.memory_space<vmem>>, vector<1x1x16xf32>,
      %get3A_471 = arith.constant 1 : i32
      %get3A_472 = arith.index_cast %get3A_471 : i32 to index
      %get3A_473 = arith.index_cast %scan3A_452 : i32 to index
      %get3A_474 = arith.constant 16 : index
      %get3A_475 = tpu.vector_load %arg8[%get3A_472, %get3A_473, %get3A_474] {strides = array<i32>} : memref<4x128x128xf32, #tpu.memory_space<vmem>>, vector<1x1x16xf32>,
      %get3A_476 = vector.shape_cast %get3A_475 : vector<1x1x16xf32> to vector<16xf32>
      %get3A_477 = arith.constant 1 : i32
      %get3A_478 = arith.index_cast %get3A_477 : i32 to index
      %get3A_479 = arith.index_cast %scan3A_452 : i32 to index
      %get3A_480 = arith.constant 16 : index
      %get3A_481 = tpu.vector_load %arg7[%get3A_478, %get3A_479, %get3A_480] {strides = array<i32>} : memref<2x128x128xf32, #tpu.memory_space<vmem>>, vector<1x1x16xf32>,
      %get3A_482 = vector.shape_cast %get3A_481 : vector<1x1x16xf32> to vector<16xf32>
      %add3A_483 = arith.addf %get3A_476, %get3A_482 : vector<16xf32>
      %swap3A_484 = arith.constant 1 : i32
      %swap3A_485 = arith.index_cast %swap3A_484 : i32 to index
      %swap3A_486 = arith.index_cast %scan3A_452 : i32 to index
      %swap3A_487 = arith.constant 16 : index
      %swap3A_488 = tpu.vector_load %arg8[%swap3A_485, %swap3A_486, %swap3A_487] {strides = array<i32>} : memref<4x128x128xf32, #tpu.memory_space<vmem>>, vector<1x1x16xf32>,
      %swap3A_489 = vector.shape_cast %swap3A_488 : vector<1x1x16xf32> to vector<16xf32>
      %swap3A_490 = vector.shape_cast %add3A_483 : vector<16xf32> to vector<1x1x16xf32>
      tpu.vector_store %arg8[%swap3A_485, %swap3A_486, %swap3A_487], %swap3A_490 {strides = array<i32>} : memref<4x128x128xf32, #tpu.memory_space<vmem>>, vector<1x1x16xf32>,
      %get3A_491 = arith.constant 1 : i32
      %get3A_492 = arith.index_cast %get3A_491 : i32 to index
      %get3A_493 = arith.index_cast %scan3A_452 : i32 to index
      %get3A_494 = arith.constant 32 : index
      %get3A_495 = tpu.vector_load %arg8[%get3A_492, %get3A_493, %get3A_494] {strides = array<i32>} : memref<4x128x128xf32, #tpu.memory_space<vmem>>, vector<1x1x16xf32>,
      %get3A_496 = vector.shape_cast %get3A_495 : vector<1x1x16xf32> to vector<16xf32>
      %get3A_497 = arith.constant 1 : i32
      %get3A_498 = arith.index_cast %get3A_497 : i32 to index
      %get3A_499 = arith.index_cast %scan3A_452 : i32 to index
      %get3A_500 = arith.constant 32 : index
      %get3A_501 = tpu.vector_load %arg7[%get3A_498, %get3A_499, %get3A_500] {strides = array<i32>} : memref<2x128x128xf32, #tpu.memory_space<vmem>>, vector<1x1x16xf32>,
      %get3A_502 = vector.shape_cast %get3A_501 : vector<1x1x16xf32> to vector<16xf32>
      %add3A_503 = arith.addf %get3A_496, %get3A_502 : vector<16xf32>
      %swap3A_504 = arith.constant 1 : i32
      %swap3A_505 = arith.index_cast %swap3A_504 : i32 to index
      %swap3A_506 = arith.index_cast %scan3A_452 : i32 to index
      %swap3A_507 = arith.constant 32 : index
      %swap3A_508 = tpu.vector_load %arg8[%swap3A_505, %swap3A_506, %swap3A_507] {strides = array<i32>} : memref<4x128x128xf32, #tpu.memory_space<vmem>>, vector<1x1x16xf32>,
      %swap3A_509 = vector.shape_cast %swap3A_508 : vector<1x1x16xf32> to vector<16xf32>
      %swap3A_510 = vector.shape_cast %add3A_503 : vector<16xf32> to vector<1x1x16xf32>
      tpu.vector_store %arg8[%swap3A_505, %swap3A_506, %swap3A_507], %swap3A_510 {strides = array<i32>} : memref<4x128x128xf32, #tpu.memory_space<vmem>>, vector<1x1x16xf32>,
      %get3A_511 = arith.constant 1 : i32
      %get3A_512 = arith.index_cast %get3A_511 : i32 to index
      %get3A_513 = arith.index_cast %scan3A_452 : i32 to index
      %get3A_514 = arith.constant 48 : index
      %get3A_515 = tpu.vector_load %arg8[%get3A_512, %get3A_513, %get3A_514] {strides = array<i32>} : memref<4x128x128xf32, #tpu.memory_space<vmem>>, vector<1x1x16xf32>,
      %get3A_516 = vector.shape_cast %get3A_515 : vector<1x1x16xf32> to vector<16xf32>
      %get3A_517 = arith.constant 1 : i32
      %get3A_518 = arith.index_cast %get3A_517 : i32 to index
      %get3A_519 = arith.index_cast %scan3A_452 : i32 to index
      %get3A_520 = arith.constant 48 : index
      %get3A_521 = tpu.vector_load %arg7[%get3A_518, %get3A_519, %get3A_520] {strides = array<i32>} : memref<2x128x128xf32, #tpu.memory_space<vmem>>, vector<1x1x16xf32>,
      %get3A_522 = vector.shape_cast %get3A_521 : vector<1x1x16xf32> to vector<16xf32>
      %add3A_523 = arith.addf %get3A_516, %get3A_522 : vector<16xf32>
      %swap3A_524 = arith.constant 1 : i32
      %swap3A_525 = arith.index_cast %swap3A_524 : i32 to index
      %swap3A_526 = arith.index_cast %scan3A_452 : i32 to index
      %swap3A_527 = arith.constant 48 : index
      %swap3A_528 = tpu.vector_load %arg8[%swap3A_525, %swap3A_526, %swap3A_527] {strides = array<i32>} : memref<4x128x128xf32, #tpu.memory_space<vmem>>, vector<1x1x16xf32>,
      %swap3A_529 = vector.shape_cast %swap3A_528 : vector<1x1x16xf32> to vector<16xf32>
      %swap3A_530 = vector.shape_cast %add3A_523 : vector<16xf32> to vector<1x1x16xf32>
      tpu.vector_store %arg8[%swap3A_525, %swap3A_526, %swap3A_527], %swap3A_530 {strides = array<i32>} : memref<4x128x128xf32, #tpu.memory_space<vmem>>, vector<1x1x16xf32>,
      %get3A_531 = arith.constant 1 : i32
      %get3A_532 = arith.index_cast %get3A_531 : i32 to index
      %get3A_533 = arith.index_cast %scan3A_452 : i32 to index
      %get3A_534 = arith.constant 64 : index
      %get3A_535 = tpu.vector_load %arg8[%get3A_532, %get3A_533, %get3A_534] {strides = array<i32>} : memref<4x128x128xf32, #tpu.memory_space<vmem>>, vector<1x1x16xf32>,
      %get3A_536 = vector.shape_cast %get3A_535 : vector<1x1x16xf32> to vector<16xf32>
      %get3A_537 = arith.constant 1 : i32
      %get3A_538 = arith.index_cast %get3A_537 : i32 to index
      %get3A_539 = arith.index_cast %scan3A_452 : i32 to index
      %get3A_540 = arith.constant 64 : index
      %get3A_541 = tpu.vector_load %arg7[%get3A_538, %get3A_539, %get3A_540] {strides = array<i32>} : memref<2x128x128xf32, #tpu.memory_space<vmem>>, vector<1x1x16xf32>,
      %get3A_542 = vector.shape_cast %get3A_541 : vector<1x1x16xf32> to vector<16xf32>
      %add3A_543 = arith.addf %get3A_536, %get3A_542 : vector<16xf32>
      %swap3A_544 = arith.constant 1 : i32
      %swap3A_545 = arith.index_cast %swap3A_544 : i32 to index
      %swap3A_546 = arith.index_cast %scan3A_452 : i32 to index
      %swap3A_547 = arith.constant 64 : index
      %swap3A_548 = tpu.vector_load %arg8[%swap3A_545, %swap3A_546, %swap3A_547] {strides = array<i32>} : memref<4x128x128xf32, #tpu.memory_space<vmem>>, vector<1x1x16xf32>,
      %swap3A_549 = vector.shape_cast %swap3A_548 : vector<1x1x16xf32> to vector<16xf32>
      %swap3A_550 = vector.shape_cast %add3A_543 : vector<16xf32> to vector<1x1x16xf32>
      tpu.vector_store %arg8[%swap3A_545, %swap3A_546, %swap3A_547], %swap3A_550 {strides = array<i32>} : memref<4x128x128xf32, #tpu.memory_space<vmem>>, vector<1x1x16xf32>,
      %get3A_551 = arith.constant 1 : i32
      %get3A_552 = arith.index_cast %get3A_551 : i32 to index
      %get3A_553 = arith.index_cast %scan3A_452 : i32 to index
      %get3A_554 = arith.constant 80 : index
      %get3A_555 = tpu.vector_load %arg8[%get3A_552, %get3A_553, %get3A_554] {strides = array<i32>} : memref<4x128x128xf32, #tpu.memory_space<vmem>>, vector<1x1x16xf32>,
      %get3A_556 = vector.shape_cast %get3A_555 : vector<1x1x16xf32> to vector<16xf32>
      %get3A_557 = arith.constant 1 : i32
      %get3A_558 = arith.index_cast %get3A_557 : i32 to index
      %get3A_559 = arith.index_cast %scan3A_452 : i32 to index
      %get3A_560 = arith.constant 80 : index
      %get3A_561 = tpu.vector_load %arg7[%get3A_558, %get3A_559, %get3A_560] {strides = array<i32>} : memref<2x128x128xf32, #tpu.memory_space<vmem>>, vector<1x1x16xf32>,
      %get3A_562 = vector.shape_cast %get3A_561 : vector<1x1x16xf32> to vector<16xf32>
      %add3A_563 = arith.addf %get3A_556, %get3A_562 : vector<16xf32>
      %swap3A_564 = arith.constant 1 : i32
      %swap3A_565 = arith.index_cast %swap3A_564 : i32 to index
      %swap3A_566 = arith.index_cast %scan3A_452 : i32 to index
      %swap3A_567 = arith.constant 80 : index
      %swap3A_568 = tpu.vector_load %arg8[%swap3A_565, %swap3A_566, %swap3A_567] {strides = array<i32>} : memref<4x128x128xf32, #tpu.memory_space<vmem>>, vector<1x1x16xf32>,
      %swap3A_569 = vector.shape_cast %swap3A_568 : vector<1x1x16xf32> to vector<16xf32>
      %swap3A_570 = vector.shape_cast %add3A_563 : vector<16xf32> to vector<1x1x16xf32>
      tpu.vector_store %arg8[%swap3A_565, %swap3A_566, %swap3A_567], %swap3A_570 {strides = array<i32>} : memref<4x128x128xf32, #tpu.memory_space<vmem>>, vector<1x1x16xf32>,
      %get3A_571 = arith.constant 1 : i32
      %get3A_572 = arith.index_cast %get3A_571 : i32 to index
      %get3A_573 = arith.index_cast %scan3A_452 : i32 to index
      %get3A_574 = arith.constant 96 : index
      %get3A_575 = tpu.vector_load %arg8[%get3A_572, %get3A_573, %get3A_574] {strides = array<i32>} : memref<4x128x128xf32, #tpu.memory_space<vmem>>, vector<1x1x16xf32>,
      %get3A_576 = vector.shape_cast %get3A_575 : vector<1x1x16xf32> to vector<16xf32>
      %get3A_577 = arith.constant 1 : i32
      %get3A_578 = arith.index_cast %get3A_577 : i32 to index
      %get3A_579 = arith.index_cast %scan3A_452 : i32 to index
      %get3A_580 = arith.constant 96 : index
      %get3A_581 = tpu.vector_load %arg7[%get3A_578, %get3A_579, %get3A_580] {strides = array<i32>} : memref<2x128x128xf32, #tpu.memory_space<vmem>>, vector<1x1x16xf32>,
      %get3A_582 = vector.shape_cast %get3A_581 : vector<1x1x16xf32> to vector<16xf32>
      %add3A_583 = arith.addf %get3A_576, %get3A_582 : vector<16xf32>
      %swap3A_584 = arith.constant 1 : i32
      %swap3A_585 = arith.index_cast %swap3A_584 : i32 to index
      %swap3A_586 = arith.index_cast %scan3A_452 : i32 to index
      %swap3A_587 = arith.constant 96 : index
      %swap3A_588 = tpu.vector_load %arg8[%swap3A_585, %swap3A_586, %swap3A_587] {strides = array<i32>} : memref<4x128x128xf32, #tpu.memory_space<vmem>>, vector<1x1x16xf32>,
      %swap3A_589 = vector.shape_cast %swap3A_588 : vector<1x1x16xf32> to vector<16xf32>
      %swap3A_590 = vector.shape_cast %add3A_583 : vector<16xf32> to vector<1x1x16xf32>
      tpu.vector_store %arg8[%swap3A_585, %swap3A_586, %swap3A_587], %swap3A_590 {strides = array<i32>} : memref<4x128x128xf32, #tpu.memory_space<vmem>>, vector<1x1x16xf32>,
      %get3A_591 = arith.constant 1 : i32
      %get3A_592 = arith.index_cast %get3A_591 : i32 to index
      %get3A_593 = arith.index_cast %scan3A_452 : i32 to index
      %get3A_594 = arith.constant 112 : index
      %get3A_595 = tpu.vector_load %arg8[%get3A_592, %get3A_593, %get3A_594] {strides = array<i32>} : memref<4x128x128xf32, #tpu.memory_space<vmem>>, vector<1x1x16xf32>,
      %get3A_596 = vector.shape_cast %get3A_595 : vector<1x1x16xf32> to vector<16xf32>
      %get3A_597 = arith.constant 1 : i32
      %get3A_598 = arith.index_cast %get3A_597 : i32 to index
      %get3A_599 = arith.index_cast %scan3A_452 : i32 to index
      %get3A_600 = arith.constant 112 : index
      %get3A_601 = tpu.vector_load %arg7[%get3A_598, %get3A_599, %get3A_600] {strides = array<i32>} : memref<2x128x128xf32, #tpu.memory_space<vmem>>, vector<1x1x16xf32>,
      %get3A_602 = vector.shape_cast %get3A_601 : vector<1x1x16xf32> to vector<16xf32>
      %add3A_603 = arith.addf %get3A_596, %get3A_602 : vector<16xf32>
      %swap3A_604 = arith.constant 1 : i32
      %swap3A_605 = arith.index_cast %swap3A_604 : i32 to index
      %swap3A_606 = arith.index_cast %scan3A_452 : i32 to index
      %swap3A_607 = arith.constant 112 : index
      %swap3A_608 = tpu.vector_load %arg8[%swap3A_605, %swap3A_606, %swap3A_607] {strides = array<i32>} : memref<4x128x128xf32, #tpu.memory_space<vmem>>, vector<1x1x16xf32>,
      %swap3A_609 = vector.shape_cast %swap3A_608 : vector<1x1x16xf32> to vector<16xf32>
      %swap3A_610 = vector.shape_cast %add3A_603 : vector<16xf32> to vector<1x1x16xf32>
      tpu.vector_store %arg8[%swap3A_605, %swap3A_606, %swap3A_607], %swap3A_610 {strides = array<i32>} : memref<4x128x128xf32, #tpu.memory_space<vmem>>, vector<1x1x16xf32>,
    }
    %scan3A_163 = arith.constant 128 : i32
    %add3A_164 = arith.constant 128 : i32
    %add3A_165 = arith.addi %mul3A_2, %add3A_164 : i32
    %dma_start3A_166 = arith.constant 1 : i32
    %dma_start3A_167 = arith.constant 0 : i32
    %dma_start3A_168 = arith.constant 0 : i32
    %dma_start3A_169 = tpu.memref_slice %arg8[%dma_start3A_166, %dma_start3A_167, %dma_start3A_168] : memref<4x128x128xf32, #tpu.memory_space<vmem>> -> memref<1x128x128xf32, #tpu.memory_space<vmem>>
    %dma_start3A_170 = tpu.memref_squeeze %dma_start3A_169 : memref<1x128x128xf32, #tpu.memory_space<vmem>> -> memref<128x128xf32, #tpu.memory_space<vmem>>
    %dma_start3A_171 = arith.constant 0 : i32
    %dma_start3A_172 = tpu.memref_slice %arg5[%add3A_165, %dma_start3A_171] : memref<524288x128xf32, #tpu.memory_space<hbm>> -> memref<128x128xf32, #tpu.memory_space<hbm>>
    %dma_start3A_173 = arith.constant 0 : i32
    %dma_start3A_174 = tpu.memref_slice %arg5[%add3A_165, %dma_start3A_173] : memref<524288x128xf32, #tpu.memory_space<hbm>> -> memref<128x128xf32, #tpu.memory_space<hbm>>
    %dma_start3A_175 = arith.constant 0 : i32
    %dma_start3A_176 = arith.constant 0 : i32
    %dma_start3A_177 = tpu.memref_slice %arg8[%dma_start3A_166, %dma_start3A_175, %dma_start3A_176] : memref<4x128x128xf32, #tpu.memory_space<vmem>> -> memref<1x128x128xf32, #tpu.memory_space<vmem>>
    %dma_start3A_178 = tpu.memref_squeeze %dma_start3A_177 : memref<1x128x128xf32, #tpu.memory_space<vmem>> -> memref<128x128xf32, #tpu.memory_space<vmem>>
    tpu.enqueue_dma source(%dma_start3A_178 : memref<128x128xf32, #tpu.memory_space<vmem>>) target(%dma_start3A_174 : memref<128x128xf32, #tpu.memory_space<hbm>>) target_semaphore(%arg16 : memref<!tpu.dma_semaphore, #tpu.memory_space<semaphore_mem>>)
    %add3A_179 = arith.constant 384 : i32
    %add3A_180 = arith.addi %mul3A_2, %add3A_179 : i32
    %dma_start3A_181 = arith.constant 3 : i32
    %dma_start3A_182 = arith.constant 1 : i32
    %dma_start3A_183 = arith.constant 0 : i32
    %dma_start3A_184 = arith.constant 0 : i32
    %dma_start3A_185 = tpu.memref_slice %arg7[%dma_start3A_182, %dma_start3A_183, %dma_start3A_184] : memref<2x128x128xf32, #tpu.memory_space<vmem>> -> memref<1x128x128xf32, #tpu.memory_space<vmem>>
    %dma_start3A_186 = tpu.memref_squeeze %dma_start3A_185 : memref<1x128x128xf32, #tpu.memory_space<vmem>> -> memref<128x128xf32, #tpu.memory_space<vmem>>
    %dma_start3A_187 = arith.constant 0 : i32
    %dma_start3A_188 = tpu.memref_slice %arg6[%dma_start3A_181, %dma_start3A_187] : memref<128x128xi32, #tpu.memory_space<vmem>> -> memref<1x128xi32, #tpu.memory_space<vmem>>
    %dma_start3A_189 = tpu.memref_squeeze %dma_start3A_188 : memref<1x128xi32, #tpu.memory_space<vmem>> -> memref<128xi32, #tpu.memory_space<vmem>>
    %dma_start3A_190 = arith.constant 0 : i32
    %dma_start3A_191 = arith.constant 0 : i32
    %dma_start3A_192 = tpu.memref_slice %arg3[%dma_start3A_190, %dma_start3A_191] : memref<262144x128xf32, #tpu.memory_space<hbm>> -> memref<262144x128xf32, #tpu.memory_space<hbm>>
    tpu.enqueue_indirect_dma source(%dma_start3A_192 : memref<262144x128xf32, #tpu.memory_space<hbm>>) target(%dma_start3A_186 : memref<128x128xf32, #tpu.memory_space<vmem>>) offsets(%dma_start3A_189 : memref<128xi32, #tpu.memory_space<vmem>>) semaphore(%arg10 : memref<!tpu.dma_semaphore, #tpu.memory_space<semaphore_mem>>)
    %dma_start3A_193 = arith.constant 3 : i32
    %dma_start3A_194 = arith.constant 0 : i32
    %dma_start3A_195 = arith.constant 0 : i32
    %dma_start3A_196 = tpu.memref_slice %arg8[%dma_start3A_193, %dma_start3A_194, %dma_start3A_195] : memref<4x128x128xf32, #tpu.memory_space<vmem>> -> memref<1x128x128xf32, #tpu.memory_space<vmem>>
    %dma_start3A_197 = tpu.memref_squeeze %dma_start3A_196 : memref<1x128x128xf32, #tpu.memory_space<vmem>> -> memref<128x128xf32, #tpu.memory_space<vmem>>
    %dma_start3A_198 = arith.constant 0 : i32
    %dma_start3A_199 = tpu.memref_slice %arg2[%add3A_180, %dma_start3A_198] : memref<524288x128xf32, #tpu.memory_space<hbm>> -> memref<128x128xf32, #tpu.memory_space<hbm>>
    %dma_start3A_200 = arith.constant 0 : i32
    %dma_start3A_201 = arith.constant 0 : i32
    %dma_start3A_202 = tpu.memref_slice %arg8[%dma_start3A_193, %dma_start3A_200, %dma_start3A_201] : memref<4x128x128xf32, #tpu.memory_space<vmem>> -> memref<1x128x128xf32, #tpu.memory_space<vmem>>
    %dma_start3A_203 = tpu.memref_squeeze %dma_start3A_202 : memref<1x128x128xf32, #tpu.memory_space<vmem>> -> memref<128x128xf32, #tpu.memory_space<vmem>>
    %dma_start3A_204 = arith.constant 0 : i32
    %dma_start3A_205 = tpu.memref_slice %arg2[%add3A_180, %dma_start3A_204] : memref<524288x128xf32, #tpu.memory_space<hbm>> -> memref<128x128xf32, #tpu.memory_space<hbm>>
    tpu.enqueue_dma source(%dma_start3A_205 : memref<128x128xf32, #tpu.memory_space<hbm>>) target(%dma_start3A_203 : memref<128x128xf32, #tpu.memory_space<vmem>>) target_semaphore(%arg14 : memref<!tpu.dma_semaphore, #tpu.memory_space<semaphore_mem>>)
    %add3A_206 = arith.constant 256 : i32
    %add3A_207 = arith.addi %mul3A_2, %add3A_206 : i32
    %dma_wait3A_208 = arith.constant 2 : i32
    %dma_wait3A_209 = arith.constant 0 : i32
    %dma_wait3A_210 = arith.constant 0 : i32
    %dma_wait3A_211 = arith.constant 0 : i32
    %dma_wait3A_212 = tpu.memref_slice %arg7[%dma_wait3A_209, %dma_wait3A_210, %dma_wait3A_211] : memref<2x128x128xf32, #tpu.memory_space<vmem>> -> memref<1x128x128xf32, #tpu.memory_space<vmem>>
    %dma_wait3A_213 = tpu.memref_squeeze %dma_wait3A_212 : memref<1x128x128xf32, #tpu.memory_space<vmem>> -> memref<128x128xf32, #tpu.memory_space<vmem>>
    %dma_wait3A_214 = arith.constant 0 : i32
    %dma_wait3A_215 = tpu.memref_slice %arg6[%dma_wait3A_208, %dma_wait3A_214] : memref<128x128xi32, #tpu.memory_space<vmem>> -> memref<1x128xi32, #tpu.memory_space<vmem>>
    %dma_wait3A_216 = tpu.memref_squeeze %dma_wait3A_215 : memref<1x128xi32, #tpu.memory_space<vmem>> -> memref<128xi32, #tpu.memory_space<vmem>>
    %dma_wait3A_217 = arith.constant 0 : i32
    %dma_wait3A_218 = arith.constant 0 : i32
    %dma_wait3A_219 = tpu.memref_slice %arg3[%dma_wait3A_217, %dma_wait3A_218] : memref<262144x128xf32, #tpu.memory_space<hbm>> -> memref<262144x128xf32, #tpu.memory_space<hbm>>
    tpu.wait_indirect_dma semaphore(%arg9 : memref<!tpu.dma_semaphore, #tpu.memory_space<semaphore_mem>>) src(%dma_wait3A_219 : memref<262144x128xf32, #tpu.memory_space<hbm>>) dst(%dma_wait3A_213 : memref<128x128xf32, #tpu.memory_space<vmem>>)
    %dma_wait3A_220 = arith.constant 2 : i32
    %dma_wait3A_221 = arith.constant 0 : i32
    %dma_wait3A_222 = arith.constant 0 : i32
    %dma_wait3A_223 = tpu.memref_slice %arg8[%dma_wait3A_220, %dma_wait3A_221, %dma_wait3A_222] : memref<4x128x128xf32, #tpu.memory_space<vmem>> -> memref<1x128x128xf32, #tpu.memory_space<vmem>>
    %dma_wait3A_224 = tpu.memref_squeeze %dma_wait3A_223 : memref<1x128x128xf32, #tpu.memory_space<vmem>> -> memref<128x128xf32, #tpu.memory_space<vmem>>
    %dma_wait3A_225 = arith.constant 0 : i32
    %dma_wait3A_226 = tpu.memref_slice %arg2[%add3A_207, %dma_wait3A_225] : memref<524288x128xf32, #tpu.memory_space<hbm>> -> memref<128x128xf32, #tpu.memory_space<hbm>>
    %dma_wait3A_227 = arith.constant 0 : i32
    %dma_wait3A_228 = arith.constant 0 : i32
    %dma_wait3A_229 = tpu.memref_slice %arg8[%dma_wait3A_220, %dma_wait3A_227, %dma_wait3A_228] : memref<4x128x128xf32, #tpu.memory_space<vmem>> -> memref<1x128x128xf32, #tpu.memory_space<vmem>>
    %dma_wait3A_230 = tpu.memref_squeeze %dma_wait3A_229 : memref<1x128x128xf32, #tpu.memory_space<vmem>> -> memref<128x128xf32, #tpu.memory_space<vmem>>
    %dma_wait3A_231 = arith.constant 0 : i32
    %dma_wait3A_232 = tpu.memref_slice %arg2[%add3A_207, %dma_wait3A_231] : memref<524288x128xf32, #tpu.memory_space<hbm>> -> memref<128x128xf32, #tpu.memory_space<hbm>>
    tpu.wait_dma2 semaphore(%arg13 : memref<!tpu.dma_semaphore, #tpu.memory_space<semaphore_mem>>) src(%dma_wait3A_232 : memref<128x128xf32, #tpu.memory_space<hbm>>) dst(%dma_wait3A_230 : memref<128x128xf32, #tpu.memory_space<vmem>>)
    %scan3A_233 = arith.constant 0 : i32
    %scan3A_234 = arith.constant 0 : i32
    %scan3A_235 = arith.constant 128 : i32
    %scan3A_236 = arith.addi %scan3A_234, %scan3A_235 : i32
    %scan3A_237 = arith.constant 1 : i32
    scf.for %scan3A_452 = %scan3A_234 to %scan3A_236 step %scan3A_237  : i32 {
      %get3A = arith.constant 2 : i32
      %get3A_453 = arith.index_cast %get3A : i32 to index
      %get3A_454 = arith.index_cast %scan3A_452 : i32 to index
      %get3A_455 = arith.constant 0 : index
      %get3A_456 = tpu.vector_load %arg8[%get3A_453, %get3A_454, %get3A_455] {strides = array<i32>} : memref<4x128x128xf32, #tpu.memory_space<vmem>>, vector<1x1x16xf32>,
      %get3A_457 = vector.shape_cast %get3A_456 : vector<1x1x16xf32> to vector<16xf32>
      %get3A_458 = arith.constant 0 : i32
      %get3A_459 = arith.index_cast %get3A_458 : i32 to index
      %get3A_460 = arith.index_cast %scan3A_452 : i32 to index
      %get3A_461 = arith.constant 0 : index
      %get3A_462 = tpu.vector_load %arg7[%get3A_459, %get3A_460, %get3A_461] {strides = array<i32>} : memref<2x128x128xf32, #tpu.memory_space<vmem>>, vector<1x1x16xf32>,
      %get3A_463 = vector.shape_cast %get3A_462 : vector<1x1x16xf32> to vector<16xf32>
      %add3A_464 = arith.addf %get3A_457, %get3A_463 : vector<16xf32>
      %swap3A = arith.constant 2 : i32
      %swap3A_465 = arith.index_cast %swap3A : i32 to index
      %swap3A_466 = arith.index_cast %scan3A_452 : i32 to index
      %swap3A_467 = arith.constant 0 : index
      %swap3A_468 = tpu.vector_load %arg8[%swap3A_465, %swap3A_466, %swap3A_467] {strides = array<i32>} : memref<4x128x128xf32, #tpu.memory_space<vmem>>, vector<1x1x16xf32>,
      %swap3A_469 = vector.shape_cast %swap3A_468 : vector<1x1x16xf32> to vector<16xf32>
      %swap3A_470 = vector.shape_cast %add3A_464 : vector<16xf32> to vector<1x1x16xf32>
      tpu.vector_store %arg8[%swap3A_465, %swap3A_466, %swap3A_467], %swap3A_470 {strides = array<i32>} : memref<4x128x128xf32, #tpu.memory_space<vmem>>, vector<1x1x16xf32>,
      %get3A_471 = arith.constant 2 : i32
      %get3A_472 = arith.index_cast %get3A_471 : i32 to index
      %get3A_473 = arith.index_cast %scan3A_452 : i32 to index
      %get3A_474 = arith.constant 16 : index
      %get3A_475 = tpu.vector_load %arg8[%get3A_472, %get3A_473, %get3A_474] {strides = array<i32>} : memref<4x128x128xf32, #tpu.memory_space<vmem>>, vector<1x1x16xf32>,
      %get3A_476 = vector.shape_cast %get3A_475 : vector<1x1x16xf32> to vector<16xf32>
      %get3A_477 = arith.constant 0 : i32
      %get3A_478 = arith.index_cast %get3A_477 : i32 to index
      %get3A_479 = arith.index_cast %scan3A_452 : i32 to index
      %get3A_480 = arith.constant 16 : index
      %get3A_481 = tpu.vector_load %arg7[%get3A_478, %get3A_479, %get3A_480] {strides = array<i32>} : memref<2x128x128xf32, #tpu.memory_space<vmem>>, vector<1x1x16xf32>,
      %get3A_482 = vector.shape_cast %get3A_481 : vector<1x1x16xf32> to vector<16xf32>
      %add3A_483 = arith.addf %get3A_476, %get3A_482 : vector<16xf32>
      %swap3A_484 = arith.constant 2 : i32
      %swap3A_485 = arith.index_cast %swap3A_484 : i32 to index
      %swap3A_486 = arith.index_cast %scan3A_452 : i32 to index
      %swap3A_487 = arith.constant 16 : index
      %swap3A_488 = tpu.vector_load %arg8[%swap3A_485, %swap3A_486, %swap3A_487] {strides = array<i32>} : memref<4x128x128xf32, #tpu.memory_space<vmem>>, vector<1x1x16xf32>,
      %swap3A_489 = vector.shape_cast %swap3A_488 : vector<1x1x16xf32> to vector<16xf32>
      %swap3A_490 = vector.shape_cast %add3A_483 : vector<16xf32> to vector<1x1x16xf32>
      tpu.vector_store %arg8[%swap3A_485, %swap3A_486, %swap3A_487], %swap3A_490 {strides = array<i32>} : memref<4x128x128xf32, #tpu.memory_space<vmem>>, vector<1x1x16xf32>,
      %get3A_491 = arith.constant 2 : i32
      %get3A_492 = arith.index_cast %get3A_491 : i32 to index
      %get3A_493 = arith.index_cast %scan3A_452 : i32 to index
      %get3A_494 = arith.constant 32 : index
      %get3A_495 = tpu.vector_load %arg8[%get3A_492, %get3A_493, %get3A_494] {strides = array<i32>} : memref<4x128x128xf32, #tpu.memory_space<vmem>>, vector<1x1x16xf32>,
      %get3A_496 = vector.shape_cast %get3A_495 : vector<1x1x16xf32> to vector<16xf32>
      %get3A_497 = arith.constant 0 : i32
      %get3A_498 = arith.index_cast %get3A_497 : i32 to index
      %get3A_499 = arith.index_cast %scan3A_452 : i32 to index
      %get3A_500 = arith.constant 32 : index
      %get3A_501 = tpu.vector_load %arg7[%get3A_498, %get3A_499, %get3A_500] {strides = array<i32>} : memref<2x128x128xf32, #tpu.memory_space<vmem>>, vector<1x1x16xf32>,
      %get3A_502 = vector.shape_cast %get3A_501 : vector<1x1x16xf32> to vector<16xf32>
      %add3A_503 = arith.addf %get3A_496, %get3A_502 : vector<16xf32>
      %swap3A_504 = arith.constant 2 : i32
      %swap3A_505 = arith.index_cast %swap3A_504 : i32 to index
      %swap3A_506 = arith.index_cast %scan3A_452 : i32 to index
      %swap3A_507 = arith.constant 32 : index
      %swap3A_508 = tpu.vector_load %arg8[%swap3A_505, %swap3A_506, %swap3A_507] {strides = array<i32>} : memref<4x128x128xf32, #tpu.memory_space<vmem>>, vector<1x1x16xf32>,
      %swap3A_509 = vector.shape_cast %swap3A_508 : vector<1x1x16xf32> to vector<16xf32>
      %swap3A_510 = vector.shape_cast %add3A_503 : vector<16xf32> to vector<1x1x16xf32>
      tpu.vector_store %arg8[%swap3A_505, %swap3A_506, %swap3A_507], %swap3A_510 {strides = array<i32>} : memref<4x128x128xf32, #tpu.memory_space<vmem>>, vector<1x1x16xf32>,
      %get3A_511 = arith.constant 2 : i32
      %get3A_512 = arith.index_cast %get3A_511 : i32 to index
      %get3A_513 = arith.index_cast %scan3A_452 : i32 to index
      %get3A_514 = arith.constant 48 : index
      %get3A_515 = tpu.vector_load %arg8[%get3A_512, %get3A_513, %get3A_514] {strides = array<i32>} : memref<4x128x128xf32, #tpu.memory_space<vmem>>, vector<1x1x16xf32>,
      %get3A_516 = vector.shape_cast %get3A_515 : vector<1x1x16xf32> to vector<16xf32>
      %get3A_517 = arith.constant 0 : i32
      %get3A_518 = arith.index_cast %get3A_517 : i32 to index
      %get3A_519 = arith.index_cast %scan3A_452 : i32 to index
      %get3A_520 = arith.constant 48 : index
      %get3A_521 = tpu.vector_load %arg7[%get3A_518, %get3A_519, %get3A_520] {strides = array<i32>} : memref<2x128x128xf32, #tpu.memory_space<vmem>>, vector<1x1x16xf32>,
      %get3A_522 = vector.shape_cast %get3A_521 : vector<1x1x16xf32> to vector<16xf32>
      %add3A_523 = arith.addf %get3A_516, %get3A_522 : vector<16xf32>
      %swap3A_524 = arith.constant 2 : i32
      %swap3A_525 = arith.index_cast %swap3A_524 : i32 to index
      %swap3A_526 = arith.index_cast %scan3A_452 : i32 to index
      %swap3A_527 = arith.constant 48 : index
      %swap3A_528 = tpu.vector_load %arg8[%swap3A_525, %swap3A_526, %swap3A_527] {strides = array<i32>} : memref<4x128x128xf32, #tpu.memory_space<vmem>>, vector<1x1x16xf32>,
      %swap3A_529 = vector.shape_cast %swap3A_528 : vector<1x1x16xf32> to vector<16xf32>
      %swap3A_530 = vector.shape_cast %add3A_523 : vector<16xf32> to vector<1x1x16xf32>
      tpu.vector_store %arg8[%swap3A_525, %swap3A_526, %swap3A_527], %swap3A_530 {strides = array<i32>} : memref<4x128x128xf32, #tpu.memory_space<vmem>>, vector<1x1x16xf32>,
      %get3A_531 = arith.constant 2 : i32
      %get3A_532 = arith.index_cast %get3A_531 : i32 to index
      %get3A_533 = arith.index_cast %scan3A_452 : i32 to index
      %get3A_534 = arith.constant 64 : index
      %get3A_535 = tpu.vector_load %arg8[%get3A_532, %get3A_533, %get3A_534] {strides = array<i32>} : memref<4x128x128xf32, #tpu.memory_space<vmem>>, vector<1x1x16xf32>,
      %get3A_536 = vector.shape_cast %get3A_535 : vector<1x1x16xf32> to vector<16xf32>
      %get3A_537 = arith.constant 0 : i32
      %get3A_538 = arith.index_cast %get3A_537 : i32 to index
      %get3A_539 = arith.index_cast %scan3A_452 : i32 to index
      %get3A_540 = arith.constant 64 : index
      %get3A_541 = tpu.vector_load %arg7[%get3A_538, %get3A_539, %get3A_540] {strides = array<i32>} : memref<2x128x128xf32, #tpu.memory_space<vmem>>, vector<1x1x16xf32>,
      %get3A_542 = vector.shape_cast %get3A_541 : vector<1x1x16xf32> to vector<16xf32>
      %add3A_543 = arith.addf %get3A_536, %get3A_542 : vector<16xf32>
      %swap3A_544 = arith.constant 2 : i32
      %swap3A_545 = arith.index_cast %swap3A_544 : i32 to index
      %swap3A_546 = arith.index_cast %scan3A_452 : i32 to index
      %swap3A_547 = arith.constant 64 : index
      %swap3A_548 = tpu.vector_load %arg8[%swap3A_545, %swap3A_546, %swap3A_547] {strides = array<i32>} : memref<4x128x128xf32, #tpu.memory_space<vmem>>, vector<1x1x16xf32>,
      %swap3A_549 = vector.shape_cast %swap3A_548 : vector<1x1x16xf32> to vector<16xf32>
      %swap3A_550 = vector.shape_cast %add3A_543 : vector<16xf32> to vector<1x1x16xf32>
      tpu.vector_store %arg8[%swap3A_545, %swap3A_546, %swap3A_547], %swap3A_550 {strides = array<i32>} : memref<4x128x128xf32, #tpu.memory_space<vmem>>, vector<1x1x16xf32>,
      %get3A_551 = arith.constant 2 : i32
      %get3A_552 = arith.index_cast %get3A_551 : i32 to index
      %get3A_553 = arith.index_cast %scan3A_452 : i32 to index
      %get3A_554 = arith.constant 80 : index
      %get3A_555 = tpu.vector_load %arg8[%get3A_552, %get3A_553, %get3A_554] {strides = array<i32>} : memref<4x128x128xf32, #tpu.memory_space<vmem>>, vector<1x1x16xf32>,
      %get3A_556 = vector.shape_cast %get3A_555 : vector<1x1x16xf32> to vector<16xf32>
      %get3A_557 = arith.constant 0 : i32
      %get3A_558 = arith.index_cast %get3A_557 : i32 to index
      %get3A_559 = arith.index_cast %scan3A_452 : i32 to index
      %get3A_560 = arith.constant 80 : index
      %get3A_561 = tpu.vector_load %arg7[%get3A_558, %get3A_559, %get3A_560] {strides = array<i32>} : memref<2x128x128xf32, #tpu.memory_space<vmem>>, vector<1x1x16xf32>,
      %get3A_562 = vector.shape_cast %get3A_561 : vector<1x1x16xf32> to vector<16xf32>
      %add3A_563 = arith.addf %get3A_556, %get3A_562 : vector<16xf32>
      %swap3A_564 = arith.constant 2 : i32
      %swap3A_565 = arith.index_cast %swap3A_564 : i32 to index
      %swap3A_566 = arith.index_cast %scan3A_452 : i32 to index
      %swap3A_567 = arith.constant 80 : index
      %swap3A_568 = tpu.vector_load %arg8[%swap3A_565, %swap3A_566, %swap3A_567] {strides = array<i32>} : memref<4x128x128xf32, #tpu.memory_space<vmem>>, vector<1x1x16xf32>,
      %swap3A_569 = vector.shape_cast %swap3A_568 : vector<1x1x16xf32> to vector<16xf32>
      %swap3A_570 = vector.shape_cast %add3A_563 : vector<16xf32> to vector<1x1x16xf32>
      tpu.vector_store %arg8[%swap3A_565, %swap3A_566, %swap3A_567], %swap3A_570 {strides = array<i32>} : memref<4x128x128xf32, #tpu.memory_space<vmem>>, vector<1x1x16xf32>,
      %get3A_571 = arith.constant 2 : i32
      %get3A_572 = arith.index_cast %get3A_571 : i32 to index
      %get3A_573 = arith.index_cast %scan3A_452 : i32 to index
      %get3A_574 = arith.constant 96 : index
      %get3A_575 = tpu.vector_load %arg8[%get3A_572, %get3A_573, %get3A_574] {strides = array<i32>} : memref<4x128x128xf32, #tpu.memory_space<vmem>>, vector<1x1x16xf32>,
      %get3A_576 = vector.shape_cast %get3A_575 : vector<1x1x16xf32> to vector<16xf32>
      %get3A_577 = arith.constant 0 : i32
      %get3A_578 = arith.index_cast %get3A_577 : i32 to index
      %get3A_579 = arith.index_cast %scan3A_452 : i32 to index
      %get3A_580 = arith.constant 96 : index
      %get3A_581 = tpu.vector_load %arg7[%get3A_578, %get3A_579, %get3A_580] {strides = array<i32>} : memref<2x128x128xf32, #tpu.memory_space<vmem>>, vector<1x1x16xf32>,
      %get3A_582 = vector.shape_cast %get3A_581 : vector<1x1x16xf32> to vector<16xf32>
      %add3A_583 = arith.addf %get3A_576, %get3A_582 : vector<16xf32>
      %swap3A_584 = arith.constant 2 : i32
      %swap3A_585 = arith.index_cast %swap3A_584 : i32 to index
      %swap3A_586 = arith.index_cast %scan3A_452 : i32 to index
      %swap3A_587 = arith.constant 96 : index
      %swap3A_588 = tpu.vector_load %arg8[%swap3A_585, %swap3A_586, %swap3A_587] {strides = array<i32>} : memref<4x128x128xf32, #tpu.memory_space<vmem>>, vector<1x1x16xf32>,
      %swap3A_589 = vector.shape_cast %swap3A_588 : vector<1x1x16xf32> to vector<16xf32>
      %swap3A_590 = vector.shape_cast %add3A_583 : vector<16xf32> to vector<1x1x16xf32>
      tpu.vector_store %arg8[%swap3A_585, %swap3A_586, %swap3A_587], %swap3A_590 {strides = array<i32>} : memref<4x128x128xf32, #tpu.memory_space<vmem>>, vector<1x1x16xf32>,
      %get3A_591 = arith.constant 2 : i32
      %get3A_592 = arith.index_cast %get3A_591 : i32 to index
      %get3A_593 = arith.index_cast %scan3A_452 : i32 to index
      %get3A_594 = arith.constant 112 : index
      %get3A_595 = tpu.vector_load %arg8[%get3A_592, %get3A_593, %get3A_594] {strides = array<i32>} : memref<4x128x128xf32, #tpu.memory_space<vmem>>, vector<1x1x16xf32>,
      %get3A_596 = vector.shape_cast %get3A_595 : vector<1x1x16xf32> to vector<16xf32>
      %get3A_597 = arith.constant 0 : i32
      %get3A_598 = arith.index_cast %get3A_597 : i32 to index
      %get3A_599 = arith.index_cast %scan3A_452 : i32 to index
      %get3A_600 = arith.constant 112 : index
      %get3A_601 = tpu.vector_load %arg7[%get3A_598, %get3A_599, %get3A_600] {strides = array<i32>} : memref<2x128x128xf32, #tpu.memory_space<vmem>>, vector<1x1x16xf32>,
      %get3A_602 = vector.shape_cast %get3A_601 : vector<1x1x16xf32> to vector<16xf32>
      %add3A_603 = arith.addf %get3A_596, %get3A_602 : vector<16xf32>
      %swap3A_604 = arith.constant 2 : i32
      %swap3A_605 = arith.index_cast %swap3A_604 : i32 to index
      %swap3A_606 = arith.index_cast %scan3A_452 : i32 to index
      %swap3A_607 = arith.constant 112 : index
      %swap3A_608 = tpu.vector_load %arg8[%swap3A_605, %swap3A_606, %swap3A_607] {strides = array<i32>} : memref<4x128x128xf32, #tpu.memory_space<vmem>>, vector<1x1x16xf32>,
      %swap3A_609 = vector.shape_cast %swap3A_608 : vector<1x1x16xf32> to vector<16xf32>
      %swap3A_610 = vector.shape_cast %add3A_603 : vector<16xf32> to vector<1x1x16xf32>
      tpu.vector_store %arg8[%swap3A_605, %swap3A_606, %swap3A_607], %swap3A_610 {strides = array<i32>} : memref<4x128x128xf32, #tpu.memory_space<vmem>>, vector<1x1x16xf32>,
    }
    %scan3A_238 = arith.constant 128 : i32
    %add3A_239 = arith.constant 256 : i32
    %add3A_240 = arith.addi %mul3A_2, %add3A_239 : i32
    %dma_start3A_241 = arith.constant 2 : i32
    %dma_start3A_242 = arith.constant 0 : i32
    %dma_start3A_243 = arith.constant 0 : i32
    %dma_start3A_244 = tpu.memref_slice %arg8[%dma_start3A_241, %dma_start3A_242, %dma_start3A_243] : memref<4x128x128xf32, #tpu.memory_space<vmem>> -> memref<1x128x128xf32, #tpu.memory_space<vmem>>
    %dma_start3A_245 = tpu.memref_squeeze %dma_start3A_244 : memref<1x128x128xf32, #tpu.memory_space<vmem>> -> memref<128x128xf32, #tpu.memory_space<vmem>>
    %dma_start3A_246 = arith.constant 0 : i32
    %dma_start3A_247 = tpu.memref_slice %arg5[%add3A_240, %dma_start3A_246] : memref<524288x128xf32, #tpu.memory_space<hbm>> -> memref<128x128xf32, #tpu.memory_space<hbm>>
    %dma_start3A_248 = arith.constant 0 : i32
    %dma_start3A_249 = tpu.memref_slice %arg5[%add3A_240, %dma_start3A_248] : memref<524288x128xf32, #tpu.memory_space<hbm>> -> memref<128x128xf32, #tpu.memory_space<hbm>>
    %dma_start3A_250 = arith.constant 0 : i32
    %dma_start3A_251 = arith.constant 0 : i32
    %dma_start3A_252 = tpu.memref_slice %arg8[%dma_start3A_241, %dma_start3A_250, %dma_start3A_251] : memref<4x128x128xf32, #tpu.memory_space<vmem>> -> memref<1x128x128xf32, #tpu.memory_space<vmem>>
    %dma_start3A_253 = tpu.memref_squeeze %dma_start3A_252 : memref<1x128x128xf32, #tpu.memory_space<vmem>> -> memref<128x128xf32, #tpu.memory_space<vmem>>
    tpu.enqueue_dma source(%dma_start3A_253 : memref<128x128xf32, #tpu.memory_space<vmem>>) target(%dma_start3A_249 : memref<128x128xf32, #tpu.memory_space<hbm>>) target_semaphore(%arg17 : memref<!tpu.dma_semaphore, #tpu.memory_space<semaphore_mem>>)
    %add3A_254 = arith.constant 0 : i32
    %add3A_255 = arith.addi %mul3A_2, %add3A_254 : i32
    %dma_wait3A_256 = arith.constant 0 : i32
    %dma_wait3A_257 = arith.constant 0 : i32
    %dma_wait3A_258 = arith.constant 0 : i32
    %dma_wait3A_259 = tpu.memref_slice %arg8[%dma_wait3A_256, %dma_wait3A_257, %dma_wait3A_258] : memref<4x128x128xf32, #tpu.memory_space<vmem>> -> memref<1x128x128xf32, #tpu.memory_space<vmem>>
    %dma_wait3A_260 = tpu.memref_squeeze %dma_wait3A_259 : memref<1x128x128xf32, #tpu.memory_space<vmem>> -> memref<128x128xf32, #tpu.memory_space<vmem>>
    %dma_wait3A_261 = arith.constant 0 : i32
    %dma_wait3A_262 = tpu.memref_slice %arg5[%add3A_255, %dma_wait3A_261] : memref<524288x128xf32, #tpu.memory_space<hbm>> -> memref<128x128xf32, #tpu.memory_space<hbm>>
    %dma_wait3A_263 = arith.constant 0 : i32
    %dma_wait3A_264 = tpu.memref_slice %arg5[%add3A_255, %dma_wait3A_263] : memref<524288x128xf32, #tpu.memory_space<hbm>> -> memref<128x128xf32, #tpu.memory_space<hbm>>
    %dma_wait3A_265 = arith.constant 0 : i32
    %dma_wait3A_266 = arith.constant 0 : i32
    %dma_wait3A_267 = tpu.memref_slice %arg8[%dma_wait3A_256, %dma_wait3A_265, %dma_wait3A_266] : memref<4x128x128xf32, #tpu.memory_space<vmem>> -> memref<1x128x128xf32, #tpu.memory_space<vmem>>
    %dma_wait3A_268 = tpu.memref_squeeze %dma_wait3A_267 : memref<1x128x128xf32, #tpu.memory_space<vmem>> -> memref<128x128xf32, #tpu.memory_space<vmem>>
    tpu.wait_dma2 semaphore(%arg15 : memref<!tpu.dma_semaphore, #tpu.memory_space<semaphore_mem>>) src(%dma_wait3A_268 : memref<128x128xf32, #tpu.memory_space<vmem>>) dst(%dma_wait3A_264 : memref<128x128xf32, #tpu.memory_space<hbm>>)
    %add3A_269 = arith.constant 512 : i32
    %add3A_270 = arith.addi %mul3A_2, %add3A_269 : i32
    %dma_start3A_271 = arith.constant 4 : i32
    %dma_start3A_272 = arith.constant 0 : i32
    %dma_start3A_273 = arith.constant 0 : i32
    %dma_start3A_274 = arith.constant 0 : i32
    %dma_start3A_275 = tpu.memref_slice %arg7[%dma_start3A_272, %dma_start3A_273, %dma_start3A_274] : memref<2x128x128xf32, #tpu.memory_space<vmem>> -> memref<1x128x128xf32, #tpu.memory_space<vmem>>
    %dma_start3A_276 = tpu.memref_squeeze %dma_start3A_275 : memref<1x128x128xf32, #tpu.memory_space<vmem>> -> memref<128x128xf32, #tpu.memory_space<vmem>>
    %dma_start3A_277 = arith.constant 0 : i32
    %dma_start3A_278 = tpu.memref_slice %arg6[%dma_start3A_271, %dma_start3A_277] : memref<128x128xi32, #tpu.memory_space<vmem>> -> memref<1x128xi32, #tpu.memory_space<vmem>>
    %dma_start3A_279 = tpu.memref_squeeze %dma_start3A_278 : memref<1x128xi32, #tpu.memory_space<vmem>> -> memref<128xi32, #tpu.memory_space<vmem>>
    %dma_start3A_280 = arith.constant 0 : i32
    %dma_start3A_281 = arith.constant 0 : i32
    %dma_start3A_282 = tpu.memref_slice %arg3[%dma_start3A_280, %dma_start3A_281] : memref<262144x128xf32, #tpu.memory_space<hbm>> -> memref<262144x128xf32, #tpu.memory_space<hbm>>
    tpu.enqueue_indirect_dma source(%dma_start3A_282 : memref<262144x128xf32, #tpu.memory_space<hbm>>) target(%dma_start3A_276 : memref<128x128xf32, #tpu.memory_space<vmem>>) offsets(%dma_start3A_279 : memref<128xi32, #tpu.memory_space<vmem>>) semaphore(%arg9 : memref<!tpu.dma_semaphore, #tpu.memory_space<semaphore_mem>>)
    %dma_start3A_283 = arith.constant 0 : i32
    %dma_start3A_284 = arith.constant 0 : i32
    %dma_start3A_285 = arith.constant 0 : i32
    %dma_start3A_286 = tpu.memref_slice %arg8[%dma_start3A_283, %dma_start3A_284, %dma_start3A_285] : memref<4x128x128xf32, #tpu.memory_space<vmem>> -> memref<1x128x128xf32, #tpu.memory_space<vmem>>
    %dma_start3A_287 = tpu.memref_squeeze %dma_start3A_286 : memref<1x128x128xf32, #tpu.memory_space<vmem>> -> memref<128x128xf32, #tpu.memory_space<vmem>>
    %dma_start3A_288 = arith.constant 0 : i32
    %dma_start3A_289 = tpu.memref_slice %arg2[%add3A_270, %dma_start3A_288] : memref<524288x128xf32, #tpu.memory_space<hbm>> -> memref<128x128xf32, #tpu.memory_space<hbm>>
    %dma_start3A_290 = arith.constant 0 : i32
    %dma_start3A_291 = arith.constant 0 : i32
    %dma_start3A_292 = tpu.memref_slice %arg8[%dma_start3A_283, %dma_start3A_290, %dma_start3A_291] : memref<4x128x128xf32, #tpu.memory_space<vmem>> -> memref<1x128x128xf32, #tpu.memory_space<vmem>>
    %dma_start3A_293 = tpu.memref_squeeze %dma_start3A_292 : memref<1x128x128xf32, #tpu.memory_space<vmem>> -> memref<128x128xf32, #tpu.memory_space<vmem>>
    %dma_start3A_294 = arith.constant 0 : i32
    %dma_start3A_295 = tpu.memref_slice %arg2[%add3A_270, %dma_start3A_294] : memref<524288x128xf32, #tpu.memory_space<hbm>> -> memref<128x128xf32, #tpu.memory_space<hbm>>
    tpu.enqueue_dma source(%dma_start3A_295 : memref<128x128xf32, #tpu.memory_space<hbm>>) target(%dma_start3A_293 : memref<128x128xf32, #tpu.memory_space<vmem>>) target_semaphore(%arg11 : memref<!tpu.dma_semaphore, #tpu.memory_space<semaphore_mem>>)
    %add3A_296 = arith.constant 384 : i32
    %add3A_297 = arith.addi %mul3A_2, %add3A_296 : i32
    %dma_wait3A_298 = arith.constant 3 : i32
    %dma_wait3A_299 = arith.constant 1 : i32
    %dma_wait3A_300 = arith.constant 0 : i32
    %dma_wait3A_301 = arith.constant 0 : i32
    %dma_wait3A_302 = tpu.memref_slice %arg7[%dma_wait3A_299, %dma_wait3A_300, %dma_wait3A_301] : memref<2x128x128xf32, #tpu.memory_space<vmem>> -> memref<1x128x128xf32, #tpu.memory_space<vmem>>
    %dma_wait3A_303 = tpu.memref_squeeze %dma_wait3A_302 : memref<1x128x128xf32, #tpu.memory_space<vmem>> -> memref<128x128xf32, #tpu.memory_space<vmem>>
    %dma_wait3A_304 = arith.constant 0 : i32
    %dma_wait3A_305 = tpu.memref_slice %arg6[%dma_wait3A_298, %dma_wait3A_304] : memref<128x128xi32, #tpu.memory_space<vmem>> -> memref<1x128xi32, #tpu.memory_space<vmem>>
    %dma_wait3A_306 = tpu.memref_squeeze %dma_wait3A_305 : memref<1x128xi32, #tpu.memory_space<vmem>> -> memref<128xi32, #tpu.memory_space<vmem>>
    %dma_wait3A_307 = arith.constant 0 : i32
    %dma_wait3A_308 = arith.constant 0 : i32
    %dma_wait3A_309 = tpu.memref_slice %arg3[%dma_wait3A_307, %dma_wait3A_308] : memref<262144x128xf32, #tpu.memory_space<hbm>> -> memref<262144x128xf32, #tpu.memory_space<hbm>>
    tpu.wait_indirect_dma semaphore(%arg10 : memref<!tpu.dma_semaphore, #tpu.memory_space<semaphore_mem>>) src(%dma_wait3A_309 : memref<262144x128xf32, #tpu.memory_space<hbm>>) dst(%dma_wait3A_303 : memref<128x128xf32, #tpu.memory_space<vmem>>)
    %dma_wait3A_310 = arith.constant 3 : i32
    %dma_wait3A_311 = arith.constant 0 : i32
    %dma_wait3A_312 = arith.constant 0 : i32
    %dma_wait3A_313 = tpu.memref_slice %arg8[%dma_wait3A_310, %dma_wait3A_311, %dma_wait3A_312] : memref<4x128x128xf32, #tpu.memory_space<vmem>> -> memref<1x128x128xf32, #tpu.memory_space<vmem>>
    %dma_wait3A_314 = tpu.memref_squeeze %dma_wait3A_313 : memref<1x128x128xf32, #tpu.memory_space<vmem>> -> memref<128x128xf32, #tpu.memory_space<vmem>>
    %dma_wait3A_315 = arith.constant 0 : i32
    %dma_wait3A_316 = tpu.memref_slice %arg2[%add3A_297, %dma_wait3A_315] : memref<524288x128xf32, #tpu.memory_space<hbm>> -> memref<128x128xf32, #tpu.memory_space<hbm>>
    %dma_wait3A_317 = arith.constant 0 : i32
    %dma_wait3A_318 = arith.constant 0 : i32
    %dma_wait3A_319 = tpu.memref_slice %arg8[%dma_wait3A_310, %dma_wait3A_317, %dma_wait3A_318] : memref<4x128x128xf32, #tpu.memory_space<vmem>> -> memref<1x128x128xf32, #tpu.memory_space<vmem>>
    %dma_wait3A_320 = tpu.memref_squeeze %dma_wait3A_319 : memref<1x128x128xf32, #tpu.memory_space<vmem>> -> memref<128x128xf32, #tpu.memory_space<vmem>>
    %dma_wait3A_321 = arith.constant 0 : i32
    %dma_wait3A_322 = tpu.memref_slice %arg2[%add3A_297, %dma_wait3A_321] : memref<524288x128xf32, #tpu.memory_space<hbm>> -> memref<128x128xf32, #tpu.memory_space<hbm>>
    tpu.wait_dma2 semaphore(%arg14 : memref<!tpu.dma_semaphore, #tpu.memory_space<semaphore_mem>>) src(%dma_wait3A_322 : memref<128x128xf32, #tpu.memory_space<hbm>>) dst(%dma_wait3A_320 : memref<128x128xf32, #tpu.memory_space<vmem>>)
    %scan3A_323 = arith.constant 0 : i32
    %scan3A_324 = arith.constant 0 : i32
    %scan3A_325 = arith.constant 128 : i32
    %scan3A_326 = arith.addi %scan3A_324, %scan3A_325 : i32
    %scan3A_327 = arith.constant 1 : i32
    scf.for %scan3A_452 = %scan3A_324 to %scan3A_326 step %scan3A_327  : i32 {
      %get3A = arith.constant 3 : i32
      %get3A_453 = arith.index_cast %get3A : i32 to index
      %get3A_454 = arith.index_cast %scan3A_452 : i32 to index
      %get3A_455 = arith.constant 0 : index
      %get3A_456 = tpu.vector_load %arg8[%get3A_453, %get3A_454, %get3A_455] {strides = array<i32>} : memref<4x128x128xf32, #tpu.memory_space<vmem>>, vector<1x1x16xf32>,
      %get3A_457 = vector.shape_cast %get3A_456 : vector<1x1x16xf32> to vector<16xf32>
      %get3A_458 = arith.constant 1 : i32
      %get3A_459 = arith.index_cast %get3A_458 : i32 to index
      %get3A_460 = arith.index_cast %scan3A_452 : i32 to index
      %get3A_461 = arith.constant 0 : index
      %get3A_462 = tpu.vector_load %arg7[%get3A_459, %get3A_460, %get3A_461] {strides = array<i32>} : memref<2x128x128xf32, #tpu.memory_space<vmem>>, vector<1x1x16xf32>,
      %get3A_463 = vector.shape_cast %get3A_462 : vector<1x1x16xf32> to vector<16xf32>
      %add3A_464 = arith.addf %get3A_457, %get3A_463 : vector<16xf32>
      %swap3A = arith.constant 3 : i32
      %swap3A_465 = arith.index_cast %swap3A : i32 to index
      %swap3A_466 = arith.index_cast %scan3A_452 : i32 to index
      %swap3A_467 = arith.constant 0 : index
      %swap3A_468 = tpu.vector_load %arg8[%swap3A_465, %swap3A_466, %swap3A_467] {strides = array<i32>} : memref<4x128x128xf32, #tpu.memory_space<vmem>>, vector<1x1x16xf32>,
      %swap3A_469 = vector.shape_cast %swap3A_468 : vector<1x1x16xf32> to vector<16xf32>
      %swap3A_470 = vector.shape_cast %add3A_464 : vector<16xf32> to vector<1x1x16xf32>
      tpu.vector_store %arg8[%swap3A_465, %swap3A_466, %swap3A_467], %swap3A_470 {strides = array<i32>} : memref<4x128x128xf32, #tpu.memory_space<vmem>>, vector<1x1x16xf32>,
      %get3A_471 = arith.constant 3 : i32
      %get3A_472 = arith.index_cast %get3A_471 : i32 to index
      %get3A_473 = arith.index_cast %scan3A_452 : i32 to index
      %get3A_474 = arith.constant 16 : index
      %get3A_475 = tpu.vector_load %arg8[%get3A_472, %get3A_473, %get3A_474] {strides = array<i32>} : memref<4x128x128xf32, #tpu.memory_space<vmem>>, vector<1x1x16xf32>,
      %get3A_476 = vector.shape_cast %get3A_475 : vector<1x1x16xf32> to vector<16xf32>
      %get3A_477 = arith.constant 1 : i32
      %get3A_478 = arith.index_cast %get3A_477 : i32 to index
      %get3A_479 = arith.index_cast %scan3A_452 : i32 to index
      %get3A_480 = arith.constant 16 : index
      %get3A_481 = tpu.vector_load %arg7[%get3A_478, %get3A_479, %get3A_480] {strides = array<i32>} : memref<2x128x128xf32, #tpu.memory_space<vmem>>, vector<1x1x16xf32>,
      %get3A_482 = vector.shape_cast %get3A_481 : vector<1x1x16xf32> to vector<16xf32>
      %add3A_483 = arith.addf %get3A_476, %get3A_482 : vector<16xf32>
      %swap3A_484 = arith.constant 3 : i32
      %swap3A_485 = arith.index_cast %swap3A_484 : i32 to index
      %swap3A_486 = arith.index_cast %scan3A_452 : i32 to index
      %swap3A_487 = arith.constant 16 : index
      %swap3A_488 = tpu.vector_load %arg8[%swap3A_485, %swap3A_486, %swap3A_487] {strides = array<i32>} : memref<4x128x128xf32, #tpu.memory_space<vmem>>, vector<1x1x16xf32>,
      %swap3A_489 = vector.shape_cast %swap3A_488 : vector<1x1x16xf32> to vector<16xf32>
      %swap3A_490 = vector.shape_cast %add3A_483 : vector<16xf32> to vector<1x1x16xf32>
      tpu.vector_store %arg8[%swap3A_485, %swap3A_486, %swap3A_487], %swap3A_490 {strides = array<i32>} : memref<4x128x128xf32, #tpu.memory_space<vmem>>, vector<1x1x16xf32>,
      %get3A_491 = arith.constant 3 : i32
      %get3A_492 = arith.index_cast %get3A_491 : i32 to index
      %get3A_493 = arith.index_cast %scan3A_452 : i32 to index
      %get3A_494 = arith.constant 32 : index
      %get3A_495 = tpu.vector_load %arg8[%get3A_492, %get3A_493, %get3A_494] {strides = array<i32>} : memref<4x128x128xf32, #tpu.memory_space<vmem>>, vector<1x1x16xf32>,
      %get3A_496 = vector.shape_cast %get3A_495 : vector<1x1x16xf32> to vector<16xf32>
      %get3A_497 = arith.constant 1 : i32
      %get3A_498 = arith.index_cast %get3A_497 : i32 to index
      %get3A_499 = arith.index_cast %scan3A_452 : i32 to index
      %get3A_500 = arith.constant 32 : index
      %get3A_501 = tpu.vector_load %arg7[%get3A_498, %get3A_499, %get3A_500] {strides = array<i32>} : memref<2x128x128xf32, #tpu.memory_space<vmem>>, vector<1x1x16xf32>,
      %get3A_502 = vector.shape_cast %get3A_501 : vector<1x1x16xf32> to vector<16xf32>
      %add3A_503 = arith.addf %get3A_496, %get3A_502 : vector<16xf32>
      %swap3A_504 = arith.constant 3 : i32
      %swap3A_505 = arith.index_cast %swap3A_504 : i32 to index
      %swap3A_506 = arith.index_cast %scan3A_452 : i32 to index
      %swap3A_507 = arith.constant 32 : index
      %swap3A_508 = tpu.vector_load %arg8[%swap3A_505, %swap3A_506, %swap3A_507] {strides = array<i32>} : memref<4x128x128xf32, #tpu.memory_space<vmem>>, vector<1x1x16xf32>,
      %swap3A_509 = vector.shape_cast %swap3A_508 : vector<1x1x16xf32> to vector<16xf32>
      %swap3A_510 = vector.shape_cast %add3A_503 : vector<16xf32> to vector<1x1x16xf32>
      tpu.vector_store %arg8[%swap3A_505, %swap3A_506, %swap3A_507], %swap3A_510 {strides = array<i32>} : memref<4x128x128xf32, #tpu.memory_space<vmem>>, vector<1x1x16xf32>,
      %get3A_511 = arith.constant 3 : i32
      %get3A_512 = arith.index_cast %get3A_511 : i32 to index
      %get3A_513 = arith.index_cast %scan3A_452 : i32 to index
      %get3A_514 = arith.constant 48 : index
      %get3A_515 = tpu.vector_load %arg8[%get3A_512, %get3A_513, %get3A_514] {strides = array<i32>} : memref<4x128x128xf32, #tpu.memory_space<vmem>>, vector<1x1x16xf32>,
      %get3A_516 = vector.shape_cast %get3A_515 : vector<1x1x16xf32> to vector<16xf32>
      %get3A_517 = arith.constant 1 : i32
      %get3A_518 = arith.index_cast %get3A_517 : i32 to index
      %get3A_519 = arith.index_cast %scan3A_452 : i32 to index
      %get3A_520 = arith.constant 48 : index
      %get3A_521 = tpu.vector_load %arg7[%get3A_518, %get3A_519, %get3A_520] {strides = array<i32>} : memref<2x128x128xf32, #tpu.memory_space<vmem>>, vector<1x1x16xf32>,
      %get3A_522 = vector.shape_cast %get3A_521 : vector<1x1x16xf32> to vector<16xf32>
      %add3A_523 = arith.addf %get3A_516, %get3A_522 : vector<16xf32>
      %swap3A_524 = arith.constant 3 : i32
      %swap3A_525 = arith.index_cast %swap3A_524 : i32 to index
      %swap3A_526 = arith.index_cast %scan3A_452 : i32 to index
      %swap3A_527 = arith.constant 48 : index
      %swap3A_528 = tpu.vector_load %arg8[%swap3A_525, %swap3A_526, %swap3A_527] {strides = array<i32>} : memref<4x128x128xf32, #tpu.memory_space<vmem>>, vector<1x1x16xf32>,
      %swap3A_529 = vector.shape_cast %swap3A_528 : vector<1x1x16xf32> to vector<16xf32>
      %swap3A_530 = vector.shape_cast %add3A_523 : vector<16xf32> to vector<1x1x16xf32>
      tpu.vector_store %arg8[%swap3A_525, %swap3A_526, %swap3A_527], %swap3A_530 {strides = array<i32>} : memref<4x128x128xf32, #tpu.memory_space<vmem>>, vector<1x1x16xf32>,
      %get3A_531 = arith.constant 3 : i32
      %get3A_532 = arith.index_cast %get3A_531 : i32 to index
      %get3A_533 = arith.index_cast %scan3A_452 : i32 to index
      %get3A_534 = arith.constant 64 : index
      %get3A_535 = tpu.vector_load %arg8[%get3A_532, %get3A_533, %get3A_534] {strides = array<i32>} : memref<4x128x128xf32, #tpu.memory_space<vmem>>, vector<1x1x16xf32>,
      %get3A_536 = vector.shape_cast %get3A_535 : vector<1x1x16xf32> to vector<16xf32>
      %get3A_537 = arith.constant 1 : i32
      %get3A_538 = arith.index_cast %get3A_537 : i32 to index
      %get3A_539 = arith.index_cast %scan3A_452 : i32 to index
      %get3A_540 = arith.constant 64 : index
      %get3A_541 = tpu.vector_load %arg7[%get3A_538, %get3A_539, %get3A_540] {strides = array<i32>} : memref<2x128x128xf32, #tpu.memory_space<vmem>>, vector<1x1x16xf32>,
      %get3A_542 = vector.shape_cast %get3A_541 : vector<1x1x16xf32> to vector<16xf32>
      %add3A_543 = arith.addf %get3A_536, %get3A_542 : vector<16xf32>
      %swap3A_544 = arith.constant 3 : i32
      %swap3A_545 = arith.index_cast %swap3A_544 : i32 to index
      %swap3A_546 = arith.index_cast %scan3A_452 : i32 to index
      %swap3A_547 = arith.constant 64 : index
      %swap3A_548 = tpu.vector_load %arg8[%swap3A_545, %swap3A_546, %swap3A_547] {strides = array<i32>} : memref<4x128x128xf32, #tpu.memory_space<vmem>>, vector<1x1x16xf32>,
      %swap3A_549 = vector.shape_cast %swap3A_548 : vector<1x1x16xf32> to vector<16xf32>
      %swap3A_550 = vector.shape_cast %add3A_543 : vector<16xf32> to vector<1x1x16xf32>
      tpu.vector_store %arg8[%swap3A_545, %swap3A_546, %swap3A_547], %swap3A_550 {strides = array<i32>} : memref<4x128x128xf32, #tpu.memory_space<vmem>>, vector<1x1x16xf32>,
      %get3A_551 = arith.constant 3 : i32
      %get3A_552 = arith.index_cast %get3A_551 : i32 to index
      %get3A_553 = arith.index_cast %scan3A_452 : i32 to index
      %get3A_554 = arith.constant 80 : index
      %get3A_555 = tpu.vector_load %arg8[%get3A_552, %get3A_553, %get3A_554] {strides = array<i32>} : memref<4x128x128xf32, #tpu.memory_space<vmem>>, vector<1x1x16xf32>,
      %get3A_556 = vector.shape_cast %get3A_555 : vector<1x1x16xf32> to vector<16xf32>
      %get3A_557 = arith.constant 1 : i32
      %get3A_558 = arith.index_cast %get3A_557 : i32 to index
      %get3A_559 = arith.index_cast %scan3A_452 : i32 to index
      %get3A_560 = arith.constant 80 : index
      %get3A_561 = tpu.vector_load %arg7[%get3A_558, %get3A_559, %get3A_560] {strides = array<i32>} : memref<2x128x128xf32, #tpu.memory_space<vmem>>, vector<1x1x16xf32>,
      %get3A_562 = vector.shape_cast %get3A_561 : vector<1x1x16xf32> to vector<16xf32>
      %add3A_563 = arith.addf %get3A_556, %get3A_562 : vector<16xf32>
      %swap3A_564 = arith.constant 3 : i32
      %swap3A_565 = arith.index_cast %swap3A_564 : i32 to index
      %swap3A_566 = arith.index_cast %scan3A_452 : i32 to index
      %swap3A_567 = arith.constant 80 : index
      %swap3A_568 = tpu.vector_load %arg8[%swap3A_565, %swap3A_566, %swap3A_567] {strides = array<i32>} : memref<4x128x128xf32, #tpu.memory_space<vmem>>, vector<1x1x16xf32>,
      %swap3A_569 = vector.shape_cast %swap3A_568 : vector<1x1x16xf32> to vector<16xf32>
      %swap3A_570 = vector.shape_cast %add3A_563 : vector<16xf32> to vector<1x1x16xf32>
      tpu.vector_store %arg8[%swap3A_565, %swap3A_566, %swap3A_567], %swap3A_570 {strides = array<i32>} : memref<4x128x128xf32, #tpu.memory_space<vmem>>, vector<1x1x16xf32>,
      %get3A_571 = arith.constant 3 : i32
      %get3A_572 = arith.index_cast %get3A_571 : i32 to index
      %get3A_573 = arith.index_cast %scan3A_452 : i32 to index
      %get3A_574 = arith.constant 96 : index
      %get3A_575 = tpu.vector_load %arg8[%get3A_572, %get3A_573, %get3A_574] {strides = array<i32>} : memref<4x128x128xf32, #tpu.memory_space<vmem>>, vector<1x1x16xf32>,
      %get3A_576 = vector.shape_cast %get3A_575 : vector<1x1x16xf32> to vector<16xf32>
      %get3A_577 = arith.constant 1 : i32
      %get3A_578 = arith.index_cast %get3A_577 : i32 to index
      %get3A_579 = arith.index_cast %scan3A_452 : i32 to index
      %get3A_580 = arith.constant 96 : index
      %get3A_581 = tpu.vector_load %arg7[%get3A_578, %get3A_579, %get3A_580] {strides = array<i32>} : memref<2x128x128xf32, #tpu.memory_space<vmem>>, vector<1x1x16xf32>,
      %get3A_582 = vector.shape_cast %get3A_581 : vector<1x1x16xf32> to vector<16xf32>
      %add3A_583 = arith.addf %get3A_576, %get3A_582 : vector<16xf32>
      %swap3A_584 = arith.constant 3 : i32
      %swap3A_585 = arith.index_cast %swap3A_584 : i32 to index
      %swap3A_586 = arith.index_cast %scan3A_452 : i32 to index
      %swap3A_587 = arith.constant 96 : index
      %swap3A_588 = tpu.vector_load %arg8[%swap3A_585, %swap3A_586, %swap3A_587] {strides = array<i32>} : memref<4x128x128xf32, #tpu.memory_space<vmem>>, vector<1x1x16xf32>,
      %swap3A_589 = vector.shape_cast %swap3A_588 : vector<1x1x16xf32> to vector<16xf32>
      %swap3A_590 = vector.shape_cast %add3A_583 : vector<16xf32> to vector<1x1x16xf32>
      tpu.vector_store %arg8[%swap3A_585, %swap3A_586, %swap3A_587], %swap3A_590 {strides = array<i32>} : memref<4x128x128xf32, #tpu.memory_space<vmem>>, vector<1x1x16xf32>,
      %get3A_591 = arith.constant 3 : i32
      %get3A_592 = arith.index_cast %get3A_591 : i32 to index
      %get3A_593 = arith.index_cast %scan3A_452 : i32 to index
      %get3A_594 = arith.constant 112 : index
      %get3A_595 = tpu.vector_load %arg8[%get3A_592, %get3A_593, %get3A_594] {strides = array<i32>} : memref<4x128x128xf32, #tpu.memory_space<vmem>>, vector<1x1x16xf32>,
      %get3A_596 = vector.shape_cast %get3A_595 : vector<1x1x16xf32> to vector<16xf32>
      %get3A_597 = arith.constant 1 : i32
      %get3A_598 = arith.index_cast %get3A_597 : i32 to index
      %get3A_599 = arith.index_cast %scan3A_452 : i32 to index
      %get3A_600 = arith.constant 112 : index
      %get3A_601 = tpu.vector_load %arg7[%get3A_598, %get3A_599, %get3A_600] {strides = array<i32>} : memref<2x128x128xf32, #tpu.memory_space<vmem>>, vector<1x1x16xf32>,
      %get3A_602 = vector.shape_cast %get3A_601 : vector<1x1x16xf32> to vector<16xf32>
      %add3A_603 = arith.addf %get3A_596, %get3A_602 : vector<16xf32>
      %swap3A_604 = arith.constant 3 : i32
      %swap3A_605 = arith.index_cast %swap3A_604 : i32 to index
      %swap3A_606 = arith.index_cast %scan3A_452 : i32 to index
      %swap3A_607 = arith.constant 112 : index
      %swap3A_608 = tpu.vector_load %arg8[%swap3A_605, %swap3A_606, %swap3A_607] {strides = array<i32>} : memref<4x128x128xf32, #tpu.memory_space<vmem>>, vector<1x1x16xf32>,
      %swap3A_609 = vector.shape_cast %swap3A_608 : vector<1x1x16xf32> to vector<16xf32>
      %swap3A_610 = vector.shape_cast %add3A_603 : vector<16xf32> to vector<1x1x16xf32>
      tpu.vector_store %arg8[%swap3A_605, %swap3A_606, %swap3A_607], %swap3A_610 {strides = array<i32>} : memref<4x128x128xf32, #tpu.memory_space<vmem>>, vector<1x1x16xf32>,
    }
    %scan3A_328 = arith.constant 128 : i32
    %add3A_329 = arith.constant 384 : i32
    %add3A_330 = arith.addi %mul3A_2, %add3A_329 : i32
    %dma_start3A_331 = arith.constant 3 : i32
    %dma_start3A_332 = arith.constant 0 : i32
    %dma_start3A_333 = arith.constant 0 : i32
    %dma_start3A_334 = tpu.memref_slice %arg8[%dma_start3A_331, %dma_start3A_332, %dma_start3A_333] : memref<4x128x128xf32, #tpu.memory_space<vmem>> -> memref<1x128x128xf32, #tpu.memory_space<vmem>>
    %dma_start3A_335 = tpu.memref_squeeze %dma_start3A_334 : memref<1x128x128xf32, #tpu.memory_space<vmem>> -> memref<128x128xf32, #tpu.memory_space<vmem>>
    %dma_start3A_336 = arith.constant 0 : i32
    %dma_start3A_337 = tpu.memref_slice %arg5[%add3A_330, %dma_start3A_336] : memref<524288x128xf32, #tpu.memory_space<hbm>> -> memref<128x128xf32, #tpu.memory_space<hbm>>
    %dma_start3A_338 = arith.constant 0 : i32
    %dma_start3A_339 = tpu.memref_slice %arg5[%add3A_330, %dma_start3A_338] : memref<524288x128xf32, #tpu.memory_space<hbm>> -> memref<128x128xf32, #tpu.memory_space<hbm>>
    %dma_start3A_340 = arith.constant 0 : i32
    %dma_start3A_341 = arith.constant 0 : i32
    %dma_start3A_342 = tpu.memref_slice %arg8[%dma_start3A_331, %dma_start3A_340, %dma_start3A_341] : memref<4x128x128xf32, #tpu.memory_space<vmem>> -> memref<1x128x128xf32, #tpu.memory_space<vmem>>
    %dma_start3A_343 = tpu.memref_squeeze %dma_start3A_342 : memref<1x128x128xf32, #tpu.memory_space<vmem>> -> memref<128x128xf32, #tpu.memory_space<vmem>>
    tpu.enqueue_dma source(%dma_start3A_343 : memref<128x128xf32, #tpu.memory_space<vmem>>) target(%dma_start3A_339 : memref<128x128xf32, #tpu.memory_space<hbm>>) target_semaphore(%arg18 : memref<!tpu.dma_semaphore, #tpu.memory_space<semaphore_mem>>)
    %add3A_344 = arith.constant 128 : i32
    %add3A_345 = arith.addi %mul3A_2, %add3A_344 : i32
    %dma_wait3A_346 = arith.constant 1 : i32
    %dma_wait3A_347 = arith.constant 0 : i32
    %dma_wait3A_348 = arith.constant 0 : i32
    %dma_wait3A_349 = tpu.memref_slice %arg8[%dma_wait3A_346, %dma_wait3A_347, %dma_wait3A_348] : memref<4x128x128xf32, #tpu.memory_space<vmem>> -> memref<1x128x128xf32, #tpu.memory_space<vmem>>
    %dma_wait3A_350 = tpu.memref_squeeze %dma_wait3A_349 : memref<1x128x128xf32, #tpu.memory_space<vmem>> -> memref<128x128xf32, #tpu.memory_space<vmem>>
    %dma_wait3A_351 = arith.constant 0 : i32
    %dma_wait3A_352 = tpu.memref_slice %arg5[%add3A_345, %dma_wait3A_351] : memref<524288x128xf32, #tpu.memory_space<hbm>> -> memref<128x128xf32, #tpu.memory_space<hbm>>
    %dma_wait3A_353 = arith.constant 0 : i32
    %dma_wait3A_354 = tpu.memref_slice %arg5[%add3A_345, %dma_wait3A_353] : memref<524288x128xf32, #tpu.memory_space<hbm>> -> memref<128x128xf32, #tpu.memory_space<hbm>>
    %dma_wait3A_355 = arith.constant 0 : i32
    %dma_wait3A_356 = arith.constant 0 : i32
    %dma_wait3A_357 = tpu.memref_slice %arg8[%dma_wait3A_346, %dma_wait3A_355, %dma_wait3A_356] : memref<4x128x128xf32, #tpu.memory_space<vmem>> -> memref<1x128x128xf32, #tpu.memory_space<vmem>>
    %dma_wait3A_358 = tpu.memref_squeeze %dma_wait3A_357 : memref<1x128x128xf32, #tpu.memory_space<vmem>> -> memref<128x128xf32, #tpu.memory_space<vmem>>
    tpu.wait_dma2 semaphore(%arg16 : memref<!tpu.dma_semaphore, #tpu.memory_space<semaphore_mem>>) src(%dma_wait3A_358 : memref<128x128xf32, #tpu.memory_space<vmem>>) dst(%dma_wait3A_354 : memref<128x128xf32, #tpu.memory_space<hbm>>)
    %add3A_359 = arith.constant 640 : i32
    %add3A_360 = arith.addi %mul3A_2, %add3A_359 : i32
    %dma_start3A_361 = arith.constant 5 : i32
    %dma_start3A_362 = arith.constant 1 : i32
    %dma_start3A_363 = arith.constant 0 : i32
    %dma_start3A_364 = arith.constant 0 : i32
    %dma_start3A_365 = tpu.memref_slice %arg7[%dma_start3A_362, %dma_start3A_363, %dma_start3A_364] : memref<2x128x128xf32, #tpu.memory_space<vmem>> -> memref<1x128x128xf32, #tpu.memory_space<vmem>>
    %dma_start3A_366 = tpu.memref_squeeze %dma_start3A_365 : memref<1x128x128xf32, #tpu.memory_space<vmem>> -> memref<128x128xf32, #tpu.memory_space<vmem>>
    %dma_start3A_367 = arith.constant 0 : i32
    %dma_start3A_368 = tpu.memref_slice %arg6[%dma_start3A_361, %dma_start3A_367] : memref<128x128xi32, #tpu.memory_space<vmem>> -> memref<1x128xi32, #tpu.memory_space<vmem>>
    %dma_start3A_369 = tpu.memref_squeeze %dma_start3A_368 : memref<1x128xi32, #tpu.memory_space<vmem>> -> memref<128xi32, #tpu.memory_space<vmem>>
    %dma_start3A_370 = arith.constant 0 : i32
    %dma_start3A_371 = arith.constant 0 : i32
    %dma_start3A_372 = tpu.memref_slice %arg3[%dma_start3A_370, %dma_start3A_371] : memref<262144x128xf32, #tpu.memory_space<hbm>> -> memref<262144x128xf32, #tpu.memory_space<hbm>>
    tpu.enqueue_indirect_dma source(%dma_start3A_372 : memref<262144x128xf32, #tpu.memory_space<hbm>>) target(%dma_start3A_366 : memref<128x128xf32, #tpu.memory_space<vmem>>) offsets(%dma_start3A_369 : memref<128xi32, #tpu.memory_space<vmem>>) semaphore(%arg10 : memref<!tpu.dma_semaphore, #tpu.memory_space<semaphore_mem>>)
    %dma_start3A_373 = arith.constant 1 : i32
    %dma_start3A_374 = arith.constant 0 : i32
    %dma_start3A_375 = arith.constant 0 : i32
    %dma_start3A_376 = tpu.memref_slice %arg8[%dma_start3A_373, %dma_start3A_374, %dma_start3A_375] : memref<4x128x128xf32, #tpu.memory_space<vmem>> -> memref<1x128x128xf32, #tpu.memory_space<vmem>>
    %dma_start3A_377 = tpu.memref_squeeze %dma_start3A_376 : memref<1x128x128xf32, #tpu.memory_space<vmem>> -> memref<128x128xf32, #tpu.memory_space<vmem>>
    %dma_start3A_378 = arith.constant 0 : i32
    %dma_start3A_379 = tpu.memref_slice %arg2[%add3A_360, %dma_start3A_378] : memref<524288x128xf32, #tpu.memory_space<hbm>> -> memref<128x128xf32, #tpu.memory_space<hbm>>
    %dma_start3A_380 = arith.constant 0 : i32
    %dma_start3A_381 = arith.constant 0 : i32
    %dma_start3A_382 = tpu.memref_slice %arg8[%dma_start3A_373, %dma_start3A_380, %dma_start3A_381] : memref<4x128x128xf32, #tpu.memory_space<vmem>> -> memref<1x128x128xf32, #tpu.memory_space<vmem>>
    %dma_start3A_383 = tpu.memref_squeeze %dma_start3A_382 : memref<1x128x128xf32, #tpu.memory_space<vmem>> -> memref<128x128xf32, #tpu.memory_space<vmem>>
    %dma_start3A_384 = arith.constant 0 : i32
    %dma_start3A_385 = tpu.memref_slice %arg2[%add3A_360, %dma_start3A_384] : memref<524288x128xf32, #tpu.memory_space<hbm>> -> memref<128x128xf32, #tpu.memory_space<hbm>>
    tpu.enqueue_dma source(%dma_start3A_385 : memref<128x128xf32, #tpu.memory_space<hbm>>) target(%dma_start3A_383 : memref<128x128xf32, #tpu.memory_space<vmem>>) target_semaphore(%arg12 : memref<!tpu.dma_semaphore, #tpu.memory_space<semaphore_mem>>)
    %scan3A_386 = arith.constant 0 : i32
    %scan3A_387 = arith.constant 1 : i32
    %scan3A_388 = arith.constant 31 : i32
    %scan3A_389 = arith.addi %scan3A_387, %scan3A_388 : i32
    %scan3A_390 = arith.constant 1 : i32
    scf.for %scan3A_452 = %scan3A_387 to %scan3A_389 step %scan3A_390  : i32 {
      %mul3A_453 = arith.constant 4 : i32
      %mul3A_454 = arith.muli %scan3A_452, %mul3A_453 : i32
      %add3A_455 = arith.constant 0 : i32
      %add3A_456 = arith.addi %mul3A_454, %add3A_455 : i32
      %mul3A_457 = arith.constant 128 : i32
      %mul3A_458 = arith.muli %add3A_456, %mul3A_457 : i32
      %add3A_459 = arith.addi %mul3A_2, %mul3A_458 : i32
      %dma_wait3A_460 = arith.constant 0 : i32
      %dma_wait3A_461 = arith.constant 0 : i32
      %dma_wait3A_462 = arith.constant 0 : i32
      %dma_wait3A_463 = tpu.memref_slice %arg7[%dma_wait3A_460, %dma_wait3A_461, %dma_wait3A_462] : memref<2x128x128xf32, #tpu.memory_space<vmem>> -> memref<1x128x128xf32, #tpu.memory_space<vmem>>
      %dma_wait3A_464 = tpu.memref_squeeze %dma_wait3A_463 : memref<1x128x128xf32, #tpu.memory_space<vmem>> -> memref<128x128xf32, #tpu.memory_space<vmem>>
      %dma_wait3A_465 = arith.constant 0 : i32
      %dma_wait3A_466 = tpu.memref_slice %arg6[%add3A_456, %dma_wait3A_465] : memref<128x128xi32, #tpu.memory_space<vmem>> -> memref<1x128xi32, #tpu.memory_space<vmem>>
      %dma_wait3A_467 = tpu.memref_squeeze %dma_wait3A_466 : memref<1x128xi32, #tpu.memory_space<vmem>> -> memref<128xi32, #tpu.memory_space<vmem>>
      %dma_wait3A_468 = arith.constant 0 : i32
      %dma_wait3A_469 = arith.constant 0 : i32
      %dma_wait3A_470 = tpu.memref_slice %arg3[%dma_wait3A_468, %dma_wait3A_469] : memref<262144x128xf32, #tpu.memory_space<hbm>> -> memref<262144x128xf32, #tpu.memory_space<hbm>>
      tpu.wait_indirect_dma semaphore(%arg9 : memref<!tpu.dma_semaphore, #tpu.memory_space<semaphore_mem>>) src(%dma_wait3A_470 : memref<262144x128xf32, #tpu.memory_space<hbm>>) dst(%dma_wait3A_464 : memref<128x128xf32, #tpu.memory_space<vmem>>)
      %dma_wait3A_471 = arith.constant 0 : i32
      %dma_wait3A_472 = arith.constant 0 : i32
      %dma_wait3A_473 = arith.constant 0 : i32
      %dma_wait3A_474 = tpu.memref_slice %arg8[%dma_wait3A_471, %dma_wait3A_472, %dma_wait3A_473] : memref<4x128x128xf32, #tpu.memory_space<vmem>> -> memref<1x128x128xf32, #tpu.memory_space<vmem>>
      %dma_wait3A_475 = tpu.memref_squeeze %dma_wait3A_474 : memref<1x128x128xf32, #tpu.memory_space<vmem>> -> memref<128x128xf32, #tpu.memory_space<vmem>>
      %dma_wait3A_476 = arith.constant 0 : i32
      %dma_wait3A_477 = tpu.memref_slice %arg2[%add3A_459, %dma_wait3A_476] : memref<524288x128xf32, #tpu.memory_space<hbm>> -> memref<128x128xf32, #tpu.memory_space<hbm>>
      %dma_wait3A_478 = arith.constant 0 : i32
      %dma_wait3A_479 = arith.constant 0 : i32
      %dma_wait3A_480 = tpu.memref_slice %arg8[%dma_wait3A_471, %dma_wait3A_478, %dma_wait3A_479] : memref<4x128x128xf32, #tpu.memory_space<vmem>> -> memref<1x128x128xf32, #tpu.memory_space<vmem>>
      %dma_wait3A_481 = tpu.memref_squeeze %dma_wait3A_480 : memref<1x128x128xf32, #tpu.memory_space<vmem>> -> memref<128x128xf32, #tpu.memory_space<vmem>>
      %dma_wait3A_482 = arith.constant 0 : i32
      %dma_wait3A_483 = tpu.memref_slice %arg2[%add3A_459, %dma_wait3A_482] : memref<524288x128xf32, #tpu.memory_space<hbm>> -> memref<128x128xf32, #tpu.memory_space<hbm>>
      tpu.wait_dma2 semaphore(%arg11 : memref<!tpu.dma_semaphore, #tpu.memory_space<semaphore_mem>>) src(%dma_wait3A_483 : memref<128x128xf32, #tpu.memory_space<hbm>>) dst(%dma_wait3A_481 : memref<128x128xf32, #tpu.memory_space<vmem>>)
      %scan3A_484 = arith.constant 0 : i32
      %scan3A_485 = arith.constant 0 : i32
      %scan3A_486 = arith.constant 128 : i32
      %scan3A_487 = arith.addi %scan3A_485, %scan3A_486 : i32
      %scan3A_488 = arith.constant 1 : i32
      scf.for %scan3A_690 = %scan3A_485 to %scan3A_487 step %scan3A_488  : i32 {
        %get3A = arith.constant 0 : i32
        %get3A_691 = arith.index_cast %get3A : i32 to index
        %get3A_692 = arith.index_cast %scan3A_690 : i32 to index
        %get3A_693 = arith.constant 0 : index
        %get3A_694 = tpu.vector_load %arg8[%get3A_691, %get3A_692, %get3A_693] {strides = array<i32>} : memref<4x128x128xf32, #tpu.memory_space<vmem>>, vector<1x1x16xf32>,
        %get3A_695 = vector.shape_cast %get3A_694 : vector<1x1x16xf32> to vector<16xf32>
        %get3A_696 = arith.constant 0 : i32
        %get3A_697 = arith.index_cast %get3A_696 : i32 to index
        %get3A_698 = arith.index_cast %scan3A_690 : i32 to index
        %get3A_699 = arith.constant 0 : index
        %get3A_700 = tpu.vector_load %arg7[%get3A_697, %get3A_698, %get3A_699] {strides = array<i32>} : memref<2x128x128xf32, #tpu.memory_space<vmem>>, vector<1x1x16xf32>,
        %get3A_701 = vector.shape_cast %get3A_700 : vector<1x1x16xf32> to vector<16xf32>
        %add3A_702 = arith.addf %get3A_695, %get3A_701 : vector<16xf32>
        %swap3A = arith.constant 0 : i32
        %swap3A_703 = arith.index_cast %swap3A : i32 to index
        %swap3A_704 = arith.index_cast %scan3A_690 : i32 to index
        %swap3A_705 = arith.constant 0 : index
        %swap3A_706 = tpu.vector_load %arg8[%swap3A_703, %swap3A_704, %swap3A_705] {strides = array<i32>} : memref<4x128x128xf32, #tpu.memory_space<vmem>>, vector<1x1x16xf32>,
        %swap3A_707 = vector.shape_cast %swap3A_706 : vector<1x1x16xf32> to vector<16xf32>
        %swap3A_708 = vector.shape_cast %add3A_702 : vector<16xf32> to vector<1x1x16xf32>
        tpu.vector_store %arg8[%swap3A_703, %swap3A_704, %swap3A_705], %swap3A_708 {strides = array<i32>} : memref<4x128x128xf32, #tpu.memory_space<vmem>>, vector<1x1x16xf32>,
        %get3A_709 = arith.constant 0 : i32
        %get3A_710 = arith.index_cast %get3A_709 : i32 to index
        %get3A_711 = arith.index_cast %scan3A_690 : i32 to index
        %get3A_712 = arith.constant 16 : index
        %get3A_713 = tpu.vector_load %arg8[%get3A_710, %get3A_711, %get3A_712] {strides = array<i32>} : memref<4x128x128xf32, #tpu.memory_space<vmem>>, vector<1x1x16xf32>,
        %get3A_714 = vector.shape_cast %get3A_713 : vector<1x1x16xf32> to vector<16xf32>
        %get3A_715 = arith.constant 0 : i32
        %get3A_716 = arith.index_cast %get3A_715 : i32 to index
        %get3A_717 = arith.index_cast %scan3A_690 : i32 to index
        %get3A_718 = arith.constant 16 : index
        %get3A_719 = tpu.vector_load %arg7[%get3A_716, %get3A_717, %get3A_718] {strides = array<i32>} : memref<2x128x128xf32, #tpu.memory_space<vmem>>, vector<1x1x16xf32>,
        %get3A_720 = vector.shape_cast %get3A_719 : vector<1x1x16xf32> to vector<16xf32>
        %add3A_721 = arith.addf %get3A_714, %get3A_720 : vector<16xf32>
        %swap3A_722 = arith.constant 0 : i32
        %swap3A_723 = arith.index_cast %swap3A_722 : i32 to index
        %swap3A_724 = arith.index_cast %scan3A_690 : i32 to index
        %swap3A_725 = arith.constant 16 : index
        %swap3A_726 = tpu.vector_load %arg8[%swap3A_723, %swap3A_724, %swap3A_725] {strides = array<i32>} : memref<4x128x128xf32, #tpu.memory_space<vmem>>, vector<1x1x16xf32>,
        %swap3A_727 = vector.shape_cast %swap3A_726 : vector<1x1x16xf32> to vector<16xf32>
        %swap3A_728 = vector.shape_cast %add3A_721 : vector<16xf32> to vector<1x1x16xf32>
        tpu.vector_store %arg8[%swap3A_723, %swap3A_724, %swap3A_725], %swap3A_728 {strides = array<i32>} : memref<4x128x128xf32, #tpu.memory_space<vmem>>, vector<1x1x16xf32>,
        %get3A_729 = arith.constant 0 : i32
        %get3A_730 = arith.index_cast %get3A_729 : i32 to index
        %get3A_731 = arith.index_cast %scan3A_690 : i32 to index
        %get3A_732 = arith.constant 32 : index
        %get3A_733 = tpu.vector_load %arg8[%get3A_730, %get3A_731, %get3A_732] {strides = array<i32>} : memref<4x128x128xf32, #tpu.memory_space<vmem>>, vector<1x1x16xf32>,
        %get3A_734 = vector.shape_cast %get3A_733 : vector<1x1x16xf32> to vector<16xf32>
        %get3A_735 = arith.constant 0 : i32
        %get3A_736 = arith.index_cast %get3A_735 : i32 to index
        %get3A_737 = arith.index_cast %scan3A_690 : i32 to index
        %get3A_738 = arith.constant 32 : index
        %get3A_739 = tpu.vector_load %arg7[%get3A_736, %get3A_737, %get3A_738] {strides = array<i32>} : memref<2x128x128xf32, #tpu.memory_space<vmem>>, vector<1x1x16xf32>,
        %get3A_740 = vector.shape_cast %get3A_739 : vector<1x1x16xf32> to vector<16xf32>
        %add3A_741 = arith.addf %get3A_734, %get3A_740 : vector<16xf32>
        %swap3A_742 = arith.constant 0 : i32
        %swap3A_743 = arith.index_cast %swap3A_742 : i32 to index
        %swap3A_744 = arith.index_cast %scan3A_690 : i32 to index
        %swap3A_745 = arith.constant 32 : index
        %swap3A_746 = tpu.vector_load %arg8[%swap3A_743, %swap3A_744, %swap3A_745] {strides = array<i32>} : memref<4x128x128xf32, #tpu.memory_space<vmem>>, vector<1x1x16xf32>,
        %swap3A_747 = vector.shape_cast %swap3A_746 : vector<1x1x16xf32> to vector<16xf32>
        %swap3A_748 = vector.shape_cast %add3A_741 : vector<16xf32> to vector<1x1x16xf32>
        tpu.vector_store %arg8[%swap3A_743, %swap3A_744, %swap3A_745], %swap3A_748 {strides = array<i32>} : memref<4x128x128xf32, #tpu.memory_space<vmem>>, vector<1x1x16xf32>,
        %get3A_749 = arith.constant 0 : i32
        %get3A_750 = arith.index_cast %get3A_749 : i32 to index
        %get3A_751 = arith.index_cast %scan3A_690 : i32 to index
        %get3A_752 = arith.constant 48 : index
        %get3A_753 = tpu.vector_load %arg8[%get3A_750, %get3A_751, %get3A_752] {strides = array<i32>} : memref<4x128x128xf32, #tpu.memory_space<vmem>>, vector<1x1x16xf32>,
        %get3A_754 = vector.shape_cast %get3A_753 : vector<1x1x16xf32> to vector<16xf32>
        %get3A_755 = arith.constant 0 : i32
        %get3A_756 = arith.index_cast %get3A_755 : i32 to index
        %get3A_757 = arith.index_cast %scan3A_690 : i32 to index
        %get3A_758 = arith.constant 48 : index
        %get3A_759 = tpu.vector_load %arg7[%get3A_756, %get3A_757, %get3A_758] {strides = array<i32>} : memref<2x128x128xf32, #tpu.memory_space<vmem>>, vector<1x1x16xf32>,
        %get3A_760 = vector.shape_cast %get3A_759 : vector<1x1x16xf32> to vector<16xf32>
        %add3A_761 = arith.addf %get3A_754, %get3A_760 : vector<16xf32>
        %swap3A_762 = arith.constant 0 : i32
        %swap3A_763 = arith.index_cast %swap3A_762 : i32 to index
        %swap3A_764 = arith.index_cast %scan3A_690 : i32 to index
        %swap3A_765 = arith.constant 48 : index
        %swap3A_766 = tpu.vector_load %arg8[%swap3A_763, %swap3A_764, %swap3A_765] {strides = array<i32>} : memref<4x128x128xf32, #tpu.memory_space<vmem>>, vector<1x1x16xf32>,
        %swap3A_767 = vector.shape_cast %swap3A_766 : vector<1x1x16xf32> to vector<16xf32>
        %swap3A_768 = vector.shape_cast %add3A_761 : vector<16xf32> to vector<1x1x16xf32>
        tpu.vector_store %arg8[%swap3A_763, %swap3A_764, %swap3A_765], %swap3A_768 {strides = array<i32>} : memref<4x128x128xf32, #tpu.memory_space<vmem>>, vector<1x1x16xf32>,
        %get3A_769 = arith.constant 0 : i32
        %get3A_770 = arith.index_cast %get3A_769 : i32 to index
        %get3A_771 = arith.index_cast %scan3A_690 : i32 to index
        %get3A_772 = arith.constant 64 : index
        %get3A_773 = tpu.vector_load %arg8[%get3A_770, %get3A_771, %get3A_772] {strides = array<i32>} : memref<4x128x128xf32, #tpu.memory_space<vmem>>, vector<1x1x16xf32>,
        %get3A_774 = vector.shape_cast %get3A_773 : vector<1x1x16xf32> to vector<16xf32>
        %get3A_775 = arith.constant 0 : i32
        %get3A_776 = arith.index_cast %get3A_775 : i32 to index
        %get3A_777 = arith.index_cast %scan3A_690 : i32 to index
        %get3A_778 = arith.constant 64 : index
        %get3A_779 = tpu.vector_load %arg7[%get3A_776, %get3A_777, %get3A_778] {strides = array<i32>} : memref<2x128x128xf32, #tpu.memory_space<vmem>>, vector<1x1x16xf32>,
        %get3A_780 = vector.shape_cast %get3A_779 : vector<1x1x16xf32> to vector<16xf32>
        %add3A_781 = arith.addf %get3A_774, %get3A_780 : vector<16xf32>
        %swap3A_782 = arith.constant 0 : i32
        %swap3A_783 = arith.index_cast %swap3A_782 : i32 to index
        %swap3A_784 = arith.index_cast %scan3A_690 : i32 to index
        %swap3A_785 = arith.constant 64 : index
        %swap3A_786 = tpu.vector_load %arg8[%swap3A_783, %swap3A_784, %swap3A_785] {strides = array<i32>} : memref<4x128x128xf32, #tpu.memory_space<vmem>>, vector<1x1x16xf32>,
        %swap3A_787 = vector.shape_cast %swap3A_786 : vector<1x1x16xf32> to vector<16xf32>
        %swap3A_788 = vector.shape_cast %add3A_781 : vector<16xf32> to vector<1x1x16xf32>
        tpu.vector_store %arg8[%swap3A_783, %swap3A_784, %swap3A_785], %swap3A_788 {strides = array<i32>} : memref<4x128x128xf32, #tpu.memory_space<vmem>>, vector<1x1x16xf32>,
        %get3A_789 = arith.constant 0 : i32
        %get3A_790 = arith.index_cast %get3A_789 : i32 to index
        %get3A_791 = arith.index_cast %scan3A_690 : i32 to index
        %get3A_792 = arith.constant 80 : index
        %get3A_793 = tpu.vector_load %arg8[%get3A_790, %get3A_791, %get3A_792] {strides = array<i32>} : memref<4x128x128xf32, #tpu.memory_space<vmem>>, vector<1x1x16xf32>,
        %get3A_794 = vector.shape_cast %get3A_793 : vector<1x1x16xf32> to vector<16xf32>
        %get3A_795 = arith.constant 0 : i32
        %get3A_796 = arith.index_cast %get3A_795 : i32 to index
        %get3A_797 = arith.index_cast %scan3A_690 : i32 to index
        %get3A_798 = arith.constant 80 : index
        %get3A_799 = tpu.vector_load %arg7[%get3A_796, %get3A_797, %get3A_798] {strides = array<i32>} : memref<2x128x128xf32, #tpu.memory_space<vmem>>, vector<1x1x16xf32>,
        %get3A_800 = vector.shape_cast %get3A_799 : vector<1x1x16xf32> to vector<16xf32>
        %add3A_801 = arith.addf %get3A_794, %get3A_800 : vector<16xf32>
        %swap3A_802 = arith.constant 0 : i32
        %swap3A_803 = arith.index_cast %swap3A_802 : i32 to index
        %swap3A_804 = arith.index_cast %scan3A_690 : i32 to index
        %swap3A_805 = arith.constant 80 : index
        %swap3A_806 = tpu.vector_load %arg8[%swap3A_803, %swap3A_804, %swap3A_805] {strides = array<i32>} : memref<4x128x128xf32, #tpu.memory_space<vmem>>, vector<1x1x16xf32>,
        %swap3A_807 = vector.shape_cast %swap3A_806 : vector<1x1x16xf32> to vector<16xf32>
        %swap3A_808 = vector.shape_cast %add3A_801 : vector<16xf32> to vector<1x1x16xf32>
        tpu.vector_store %arg8[%swap3A_803, %swap3A_804, %swap3A_805], %swap3A_808 {strides = array<i32>} : memref<4x128x128xf32, #tpu.memory_space<vmem>>, vector<1x1x16xf32>,
        %get3A_809 = arith.constant 0 : i32
        %get3A_810 = arith.index_cast %get3A_809 : i32 to index
        %get3A_811 = arith.index_cast %scan3A_690 : i32 to index
        %get3A_812 = arith.constant 96 : index
        %get3A_813 = tpu.vector_load %arg8[%get3A_810, %get3A_811, %get3A_812] {strides = array<i32>} : memref<4x128x128xf32, #tpu.memory_space<vmem>>, vector<1x1x16xf32>,
        %get3A_814 = vector.shape_cast %get3A_813 : vector<1x1x16xf32> to vector<16xf32>
        %get3A_815 = arith.constant 0 : i32
        %get3A_816 = arith.index_cast %get3A_815 : i32 to index
        %get3A_817 = arith.index_cast %scan3A_690 : i32 to index
        %get3A_818 = arith.constant 96 : index
        %get3A_819 = tpu.vector_load %arg7[%get3A_816, %get3A_817, %get3A_818] {strides = array<i32>} : memref<2x128x128xf32, #tpu.memory_space<vmem>>, vector<1x1x16xf32>,
        %get3A_820 = vector.shape_cast %get3A_819 : vector<1x1x16xf32> to vector<16xf32>
        %add3A_821 = arith.addf %get3A_814, %get3A_820 : vector<16xf32>
        %swap3A_822 = arith.constant 0 : i32
        %swap3A_823 = arith.index_cast %swap3A_822 : i32 to index
        %swap3A_824 = arith.index_cast %scan3A_690 : i32 to index
        %swap3A_825 = arith.constant 96 : index
        %swap3A_826 = tpu.vector_load %arg8[%swap3A_823, %swap3A_824, %swap3A_825] {strides = array<i32>} : memref<4x128x128xf32, #tpu.memory_space<vmem>>, vector<1x1x16xf32>,
        %swap3A_827 = vector.shape_cast %swap3A_826 : vector<1x1x16xf32> to vector<16xf32>
        %swap3A_828 = vector.shape_cast %add3A_821 : vector<16xf32> to vector<1x1x16xf32>
        tpu.vector_store %arg8[%swap3A_823, %swap3A_824, %swap3A_825], %swap3A_828 {strides = array<i32>} : memref<4x128x128xf32, #tpu.memory_space<vmem>>, vector<1x1x16xf32>,
        %get3A_829 = arith.constant 0 : i32
        %get3A_830 = arith.index_cast %get3A_829 : i32 to index
        %get3A_831 = arith.index_cast %scan3A_690 : i32 to index
        %get3A_832 = arith.constant 112 : index
        %get3A_833 = tpu.vector_load %arg8[%get3A_830, %get3A_831, %get3A_832] {strides = array<i32>} : memref<4x128x128xf32, #tpu.memory_space<vmem>>, vector<1x1x16xf32>,
        %get3A_834 = vector.shape_cast %get3A_833 : vector<1x1x16xf32> to vector<16xf32>
        %get3A_835 = arith.constant 0 : i32
        %get3A_836 = arith.index_cast %get3A_835 : i32 to index
        %get3A_837 = arith.index_cast %scan3A_690 : i32 to index
        %get3A_838 = arith.constant 112 : index
        %get3A_839 = tpu.vector_load %arg7[%get3A_836, %get3A_837, %get3A_838] {strides = array<i32>} : memref<2x128x128xf32, #tpu.memory_space<vmem>>, vector<1x1x16xf32>,
        %get3A_840 = vector.shape_cast %get3A_839 : vector<1x1x16xf32> to vector<16xf32>
        %add3A_841 = arith.addf %get3A_834, %get3A_840 : vector<16xf32>
        %swap3A_842 = arith.constant 0 : i32
        %swap3A_843 = arith.index_cast %swap3A_842 : i32 to index
        %swap3A_844 = arith.index_cast %scan3A_690 : i32 to index
        %swap3A_845 = arith.constant 112 : index
        %swap3A_846 = tpu.vector_load %arg8[%swap3A_843, %swap3A_844, %swap3A_845] {strides = array<i32>} : memref<4x128x128xf32, #tpu.memory_space<vmem>>, vector<1x1x16xf32>,
        %swap3A_847 = vector.shape_cast %swap3A_846 : vector<1x1x16xf32> to vector<16xf32>
        %swap3A_848 = vector.shape_cast %add3A_841 : vector<16xf32> to vector<1x1x16xf32>
        tpu.vector_store %arg8[%swap3A_843, %swap3A_844, %swap3A_845], %swap3A_848 {strides = array<i32>} : memref<4x128x128xf32, #tpu.memory_space<vmem>>, vector<1x1x16xf32>,
      }
      %scan3A_489 = arith.constant 128 : i32
      %mul3A_490 = arith.constant 128 : i32
      %mul3A_491 = arith.muli %add3A_456, %mul3A_490 : i32
      %add3A_492 = arith.addi %mul3A_2, %mul3A_491 : i32
      %dma_start3A_493 = arith.constant 0 : i32
      %dma_start3A_494 = arith.constant 0 : i32
      %dma_start3A_495 = arith.constant 0 : i32
      %dma_start3A_496 = tpu.memref_slice %arg8[%dma_start3A_493, %dma_start3A_494, %dma_start3A_495] : memref<4x128x128xf32, #tpu.memory_space<vmem>> -> memref<1x128x128xf32, #tpu.memory_space<vmem>>
      %dma_start3A_497 = tpu.memref_squeeze %dma_start3A_496 : memref<1x128x128xf32, #tpu.memory_space<vmem>> -> memref<128x128xf32, #tpu.memory_space<vmem>>
      %dma_start3A_498 = arith.constant 0 : i32
      %dma_start3A_499 = tpu.memref_slice %arg5[%add3A_492, %dma_start3A_498] : memref<524288x128xf32, #tpu.memory_space<hbm>> -> memref<128x128xf32, #tpu.memory_space<hbm>>
      %dma_start3A_500 = arith.constant 0 : i32
      %dma_start3A_501 = tpu.memref_slice %arg5[%add3A_492, %dma_start3A_500] : memref<524288x128xf32, #tpu.memory_space<hbm>> -> memref<128x128xf32, #tpu.memory_space<hbm>>
      %dma_start3A_502 = arith.constant 0 : i32
      %dma_start3A_503 = arith.constant 0 : i32
      %dma_start3A_504 = tpu.memref_slice %arg8[%dma_start3A_493, %dma_start3A_502, %dma_start3A_503] : memref<4x128x128xf32, #tpu.memory_space<vmem>> -> memref<1x128x128xf32, #tpu.memory_space<vmem>>
      %dma_start3A_505 = tpu.memref_squeeze %dma_start3A_504 : memref<1x128x128xf32, #tpu.memory_space<vmem>> -> memref<128x128xf32, #tpu.memory_space<vmem>>
      tpu.enqueue_dma source(%dma_start3A_505 : memref<128x128xf32, #tpu.memory_space<vmem>>) target(%dma_start3A_501 : memref<128x128xf32, #tpu.memory_space<hbm>>) target_semaphore(%arg15 : memref<!tpu.dma_semaphore, #tpu.memory_space<semaphore_mem>>)
      %add3A_506 = arith.constant 2 : i32
      %add3A_507 = arith.addi %add3A_456, %add3A_506 : i32
      %lt3A = arith.constant 128 : i32
      %lt3A_508 = arith.cmpi slt, %add3A_507, %lt3A : i32
      %convert_element_type3A = arith.extui %lt3A_508 : i1 to i32
      %cond3A = arith.constant 0 : i32
      %cond3A_509 = arith.cmpi ne, %convert_element_type3A, %cond3A : i32
      scf.if %cond3A_509 {
        %add3A_690 = arith.constant 2 : i32
        %add3A_691 = arith.addi %add3A_456, %add3A_690 : i32
        %sub3A = arith.constant 4 : i32
        %sub3A_692 = arith.subi %add3A_691, %sub3A : i32
        %mul3A_693 = arith.constant 128 : i32
        %mul3A_694 = arith.muli %sub3A_692, %mul3A_693 : i32
        %add3A_695 = arith.addi %mul3A_2, %mul3A_694 : i32
        %dma_wait3A_696 = arith.constant 2 : i32
        %dma_wait3A_697 = arith.constant 0 : i32
        %dma_wait3A_698 = arith.constant 0 : i32
        %dma_wait3A_699 = tpu.memref_slice %arg8[%dma_wait3A_696, %dma_wait3A_697, %dma_wait3A_698] : memref<4x128x128xf32, #tpu.memory_space<vmem>> -> memref<1x128x128xf32, #tpu.memory_space<vmem>>
        %dma_wait3A_700 = tpu.memref_squeeze %dma_wait3A_699 : memref<1x128x128xf32, #tpu.memory_space<vmem>> -> memref<128x128xf32, #tpu.memory_space<vmem>>
        %dma_wait3A_701 = arith.constant 0 : i32
        %dma_wait3A_702 = tpu.memref_slice %arg5[%add3A_695, %dma_wait3A_701] : memref<524288x128xf32, #tpu.memory_space<hbm>> -> memref<128x128xf32, #tpu.memory_space<hbm>>
        %dma_wait3A_703 = arith.constant 0 : i32
        %dma_wait3A_704 = tpu.memref_slice %arg5[%add3A_695, %dma_wait3A_703] : memref<524288x128xf32, #tpu.memory_space<hbm>> -> memref<128x128xf32, #tpu.memory_space<hbm>>
        %dma_wait3A_705 = arith.constant 0 : i32
        %dma_wait3A_706 = arith.constant 0 : i32
        %dma_wait3A_707 = tpu.memref_slice %arg8[%dma_wait3A_696, %dma_wait3A_705, %dma_wait3A_706] : memref<4x128x128xf32, #tpu.memory_space<vmem>> -> memref<1x128x128xf32, #tpu.memory_space<vmem>>
        %dma_wait3A_708 = tpu.memref_squeeze %dma_wait3A_707 : memref<1x128x128xf32, #tpu.memory_space<vmem>> -> memref<128x128xf32, #tpu.memory_space<vmem>>
        tpu.wait_dma2 semaphore(%arg17 : memref<!tpu.dma_semaphore, #tpu.memory_space<semaphore_mem>>) src(%dma_wait3A_708 : memref<128x128xf32, #tpu.memory_space<vmem>>) dst(%dma_wait3A_704 : memref<128x128xf32, #tpu.memory_space<hbm>>)
        %add3A_709 = arith.constant 2 : i32
        %add3A_710 = arith.addi %add3A_456, %add3A_709 : i32
        %mul3A_711 = arith.constant 128 : i32
        %mul3A_712 = arith.muli %add3A_710, %mul3A_711 : i32
        %add3A_713 = arith.addi %mul3A_2, %mul3A_712 : i32
        %dma_start3A_714 = arith.constant 0 : i32
        %dma_start3A_715 = arith.constant 0 : i32
        %dma_start3A_716 = arith.constant 0 : i32
        %dma_start3A_717 = tpu.memref_slice %arg7[%dma_start3A_714, %dma_start3A_715, %dma_start3A_716] : memref<2x128x128xf32, #tpu.memory_space<vmem>> -> memref<1x128x128xf32, #tpu.memory_space<vmem>>
        %dma_start3A_718 = tpu.memref_squeeze %dma_start3A_717 : memref<1x128x128xf32, #tpu.memory_space<vmem>> -> memref<128x128xf32, #tpu.memory_space<vmem>>
        %dma_start3A_719 = arith.constant 0 : i32
        %dma_start3A_720 = tpu.memref_slice %arg6[%add3A_710, %dma_start3A_719] : memref<128x128xi32, #tpu.memory_space<vmem>> -> memref<1x128xi32, #tpu.memory_space<vmem>>
        %dma_start3A_721 = tpu.memref_squeeze %dma_start3A_720 : memref<1x128xi32, #tpu.memory_space<vmem>> -> memref<128xi32, #tpu.memory_space<vmem>>
        %dma_start3A_722 = arith.constant 0 : i32
        %dma_start3A_723 = arith.constant 0 : i32
        %dma_start3A_724 = tpu.memref_slice %arg3[%dma_start3A_722, %dma_start3A_723] : memref<262144x128xf32, #tpu.memory_space<hbm>> -> memref<262144x128xf32, #tpu.memory_space<hbm>>
        tpu.enqueue_indirect_dma source(%dma_start3A_724 : memref<262144x128xf32, #tpu.memory_space<hbm>>) target(%dma_start3A_718 : memref<128x128xf32, #tpu.memory_space<vmem>>) offsets(%dma_start3A_721 : memref<128xi32, #tpu.memory_space<vmem>>) semaphore(%arg9 : memref<!tpu.dma_semaphore, #tpu.memory_space<semaphore_mem>>)
        %dma_start3A_725 = arith.constant 2 : i32
        %dma_start3A_726 = arith.constant 0 : i32
        %dma_start3A_727 = arith.constant 0 : i32
        %dma_start3A_728 = tpu.memref_slice %arg8[%dma_start3A_725, %dma_start3A_726, %dma_start3A_727] : memref<4x128x128xf32, #tpu.memory_space<vmem>> -> memref<1x128x128xf32, #tpu.memory_space<vmem>>
        %dma_start3A_729 = tpu.memref_squeeze %dma_start3A_728 : memref<1x128x128xf32, #tpu.memory_space<vmem>> -> memref<128x128xf32, #tpu.memory_space<vmem>>
        %dma_start3A_730 = arith.constant 0 : i32
        %dma_start3A_731 = tpu.memref_slice %arg2[%add3A_713, %dma_start3A_730] : memref<524288x128xf32, #tpu.memory_space<hbm>> -> memref<128x128xf32, #tpu.memory_space<hbm>>
        %dma_start3A_732 = arith.constant 0 : i32
        %dma_start3A_733 = arith.constant 0 : i32
        %dma_start3A_734 = tpu.memref_slice %arg8[%dma_start3A_725, %dma_start3A_732, %dma_start3A_733] : memref<4x128x128xf32, #tpu.memory_space<vmem>> -> memref<1x128x128xf32, #tpu.memory_space<vmem>>
        %dma_start3A_735 = tpu.memref_squeeze %dma_start3A_734 : memref<1x128x128xf32, #tpu.memory_space<vmem>> -> memref<128x128xf32, #tpu.memory_space<vmem>>
        %dma_start3A_736 = arith.constant 0 : i32
        %dma_start3A_737 = tpu.memref_slice %arg2[%add3A_713, %dma_start3A_736] : memref<524288x128xf32, #tpu.memory_space<hbm>> -> memref<128x128xf32, #tpu.memory_space<hbm>>
        tpu.enqueue_dma source(%dma_start3A_737 : memref<128x128xf32, #tpu.memory_space<hbm>>) target(%dma_start3A_735 : memref<128x128xf32, #tpu.memory_space<vmem>>) target_semaphore(%arg13 : memref<!tpu.dma_semaphore, #tpu.memory_space<semaphore_mem>>)
      } else {
      }
      %mul3A_510 = arith.constant 4 : i32
      %mul3A_511 = arith.muli %scan3A_452, %mul3A_510 : i32
      %add3A_512 = arith.constant 1 : i32
      %add3A_513 = arith.addi %mul3A_511, %add3A_512 : i32
      %mul3A_514 = arith.constant 128 : i32
      %mul3A_515 = arith.muli %add3A_513, %mul3A_514 : i32
      %add3A_516 = arith.addi %mul3A_2, %mul3A_515 : i32
      %dma_wait3A_517 = arith.constant 1 : i32
      %dma_wait3A_518 = arith.constant 0 : i32
      %dma_wait3A_519 = arith.constant 0 : i32
      %dma_wait3A_520 = tpu.memref_slice %arg7[%dma_wait3A_517, %dma_wait3A_518, %dma_wait3A_519] : memref<2x128x128xf32, #tpu.memory_space<vmem>> -> memref<1x128x128xf32, #tpu.memory_space<vmem>>
      %dma_wait3A_521 = tpu.memref_squeeze %dma_wait3A_520 : memref<1x128x128xf32, #tpu.memory_space<vmem>> -> memref<128x128xf32, #tpu.memory_space<vmem>>
      %dma_wait3A_522 = arith.constant 0 : i32
      %dma_wait3A_523 = tpu.memref_slice %arg6[%add3A_513, %dma_wait3A_522] : memref<128x128xi32, #tpu.memory_space<vmem>> -> memref<1x128xi32, #tpu.memory_space<vmem>>
      %dma_wait3A_524 = tpu.memref_squeeze %dma_wait3A_523 : memref<1x128xi32, #tpu.memory_space<vmem>> -> memref<128xi32, #tpu.memory_space<vmem>>
      %dma_wait3A_525 = arith.constant 0 : i32
      %dma_wait3A_526 = arith.constant 0 : i32
      %dma_wait3A_527 = tpu.memref_slice %arg3[%dma_wait3A_525, %dma_wait3A_526] : memref<262144x128xf32, #tpu.memory_space<hbm>> -> memref<262144x128xf32, #tpu.memory_space<hbm>>
      tpu.wait_indirect_dma semaphore(%arg10 : memref<!tpu.dma_semaphore, #tpu.memory_space<semaphore_mem>>) src(%dma_wait3A_527 : memref<262144x128xf32, #tpu.memory_space<hbm>>) dst(%dma_wait3A_521 : memref<128x128xf32, #tpu.memory_space<vmem>>)
      %dma_wait3A_528 = arith.constant 1 : i32
      %dma_wait3A_529 = arith.constant 0 : i32
      %dma_wait3A_530 = arith.constant 0 : i32
      %dma_wait3A_531 = tpu.memref_slice %arg8[%dma_wait3A_528, %dma_wait3A_529, %dma_wait3A_530] : memref<4x128x128xf32, #tpu.memory_space<vmem>> -> memref<1x128x128xf32, #tpu.memory_space<vmem>>
      %dma_wait3A_532 = tpu.memref_squeeze %dma_wait3A_531 : memref<1x128x128xf32, #tpu.memory_space<vmem>> -> memref<128x128xf32, #tpu.memory_space<vmem>>
      %dma_wait3A_533 = arith.constant 0 : i32
      %dma_wait3A_534 = tpu.memref_slice %arg2[%add3A_516, %dma_wait3A_533] : memref<524288x128xf32, #tpu.memory_space<hbm>> -> memref<128x128xf32, #tpu.memory_space<hbm>>
      %dma_wait3A_535 = arith.constant 0 : i32
      %dma_wait3A_536 = arith.constant 0 : i32
      %dma_wait3A_537 = tpu.memref_slice %arg8[%dma_wait3A_528, %dma_wait3A_535, %dma_wait3A_536] : memref<4x128x128xf32, #tpu.memory_space<vmem>> -> memref<1x128x128xf32, #tpu.memory_space<vmem>>
      %dma_wait3A_538 = tpu.memref_squeeze %dma_wait3A_537 : memref<1x128x128xf32, #tpu.memory_space<vmem>> -> memref<128x128xf32, #tpu.memory_space<vmem>>
      %dma_wait3A_539 = arith.constant 0 : i32
      %dma_wait3A_540 = tpu.memref_slice %arg2[%add3A_516, %dma_wait3A_539] : memref<524288x128xf32, #tpu.memory_space<hbm>> -> memref<128x128xf32, #tpu.memory_space<hbm>>
      tpu.wait_dma2 semaphore(%arg12 : memref<!tpu.dma_semaphore, #tpu.memory_space<semaphore_mem>>) src(%dma_wait3A_540 : memref<128x128xf32, #tpu.memory_space<hbm>>) dst(%dma_wait3A_538 : memref<128x128xf32, #tpu.memory_space<vmem>>)
      %scan3A_541 = arith.constant 0 : i32
      %scan3A_542 = arith.constant 0 : i32
      %scan3A_543 = arith.constant 128 : i32
      %scan3A_544 = arith.addi %scan3A_542, %scan3A_543 : i32
      %scan3A_545 = arith.constant 1 : i32
      scf.for %scan3A_690 = %scan3A_542 to %scan3A_544 step %scan3A_545  : i32 {
        %get3A = arith.constant 1 : i32
        %get3A_691 = arith.index_cast %get3A : i32 to index
        %get3A_692 = arith.index_cast %scan3A_690 : i32 to index
        %get3A_693 = arith.constant 0 : index
        %get3A_694 = tpu.vector_load %arg8[%get3A_691, %get3A_692, %get3A_693] {strides = array<i32>} : memref<4x128x128xf32, #tpu.memory_space<vmem>>, vector<1x1x16xf32>,
        %get3A_695 = vector.shape_cast %get3A_694 : vector<1x1x16xf32> to vector<16xf32>
        %get3A_696 = arith.constant 1 : i32
        %get3A_697 = arith.index_cast %get3A_696 : i32 to index
        %get3A_698 = arith.index_cast %scan3A_690 : i32 to index
        %get3A_699 = arith.constant 0 : index
        %get3A_700 = tpu.vector_load %arg7[%get3A_697, %get3A_698, %get3A_699] {strides = array<i32>} : memref<2x128x128xf32, #tpu.memory_space<vmem>>, vector<1x1x16xf32>,
        %get3A_701 = vector.shape_cast %get3A_700 : vector<1x1x16xf32> to vector<16xf32>
        %add3A_702 = arith.addf %get3A_695, %get3A_701 : vector<16xf32>
        %swap3A = arith.constant 1 : i32
        %swap3A_703 = arith.index_cast %swap3A : i32 to index
        %swap3A_704 = arith.index_cast %scan3A_690 : i32 to index
        %swap3A_705 = arith.constant 0 : index
        %swap3A_706 = tpu.vector_load %arg8[%swap3A_703, %swap3A_704, %swap3A_705] {strides = array<i32>} : memref<4x128x128xf32, #tpu.memory_space<vmem>>, vector<1x1x16xf32>,
        %swap3A_707 = vector.shape_cast %swap3A_706 : vector<1x1x16xf32> to vector<16xf32>
        %swap3A_708 = vector.shape_cast %add3A_702 : vector<16xf32> to vector<1x1x16xf32>
        tpu.vector_store %arg8[%swap3A_703, %swap3A_704, %swap3A_705], %swap3A_708 {strides = array<i32>} : memref<4x128x128xf32, #tpu.memory_space<vmem>>, vector<1x1x16xf32>,
        %get3A_709 = arith.constant 1 : i32
        %get3A_710 = arith.index_cast %get3A_709 : i32 to index
        %get3A_711 = arith.index_cast %scan3A_690 : i32 to index
        %get3A_712 = arith.constant 16 : index
        %get3A_713 = tpu.vector_load %arg8[%get3A_710, %get3A_711, %get3A_712] {strides = array<i32>} : memref<4x128x128xf32, #tpu.memory_space<vmem>>, vector<1x1x16xf32>,
        %get3A_714 = vector.shape_cast %get3A_713 : vector<1x1x16xf32> to vector<16xf32>
        %get3A_715 = arith.constant 1 : i32
        %get3A_716 = arith.index_cast %get3A_715 : i32 to index
        %get3A_717 = arith.index_cast %scan3A_690 : i32 to index
        %get3A_718 = arith.constant 16 : index
        %get3A_719 = tpu.vector_load %arg7[%get3A_716, %get3A_717, %get3A_718] {strides = array<i32>} : memref<2x128x128xf32, #tpu.memory_space<vmem>>, vector<1x1x16xf32>,
        %get3A_720 = vector.shape_cast %get3A_719 : vector<1x1x16xf32> to vector<16xf32>
        %add3A_721 = arith.addf %get3A_714, %get3A_720 : vector<16xf32>
        %swap3A_722 = arith.constant 1 : i32
        %swap3A_723 = arith.index_cast %swap3A_722 : i32 to index
        %swap3A_724 = arith.index_cast %scan3A_690 : i32 to index
        %swap3A_725 = arith.constant 16 : index
        %swap3A_726 = tpu.vector_load %arg8[%swap3A_723, %swap3A_724, %swap3A_725] {strides = array<i32>} : memref<4x128x128xf32, #tpu.memory_space<vmem>>, vector<1x1x16xf32>,
        %swap3A_727 = vector.shape_cast %swap3A_726 : vector<1x1x16xf32> to vector<16xf32>
        %swap3A_728 = vector.shape_cast %add3A_721 : vector<16xf32> to vector<1x1x16xf32>
        tpu.vector_store %arg8[%swap3A_723, %swap3A_724, %swap3A_725], %swap3A_728 {strides = array<i32>} : memref<4x128x128xf32, #tpu.memory_space<vmem>>, vector<1x1x16xf32>,
        %get3A_729 = arith.constant 1 : i32
        %get3A_730 = arith.index_cast %get3A_729 : i32 to index
        %get3A_731 = arith.index_cast %scan3A_690 : i32 to index
        %get3A_732 = arith.constant 32 : index
        %get3A_733 = tpu.vector_load %arg8[%get3A_730, %get3A_731, %get3A_732] {strides = array<i32>} : memref<4x128x128xf32, #tpu.memory_space<vmem>>, vector<1x1x16xf32>,
        %get3A_734 = vector.shape_cast %get3A_733 : vector<1x1x16xf32> to vector<16xf32>
        %get3A_735 = arith.constant 1 : i32
        %get3A_736 = arith.index_cast %get3A_735 : i32 to index
        %get3A_737 = arith.index_cast %scan3A_690 : i32 to index
        %get3A_738 = arith.constant 32 : index
        %get3A_739 = tpu.vector_load %arg7[%get3A_736, %get3A_737, %get3A_738] {strides = array<i32>} : memref<2x128x128xf32, #tpu.memory_space<vmem>>, vector<1x1x16xf32>,
        %get3A_740 = vector.shape_cast %get3A_739 : vector<1x1x16xf32> to vector<16xf32>
        %add3A_741 = arith.addf %get3A_734, %get3A_740 : vector<16xf32>
        %swap3A_742 = arith.constant 1 : i32
        %swap3A_743 = arith.index_cast %swap3A_742 : i32 to index
        %swap3A_744 = arith.index_cast %scan3A_690 : i32 to index
        %swap3A_745 = arith.constant 32 : index
        %swap3A_746 = tpu.vector_load %arg8[%swap3A_743, %swap3A_744, %swap3A_745] {strides = array<i32>} : memref<4x128x128xf32, #tpu.memory_space<vmem>>, vector<1x1x16xf32>,
        %swap3A_747 = vector.shape_cast %swap3A_746 : vector<1x1x16xf32> to vector<16xf32>
        %swap3A_748 = vector.shape_cast %add3A_741 : vector<16xf32> to vector<1x1x16xf32>
        tpu.vector_store %arg8[%swap3A_743, %swap3A_744, %swap3A_745], %swap3A_748 {strides = array<i32>} : memref<4x128x128xf32, #tpu.memory_space<vmem>>, vector<1x1x16xf32>,
        %get3A_749 = arith.constant 1 : i32
        %get3A_750 = arith.index_cast %get3A_749 : i32 to index
        %get3A_751 = arith.index_cast %scan3A_690 : i32 to index
        %get3A_752 = arith.constant 48 : index
        %get3A_753 = tpu.vector_load %arg8[%get3A_750, %get3A_751, %get3A_752] {strides = array<i32>} : memref<4x128x128xf32, #tpu.memory_space<vmem>>, vector<1x1x16xf32>,
        %get3A_754 = vector.shape_cast %get3A_753 : vector<1x1x16xf32> to vector<16xf32>
        %get3A_755 = arith.constant 1 : i32
        %get3A_756 = arith.index_cast %get3A_755 : i32 to index
        %get3A_757 = arith.index_cast %scan3A_690 : i32 to index
        %get3A_758 = arith.constant 48 : index
        %get3A_759 = tpu.vector_load %arg7[%get3A_756, %get3A_757, %get3A_758] {strides = array<i32>} : memref<2x128x128xf32, #tpu.memory_space<vmem>>, vector<1x1x16xf32>,
        %get3A_760 = vector.shape_cast %get3A_759 : vector<1x1x16xf32> to vector<16xf32>
        %add3A_761 = arith.addf %get3A_754, %get3A_760 : vector<16xf32>
        %swap3A_762 = arith.constant 1 : i32
        %swap3A_763 = arith.index_cast %swap3A_762 : i32 to index
        %swap3A_764 = arith.index_cast %scan3A_690 : i32 to index
        %swap3A_765 = arith.constant 48 : index
        %swap3A_766 = tpu.vector_load %arg8[%swap3A_763, %swap3A_764, %swap3A_765] {strides = array<i32>} : memref<4x128x128xf32, #tpu.memory_space<vmem>>, vector<1x1x16xf32>,
        %swap3A_767 = vector.shape_cast %swap3A_766 : vector<1x1x16xf32> to vector<16xf32>
        %swap3A_768 = vector.shape_cast %add3A_761 : vector<16xf32> to vector<1x1x16xf32>
        tpu.vector_store %arg8[%swap3A_763, %swap3A_764, %swap3A_765], %swap3A_768 {strides = array<i32>} : memref<4x128x128xf32, #tpu.memory_space<vmem>>, vector<1x1x16xf32>,
        %get3A_769 = arith.constant 1 : i32
        %get3A_770 = arith.index_cast %get3A_769 : i32 to index
        %get3A_771 = arith.index_cast %scan3A_690 : i32 to index
        %get3A_772 = arith.constant 64 : index
        %get3A_773 = tpu.vector_load %arg8[%get3A_770, %get3A_771, %get3A_772] {strides = array<i32>} : memref<4x128x128xf32, #tpu.memory_space<vmem>>, vector<1x1x16xf32>,
        %get3A_774 = vector.shape_cast %get3A_773 : vector<1x1x16xf32> to vector<16xf32>
        %get3A_775 = arith.constant 1 : i32
        %get3A_776 = arith.index_cast %get3A_775 : i32 to index
        %get3A_777 = arith.index_cast %scan3A_690 : i32 to index
        %get3A_778 = arith.constant 64 : index
        %get3A_779 = tpu.vector_load %arg7[%get3A_776, %get3A_777, %get3A_778] {strides = array<i32>} : memref<2x128x128xf32, #tpu.memory_space<vmem>>, vector<1x1x16xf32>,
        %get3A_780 = vector.shape_cast %get3A_779 : vector<1x1x16xf32> to vector<16xf32>
        %add3A_781 = arith.addf %get3A_774, %get3A_780 : vector<16xf32>
        %swap3A_782 = arith.constant 1 : i32
        %swap3A_783 = arith.index_cast %swap3A_782 : i32 to index
        %swap3A_784 = arith.index_cast %scan3A_690 : i32 to index
        %swap3A_785 = arith.constant 64 : index
        %swap3A_786 = tpu.vector_load %arg8[%swap3A_783, %swap3A_784, %swap3A_785] {strides = array<i32>} : memref<4x128x128xf32, #tpu.memory_space<vmem>>, vector<1x1x16xf32>,
        %swap3A_787 = vector.shape_cast %swap3A_786 : vector<1x1x16xf32> to vector<16xf32>
        %swap3A_788 = vector.shape_cast %add3A_781 : vector<16xf32> to vector<1x1x16xf32>
        tpu.vector_store %arg8[%swap3A_783, %swap3A_784, %swap3A_785], %swap3A_788 {strides = array<i32>} : memref<4x128x128xf32, #tpu.memory_space<vmem>>, vector<1x1x16xf32>,
        %get3A_789 = arith.constant 1 : i32
        %get3A_790 = arith.index_cast %get3A_789 : i32 to index
        %get3A_791 = arith.index_cast %scan3A_690 : i32 to index
        %get3A_792 = arith.constant 80 : index
        %get3A_793 = tpu.vector_load %arg8[%get3A_790, %get3A_791, %get3A_792] {strides = array<i32>} : memref<4x128x128xf32, #tpu.memory_space<vmem>>, vector<1x1x16xf32>,
        %get3A_794 = vector.shape_cast %get3A_793 : vector<1x1x16xf32> to vector<16xf32>
        %get3A_795 = arith.constant 1 : i32
        %get3A_796 = arith.index_cast %get3A_795 : i32 to index
        %get3A_797 = arith.index_cast %scan3A_690 : i32 to index
        %get3A_798 = arith.constant 80 : index
        %get3A_799 = tpu.vector_load %arg7[%get3A_796, %get3A_797, %get3A_798] {strides = array<i32>} : memref<2x128x128xf32, #tpu.memory_space<vmem>>, vector<1x1x16xf32>,
        %get3A_800 = vector.shape_cast %get3A_799 : vector<1x1x16xf32> to vector<16xf32>
        %add3A_801 = arith.addf %get3A_794, %get3A_800 : vector<16xf32>
        %swap3A_802 = arith.constant 1 : i32
        %swap3A_803 = arith.index_cast %swap3A_802 : i32 to index
        %swap3A_804 = arith.index_cast %scan3A_690 : i32 to index
        %swap3A_805 = arith.constant 80 : index
        %swap3A_806 = tpu.vector_load %arg8[%swap3A_803, %swap3A_804, %swap3A_805] {strides = array<i32>} : memref<4x128x128xf32, #tpu.memory_space<vmem>>, vector<1x1x16xf32>,
        %swap3A_807 = vector.shape_cast %swap3A_806 : vector<1x1x16xf32> to vector<16xf32>
        %swap3A_808 = vector.shape_cast %add3A_801 : vector<16xf32> to vector<1x1x16xf32>
        tpu.vector_store %arg8[%swap3A_803, %swap3A_804, %swap3A_805], %swap3A_808 {strides = array<i32>} : memref<4x128x128xf32, #tpu.memory_space<vmem>>, vector<1x1x16xf32>,
        %get3A_809 = arith.constant 1 : i32
        %get3A_810 = arith.index_cast %get3A_809 : i32 to index
        %get3A_811 = arith.index_cast %scan3A_690 : i32 to index
        %get3A_812 = arith.constant 96 : index
        %get3A_813 = tpu.vector_load %arg8[%get3A_810, %get3A_811, %get3A_812] {strides = array<i32>} : memref<4x128x128xf32, #tpu.memory_space<vmem>>, vector<1x1x16xf32>,
        %get3A_814 = vector.shape_cast %get3A_813 : vector<1x1x16xf32> to vector<16xf32>
        %get3A_815 = arith.constant 1 : i32
        %get3A_816 = arith.index_cast %get3A_815 : i32 to index
        %get3A_817 = arith.index_cast %scan3A_690 : i32 to index
        %get3A_818 = arith.constant 96 : index
        %get3A_819 = tpu.vector_load %arg7[%get3A_816, %get3A_817, %get3A_818] {strides = array<i32>} : memref<2x128x128xf32, #tpu.memory_space<vmem>>, vector<1x1x16xf32>,
        %get3A_820 = vector.shape_cast %get3A_819 : vector<1x1x16xf32> to vector<16xf32>
        %add3A_821 = arith.addf %get3A_814, %get3A_820 : vector<16xf32>
        %swap3A_822 = arith.constant 1 : i32
        %swap3A_823 = arith.index_cast %swap3A_822 : i32 to index
        %swap3A_824 = arith.index_cast %scan3A_690 : i32 to index
        %swap3A_825 = arith.constant 96 : index
        %swap3A_826 = tpu.vector_load %arg8[%swap3A_823, %swap3A_824, %swap3A_825] {strides = array<i32>} : memref<4x128x128xf32, #tpu.memory_space<vmem>>, vector<1x1x16xf32>,
        %swap3A_827 = vector.shape_cast %swap3A_826 : vector<1x1x16xf32> to vector<16xf32>
        %swap3A_828 = vector.shape_cast %add3A_821 : vector<16xf32> to vector<1x1x16xf32>
        tpu.vector_store %arg8[%swap3A_823, %swap3A_824, %swap3A_825], %swap3A_828 {strides = array<i32>} : memref<4x128x128xf32, #tpu.memory_space<vmem>>, vector<1x1x16xf32>,
        %get3A_829 = arith.constant 1 : i32
        %get3A_830 = arith.index_cast %get3A_829 : i32 to index
        %get3A_831 = arith.index_cast %scan3A_690 : i32 to index
        %get3A_832 = arith.constant 112 : index
        %get3A_833 = tpu.vector_load %arg8[%get3A_830, %get3A_831, %get3A_832] {strides = array<i32>} : memref<4x128x128xf32, #tpu.memory_space<vmem>>, vector<1x1x16xf32>,
        %get3A_834 = vector.shape_cast %get3A_833 : vector<1x1x16xf32> to vector<16xf32>
        %get3A_835 = arith.constant 1 : i32
        %get3A_836 = arith.index_cast %get3A_835 : i32 to index
        %get3A_837 = arith.index_cast %scan3A_690 : i32 to index
        %get3A_838 = arith.constant 112 : index
        %get3A_839 = tpu.vector_load %arg7[%get3A_836, %get3A_837, %get3A_838] {strides = array<i32>} : memref<2x128x128xf32, #tpu.memory_space<vmem>>, vector<1x1x16xf32>,
        %get3A_840 = vector.shape_cast %get3A_839 : vector<1x1x16xf32> to vector<16xf32>
        %add3A_841 = arith.addf %get3A_834, %get3A_840 : vector<16xf32>
        %swap3A_842 = arith.constant 1 : i32
        %swap3A_843 = arith.index_cast %swap3A_842 : i32 to index
        %swap3A_844 = arith.index_cast %scan3A_690 : i32 to index
        %swap3A_845 = arith.constant 112 : index
        %swap3A_846 = tpu.vector_load %arg8[%swap3A_843, %swap3A_844, %swap3A_845] {strides = array<i32>} : memref<4x128x128xf32, #tpu.memory_space<vmem>>, vector<1x1x16xf32>,
        %swap3A_847 = vector.shape_cast %swap3A_846 : vector<1x1x16xf32> to vector<16xf32>
        %swap3A_848 = vector.shape_cast %add3A_841 : vector<16xf32> to vector<1x1x16xf32>
        tpu.vector_store %arg8[%swap3A_843, %swap3A_844, %swap3A_845], %swap3A_848 {strides = array<i32>} : memref<4x128x128xf32, #tpu.memory_space<vmem>>, vector<1x1x16xf32>,
      }
      %scan3A_546 = arith.constant 128 : i32
      %mul3A_547 = arith.constant 128 : i32
      %mul3A_548 = arith.muli %add3A_513, %mul3A_547 : i32
      %add3A_549 = arith.addi %mul3A_2, %mul3A_548 : i32
      %dma_start3A_550 = arith.constant 1 : i32
      %dma_start3A_551 = arith.constant 0 : i32
      %dma_start3A_552 = arith.constant 0 : i32
      %dma_start3A_553 = tpu.memref_slice %arg8[%dma_start3A_550, %dma_start3A_551, %dma_start3A_552] : memref<4x128x128xf32, #tpu.memory_space<vmem>> -> memref<1x128x128xf32, #tpu.memory_space<vmem>>
      %dma_start3A_554 = tpu.memref_squeeze %dma_start3A_553 : memref<1x128x128xf32, #tpu.memory_space<vmem>> -> memref<128x128xf32, #tpu.memory_space<vmem>>
      %dma_start3A_555 = arith.constant 0 : i32
      %dma_start3A_556 = tpu.memref_slice %arg5[%add3A_549, %dma_start3A_555] : memref<524288x128xf32, #tpu.memory_space<hbm>> -> memref<128x128xf32, #tpu.memory_space<hbm>>
      %dma_start3A_557 = arith.constant 0 : i32
      %dma_start3A_558 = tpu.memref_slice %arg5[%add3A_549, %dma_start3A_557] : memref<524288x128xf32, #tpu.memory_space<hbm>> -> memref<128x128xf32, #tpu.memory_space<hbm>>
      %dma_start3A_559 = arith.constant 0 : i32
      %dma_start3A_560 = arith.constant 0 : i32
      %dma_start3A_561 = tpu.memref_slice %arg8[%dma_start3A_550, %dma_start3A_559, %dma_start3A_560] : memref<4x128x128xf32, #tpu.memory_space<vmem>> -> memref<1x128x128xf32, #tpu.memory_space<vmem>>
      %dma_start3A_562 = tpu.memref_squeeze %dma_start3A_561 : memref<1x128x128xf32, #tpu.memory_space<vmem>> -> memref<128x128xf32, #tpu.memory_space<vmem>>
      tpu.enqueue_dma source(%dma_start3A_562 : memref<128x128xf32, #tpu.memory_space<vmem>>) target(%dma_start3A_558 : memref<128x128xf32, #tpu.memory_space<hbm>>) target_semaphore(%arg16 : memref<!tpu.dma_semaphore, #tpu.memory_space<semaphore_mem>>)
      %add3A_563 = arith.constant 2 : i32
      %add3A_564 = arith.addi %add3A_513, %add3A_563 : i32
      %lt3A_565 = arith.constant 128 : i32
      %lt3A_566 = arith.cmpi slt, %add3A_564, %lt3A_565 : i32
      %convert_element_type3A_567 = arith.extui %lt3A_566 : i1 to i32
      %cond3A_568 = arith.constant 0 : i32
      %cond3A_569 = arith.cmpi ne, %convert_element_type3A_567, %cond3A_568 : i32
      scf.if %cond3A_569 {
        %add3A_690 = arith.constant 2 : i32
        %add3A_691 = arith.addi %add3A_513, %add3A_690 : i32
        %sub3A = arith.constant 4 : i32
        %sub3A_692 = arith.subi %add3A_691, %sub3A : i32
        %mul3A_693 = arith.constant 128 : i32
        %mul3A_694 = arith.muli %sub3A_692, %mul3A_693 : i32
        %add3A_695 = arith.addi %mul3A_2, %mul3A_694 : i32
        %dma_wait3A_696 = arith.constant 3 : i32
        %dma_wait3A_697 = arith.constant 0 : i32
        %dma_wait3A_698 = arith.constant 0 : i32
        %dma_wait3A_699 = tpu.memref_slice %arg8[%dma_wait3A_696, %dma_wait3A_697, %dma_wait3A_698] : memref<4x128x128xf32, #tpu.memory_space<vmem>> -> memref<1x128x128xf32, #tpu.memory_space<vmem>>
        %dma_wait3A_700 = tpu.memref_squeeze %dma_wait3A_699 : memref<1x128x128xf32, #tpu.memory_space<vmem>> -> memref<128x128xf32, #tpu.memory_space<vmem>>
        %dma_wait3A_701 = arith.constant 0 : i32
        %dma_wait3A_702 = tpu.memref_slice %arg5[%add3A_695, %dma_wait3A_701] : memref<524288x128xf32, #tpu.memory_space<hbm>> -> memref<128x128xf32, #tpu.memory_space<hbm>>
        %dma_wait3A_703 = arith.constant 0 : i32
        %dma_wait3A_704 = tpu.memref_slice %arg5[%add3A_695, %dma_wait3A_703] : memref<524288x128xf32, #tpu.memory_space<hbm>> -> memref<128x128xf32, #tpu.memory_space<hbm>>
        %dma_wait3A_705 = arith.constant 0 : i32
        %dma_wait3A_706 = arith.constant 0 : i32
        %dma_wait3A_707 = tpu.memref_slice %arg8[%dma_wait3A_696, %dma_wait3A_705, %dma_wait3A_706] : memref<4x128x128xf32, #tpu.memory_space<vmem>> -> memref<1x128x128xf32, #tpu.memory_space<vmem>>
        %dma_wait3A_708 = tpu.memref_squeeze %dma_wait3A_707 : memref<1x128x128xf32, #tpu.memory_space<vmem>> -> memref<128x128xf32, #tpu.memory_space<vmem>>
        tpu.wait_dma2 semaphore(%arg18 : memref<!tpu.dma_semaphore, #tpu.memory_space<semaphore_mem>>) src(%dma_wait3A_708 : memref<128x128xf32, #tpu.memory_space<vmem>>) dst(%dma_wait3A_704 : memref<128x128xf32, #tpu.memory_space<hbm>>)
        %add3A_709 = arith.constant 2 : i32
        %add3A_710 = arith.addi %add3A_513, %add3A_709 : i32
        %mul3A_711 = arith.constant 128 : i32
        %mul3A_712 = arith.muli %add3A_710, %mul3A_711 : i32
        %add3A_713 = arith.addi %mul3A_2, %mul3A_712 : i32
        %dma_start3A_714 = arith.constant 1 : i32
        %dma_start3A_715 = arith.constant 0 : i32
        %dma_start3A_716 = arith.constant 0 : i32
        %dma_start3A_717 = tpu.memref_slice %arg7[%dma_start3A_714, %dma_start3A_715, %dma_start3A_716] : memref<2x128x128xf32, #tpu.memory_space<vmem>> -> memref<1x128x128xf32, #tpu.memory_space<vmem>>
        %dma_start3A_718 = tpu.memref_squeeze %dma_start3A_717 : memref<1x128x128xf32, #tpu.memory_space<vmem>> -> memref<128x128xf32, #tpu.memory_space<vmem>>
        %dma_start3A_719 = arith.constant 0 : i32
        %dma_start3A_720 = tpu.memref_slice %arg6[%add3A_710, %dma_start3A_719] : memref<128x128xi32, #tpu.memory_space<vmem>> -> memref<1x128xi32, #tpu.memory_space<vmem>>
        %dma_start3A_721 = tpu.memref_squeeze %dma_start3A_720 : memref<1x128xi32, #tpu.memory_space<vmem>> -> memref<128xi32, #tpu.memory_space<vmem>>
        %dma_start3A_722 = arith.constant 0 : i32
        %dma_start3A_723 = arith.constant 0 : i32
        %dma_start3A_724 = tpu.memref_slice %arg3[%dma_start3A_722, %dma_start3A_723] : memref<262144x128xf32, #tpu.memory_space<hbm>> -> memref<262144x128xf32, #tpu.memory_space<hbm>>
        tpu.enqueue_indirect_dma source(%dma_start3A_724 : memref<262144x128xf32, #tpu.memory_space<hbm>>) target(%dma_start3A_718 : memref<128x128xf32, #tpu.memory_space<vmem>>) offsets(%dma_start3A_721 : memref<128xi32, #tpu.memory_space<vmem>>) semaphore(%arg10 : memref<!tpu.dma_semaphore, #tpu.memory_space<semaphore_mem>>)
        %dma_start3A_725 = arith.constant 3 : i32
        %dma_start3A_726 = arith.constant 0 : i32
        %dma_start3A_727 = arith.constant 0 : i32
        %dma_start3A_728 = tpu.memref_slice %arg8[%dma_start3A_725, %dma_start3A_726, %dma_start3A_727] : memref<4x128x128xf32, #tpu.memory_space<vmem>> -> memref<1x128x128xf32, #tpu.memory_space<vmem>>
        %dma_start3A_729 = tpu.memref_squeeze %dma_start3A_728 : memref<1x128x128xf32, #tpu.memory_space<vmem>> -> memref<128x128xf32, #tpu.memory_space<vmem>>
        %dma_start3A_730 = arith.constant 0 : i32
        %dma_start3A_731 = tpu.memref_slice %arg2[%add3A_713, %dma_start3A_730] : memref<524288x128xf32, #tpu.memory_space<hbm>> -> memref<128x128xf32, #tpu.memory_space<hbm>>
        %dma_start3A_732 = arith.constant 0 : i32
        %dma_start3A_733 = arith.constant 0 : i32
        %dma_start3A_734 = tpu.memref_slice %arg8[%dma_start3A_725, %dma_start3A_732, %dma_start3A_733] : memref<4x128x128xf32, #tpu.memory_space<vmem>> -> memref<1x128x128xf32, #tpu.memory_space<vmem>>
        %dma_start3A_735 = tpu.memref_squeeze %dma_start3A_734 : memref<1x128x128xf32, #tpu.memory_space<vmem>> -> memref<128x128xf32, #tpu.memory_space<vmem>>
        %dma_start3A_736 = arith.constant 0 : i32
        %dma_start3A_737 = tpu.memref_slice %arg2[%add3A_713, %dma_start3A_736] : memref<524288x128xf32, #tpu.memory_space<hbm>> -> memref<128x128xf32, #tpu.memory_space<hbm>>
        tpu.enqueue_dma source(%dma_start3A_737 : memref<128x128xf32, #tpu.memory_space<hbm>>) target(%dma_start3A_735 : memref<128x128xf32, #tpu.memory_space<vmem>>) target_semaphore(%arg14 : memref<!tpu.dma_semaphore, #tpu.memory_space<semaphore_mem>>)
      } else {
      }
      %mul3A_570 = arith.constant 4 : i32
      %mul3A_571 = arith.muli %scan3A_452, %mul3A_570 : i32
      %add3A_572 = arith.constant 2 : i32
      %add3A_573 = arith.addi %mul3A_571, %add3A_572 : i32
      %mul3A_574 = arith.constant 128 : i32
      %mul3A_575 = arith.muli %add3A_573, %mul3A_574 : i32
      %add3A_576 = arith.addi %mul3A_2, %mul3A_575 : i32
      %dma_wait3A_577 = arith.constant 0 : i32
      %dma_wait3A_578 = arith.constant 0 : i32
      %dma_wait3A_579 = arith.constant 0 : i32
      %dma_wait3A_580 = tpu.memref_slice %arg7[%dma_wait3A_577, %dma_wait3A_578, %dma_wait3A_579] : memref<2x128x128xf32, #tpu.memory_space<vmem>> -> memref<1x128x128xf32, #tpu.memory_space<vmem>>
      %dma_wait3A_581 = tpu.memref_squeeze %dma_wait3A_580 : memref<1x128x128xf32, #tpu.memory_space<vmem>> -> memref<128x128xf32, #tpu.memory_space<vmem>>
      %dma_wait3A_582 = arith.constant 0 : i32
      %dma_wait3A_583 = tpu.memref_slice %arg6[%add3A_573, %dma_wait3A_582] : memref<128x128xi32, #tpu.memory_space<vmem>> -> memref<1x128xi32, #tpu.memory_space<vmem>>
      %dma_wait3A_584 = tpu.memref_squeeze %dma_wait3A_583 : memref<1x128xi32, #tpu.memory_space<vmem>> -> memref<128xi32, #tpu.memory_space<vmem>>
      %dma_wait3A_585 = arith.constant 0 : i32
      %dma_wait3A_586 = arith.constant 0 : i32
      %dma_wait3A_587 = tpu.memref_slice %arg3[%dma_wait3A_585, %dma_wait3A_586] : memref<262144x128xf32, #tpu.memory_space<hbm>> -> memref<262144x128xf32, #tpu.memory_space<hbm>>
      tpu.wait_indirect_dma semaphore(%arg9 : memref<!tpu.dma_semaphore, #tpu.memory_space<semaphore_mem>>) src(%dma_wait3A_587 : memref<262144x128xf32, #tpu.memory_space<hbm>>) dst(%dma_wait3A_581 : memref<128x128xf32, #tpu.memory_space<vmem>>)
      %dma_wait3A_588 = arith.constant 2 : i32
      %dma_wait3A_589 = arith.constant 0 : i32
      %dma_wait3A_590 = arith.constant 0 : i32
      %dma_wait3A_591 = tpu.memref_slice %arg8[%dma_wait3A_588, %dma_wait3A_589, %dma_wait3A_590] : memref<4x128x128xf32, #tpu.memory_space<vmem>> -> memref<1x128x128xf32, #tpu.memory_space<vmem>>
      %dma_wait3A_592 = tpu.memref_squeeze %dma_wait3A_591 : memref<1x128x128xf32, #tpu.memory_space<vmem>> -> memref<128x128xf32, #tpu.memory_space<vmem>>
      %dma_wait3A_593 = arith.constant 0 : i32
      %dma_wait3A_594 = tpu.memref_slice %arg2[%add3A_576, %dma_wait3A_593] : memref<524288x128xf32, #tpu.memory_space<hbm>> -> memref<128x128xf32, #tpu.memory_space<hbm>>
      %dma_wait3A_595 = arith.constant 0 : i32
      %dma_wait3A_596 = arith.constant 0 : i32
      %dma_wait3A_597 = tpu.memref_slice %arg8[%dma_wait3A_588, %dma_wait3A_595, %dma_wait3A_596] : memref<4x128x128xf32, #tpu.memory_space<vmem>> -> memref<1x128x128xf32, #tpu.memory_space<vmem>>
      %dma_wait3A_598 = tpu.memref_squeeze %dma_wait3A_597 : memref<1x128x128xf32, #tpu.memory_space<vmem>> -> memref<128x128xf32, #tpu.memory_space<vmem>>
      %dma_wait3A_599 = arith.constant 0 : i32
      %dma_wait3A_600 = tpu.memref_slice %arg2[%add3A_576, %dma_wait3A_599] : memref<524288x128xf32, #tpu.memory_space<hbm>> -> memref<128x128xf32, #tpu.memory_space<hbm>>
      tpu.wait_dma2 semaphore(%arg13 : memref<!tpu.dma_semaphore, #tpu.memory_space<semaphore_mem>>) src(%dma_wait3A_600 : memref<128x128xf32, #tpu.memory_space<hbm>>) dst(%dma_wait3A_598 : memref<128x128xf32, #tpu.memory_space<vmem>>)
      %scan3A_601 = arith.constant 0 : i32
      %scan3A_602 = arith.constant 0 : i32
      %scan3A_603 = arith.constant 128 : i32
      %scan3A_604 = arith.addi %scan3A_602, %scan3A_603 : i32
      %scan3A_605 = arith.constant 1 : i32
      scf.for %scan3A_690 = %scan3A_602 to %scan3A_604 step %scan3A_605  : i32 {
        %get3A = arith.constant 2 : i32
        %get3A_691 = arith.index_cast %get3A : i32 to index
        %get3A_692 = arith.index_cast %scan3A_690 : i32 to index
        %get3A_693 = arith.constant 0 : index
        %get3A_694 = tpu.vector_load %arg8[%get3A_691, %get3A_692, %get3A_693] {strides = array<i32>} : memref<4x128x128xf32, #tpu.memory_space<vmem>>, vector<1x1x16xf32>,
        %get3A_695 = vector.shape_cast %get3A_694 : vector<1x1x16xf32> to vector<16xf32>
        %get3A_696 = arith.constant 0 : i32
        %get3A_697 = arith.index_cast %get3A_696 : i32 to index
        %get3A_698 = arith.index_cast %scan3A_690 : i32 to index
        %get3A_699 = arith.constant 0 : index
        %get3A_700 = tpu.vector_load %arg7[%get3A_697, %get3A_698, %get3A_699] {strides = array<i32>} : memref<2x128x128xf32, #tpu.memory_space<vmem>>, vector<1x1x16xf32>,
        %get3A_701 = vector.shape_cast %get3A_700 : vector<1x1x16xf32> to vector<16xf32>
        %add3A_702 = arith.addf %get3A_695, %get3A_701 : vector<16xf32>
        %swap3A = arith.constant 2 : i32
        %swap3A_703 = arith.index_cast %swap3A : i32 to index
        %swap3A_704 = arith.index_cast %scan3A_690 : i32 to index
        %swap3A_705 = arith.constant 0 : index
        %swap3A_706 = tpu.vector_load %arg8[%swap3A_703, %swap3A_704, %swap3A_705] {strides = array<i32>} : memref<4x128x128xf32, #tpu.memory_space<vmem>>, vector<1x1x16xf32>,
        %swap3A_707 = vector.shape_cast %swap3A_706 : vector<1x1x16xf32> to vector<16xf32>
        %swap3A_708 = vector.shape_cast %add3A_702 : vector<16xf32> to vector<1x1x16xf32>
        tpu.vector_store %arg8[%swap3A_703, %swap3A_704, %swap3A_705], %swap3A_708 {strides = array<i32>} : memref<4x128x128xf32, #tpu.memory_space<vmem>>, vector<1x1x16xf32>,
        %get3A_709 = arith.constant 2 : i32
        %get3A_710 = arith.index_cast %get3A_709 : i32 to index
        %get3A_711 = arith.index_cast %scan3A_690 : i32 to index
        %get3A_712 = arith.constant 16 : index
        %get3A_713 = tpu.vector_load %arg8[%get3A_710, %get3A_711, %get3A_712] {strides = array<i32>} : memref<4x128x128xf32, #tpu.memory_space<vmem>>, vector<1x1x16xf32>,
        %get3A_714 = vector.shape_cast %get3A_713 : vector<1x1x16xf32> to vector<16xf32>
        %get3A_715 = arith.constant 0 : i32
        %get3A_716 = arith.index_cast %get3A_715 : i32 to index
        %get3A_717 = arith.index_cast %scan3A_690 : i32 to index
        %get3A_718 = arith.constant 16 : index
        %get3A_719 = tpu.vector_load %arg7[%get3A_716, %get3A_717, %get3A_718] {strides = array<i32>} : memref<2x128x128xf32, #tpu.memory_space<vmem>>, vector<1x1x16xf32>,
        %get3A_720 = vector.shape_cast %get3A_719 : vector<1x1x16xf32> to vector<16xf32>
        %add3A_721 = arith.addf %get3A_714, %get3A_720 : vector<16xf32>
        %swap3A_722 = arith.constant 2 : i32
        %swap3A_723 = arith.index_cast %swap3A_722 : i32 to index
        %swap3A_724 = arith.index_cast %scan3A_690 : i32 to index
        %swap3A_725 = arith.constant 16 : index
        %swap3A_726 = tpu.vector_load %arg8[%swap3A_723, %swap3A_724, %swap3A_725] {strides = array<i32>} : memref<4x128x128xf32, #tpu.memory_space<vmem>>, vector<1x1x16xf32>,
        %swap3A_727 = vector.shape_cast %swap3A_726 : vector<1x1x16xf32> to vector<16xf32>
        %swap3A_728 = vector.shape_cast %add3A_721 : vector<16xf32> to vector<1x1x16xf32>
        tpu.vector_store %arg8[%swap3A_723, %swap3A_724, %swap3A_725], %swap3A_728 {strides = array<i32>} : memref<4x128x128xf32, #tpu.memory_space<vmem>>, vector<1x1x16xf32>,
        %get3A_729 = arith.constant 2 : i32
        %get3A_730 = arith.index_cast %get3A_729 : i32 to index
        %get3A_731 = arith.index_cast %scan3A_690 : i32 to index
        %get3A_732 = arith.constant 32 : index
        %get3A_733 = tpu.vector_load %arg8[%get3A_730, %get3A_731, %get3A_732] {strides = array<i32>} : memref<4x128x128xf32, #tpu.memory_space<vmem>>, vector<1x1x16xf32>,
        %get3A_734 = vector.shape_cast %get3A_733 : vector<1x1x16xf32> to vector<16xf32>
        %get3A_735 = arith.constant 0 : i32
        %get3A_736 = arith.index_cast %get3A_735 : i32 to index
        %get3A_737 = arith.index_cast %scan3A_690 : i32 to index
        %get3A_738 = arith.constant 32 : index
        %get3A_739 = tpu.vector_load %arg7[%get3A_736, %get3A_737, %get3A_738] {strides = array<i32>} : memref<2x128x128xf32, #tpu.memory_space<vmem>>, vector<1x1x16xf32>,
        %get3A_740 = vector.shape_cast %get3A_739 : vector<1x1x16xf32> to vector<16xf32>
        %add3A_741 = arith.addf %get3A_734, %get3A_740 : vector<16xf32>
        %swap3A_742 = arith.constant 2 : i32
        %swap3A_743 = arith.index_cast %swap3A_742 : i32 to index
        %swap3A_744 = arith.index_cast %scan3A_690 : i32 to index
        %swap3A_745 = arith.constant 32 : index
        %swap3A_746 = tpu.vector_load %arg8[%swap3A_743, %swap3A_744, %swap3A_745] {strides = array<i32>} : memref<4x128x128xf32, #tpu.memory_space<vmem>>, vector<1x1x16xf32>,
        %swap3A_747 = vector.shape_cast %swap3A_746 : vector<1x1x16xf32> to vector<16xf32>
        %swap3A_748 = vector.shape_cast %add3A_741 : vector<16xf32> to vector<1x1x16xf32>
        tpu.vector_store %arg8[%swap3A_743, %swap3A_744, %swap3A_745], %swap3A_748 {strides = array<i32>} : memref<4x128x128xf32, #tpu.memory_space<vmem>>, vector<1x1x16xf32>,
        %get3A_749 = arith.constant 2 : i32
        %get3A_750 = arith.index_cast %get3A_749 : i32 to index
        %get3A_751 = arith.index_cast %scan3A_690 : i32 to index
        %get3A_752 = arith.constant 48 : index
        %get3A_753 = tpu.vector_load %arg8[%get3A_750, %get3A_751, %get3A_752] {strides = array<i32>} : memref<4x128x128xf32, #tpu.memory_space<vmem>>, vector<1x1x16xf32>,
        %get3A_754 = vector.shape_cast %get3A_753 : vector<1x1x16xf32> to vector<16xf32>
        %get3A_755 = arith.constant 0 : i32
        %get3A_756 = arith.index_cast %get3A_755 : i32 to index
        %get3A_757 = arith.index_cast %scan3A_690 : i32 to index
        %get3A_758 = arith.constant 48 : index
        %get3A_759 = tpu.vector_load %arg7[%get3A_756, %get3A_757, %get3A_758] {strides = array<i32>} : memref<2x128x128xf32, #tpu.memory_space<vmem>>, vector<1x1x16xf32>,
        %get3A_760 = vector.shape_cast %get3A_759 : vector<1x1x16xf32> to vector<16xf32>
        %add3A_761 = arith.addf %get3A_754, %get3A_760 : vector<16xf32>
        %swap3A_762 = arith.constant 2 : i32
        %swap3A_763 = arith.index_cast %swap3A_762 : i32 to index
        %swap3A_764 = arith.index_cast %scan3A_690 : i32 to index
        %swap3A_765 = arith.constant 48 : index
        %swap3A_766 = tpu.vector_load %arg8[%swap3A_763, %swap3A_764, %swap3A_765] {strides = array<i32>} : memref<4x128x128xf32, #tpu.memory_space<vmem>>, vector<1x1x16xf32>,
        %swap3A_767 = vector.shape_cast %swap3A_766 : vector<1x1x16xf32> to vector<16xf32>
        %swap3A_768 = vector.shape_cast %add3A_761 : vector<16xf32> to vector<1x1x16xf32>
        tpu.vector_store %arg8[%swap3A_763, %swap3A_764, %swap3A_765], %swap3A_768 {strides = array<i32>} : memref<4x128x128xf32, #tpu.memory_space<vmem>>, vector<1x1x16xf32>,
        %get3A_769 = arith.constant 2 : i32
        %get3A_770 = arith.index_cast %get3A_769 : i32 to index
        %get3A_771 = arith.index_cast %scan3A_690 : i32 to index
        %get3A_772 = arith.constant 64 : index
        %get3A_773 = tpu.vector_load %arg8[%get3A_770, %get3A_771, %get3A_772] {strides = array<i32>} : memref<4x128x128xf32, #tpu.memory_space<vmem>>, vector<1x1x16xf32>,
        %get3A_774 = vector.shape_cast %get3A_773 : vector<1x1x16xf32> to vector<16xf32>
        %get3A_775 = arith.constant 0 : i32
        %get3A_776 = arith.index_cast %get3A_775 : i32 to index
        %get3A_777 = arith.index_cast %scan3A_690 : i32 to index
        %get3A_778 = arith.constant 64 : index
        %get3A_779 = tpu.vector_load %arg7[%get3A_776, %get3A_777, %get3A_778] {strides = array<i32>} : memref<2x128x128xf32, #tpu.memory_space<vmem>>, vector<1x1x16xf32>,
        %get3A_780 = vector.shape_cast %get3A_779 : vector<1x1x16xf32> to vector<16xf32>
        %add3A_781 = arith.addf %get3A_774, %get3A_780 : vector<16xf32>
        %swap3A_782 = arith.constant 2 : i32
        %swap3A_783 = arith.index_cast %swap3A_782 : i32 to index
        %swap3A_784 = arith.index_cast %scan3A_690 : i32 to index
        %swap3A_785 = arith.constant 64 : index
        %swap3A_786 = tpu.vector_load %arg8[%swap3A_783, %swap3A_784, %swap3A_785] {strides = array<i32>} : memref<4x128x128xf32, #tpu.memory_space<vmem>>, vector<1x1x16xf32>,
        %swap3A_787 = vector.shape_cast %swap3A_786 : vector<1x1x16xf32> to vector<16xf32>
        %swap3A_788 = vector.shape_cast %add3A_781 : vector<16xf32> to vector<1x1x16xf32>
        tpu.vector_store %arg8[%swap3A_783, %swap3A_784, %swap3A_785], %swap3A_788 {strides = array<i32>} : memref<4x128x128xf32, #tpu.memory_space<vmem>>, vector<1x1x16xf32>,
        %get3A_789 = arith.constant 2 : i32
        %get3A_790 = arith.index_cast %get3A_789 : i32 to index
        %get3A_791 = arith.index_cast %scan3A_690 : i32 to index
        %get3A_792 = arith.constant 80 : index
        %get3A_793 = tpu.vector_load %arg8[%get3A_790, %get3A_791, %get3A_792] {strides = array<i32>} : memref<4x128x128xf32, #tpu.memory_space<vmem>>, vector<1x1x16xf32>,
        %get3A_794 = vector.shape_cast %get3A_793 : vector<1x1x16xf32> to vector<16xf32>
        %get3A_795 = arith.constant 0 : i32
        %get3A_796 = arith.index_cast %get3A_795 : i32 to index
        %get3A_797 = arith.index_cast %scan3A_690 : i32 to index
        %get3A_798 = arith.constant 80 : index
        %get3A_799 = tpu.vector_load %arg7[%get3A_796, %get3A_797, %get3A_798] {strides = array<i32>} : memref<2x128x128xf32, #tpu.memory_space<vmem>>, vector<1x1x16xf32>,
        %get3A_800 = vector.shape_cast %get3A_799 : vector<1x1x16xf32> to vector<16xf32>
        %add3A_801 = arith.addf %get3A_794, %get3A_800 : vector<16xf32>
        %swap3A_802 = arith.constant 2 : i32
        %swap3A_803 = arith.index_cast %swap3A_802 : i32 to index
        %swap3A_804 = arith.index_cast %scan3A_690 : i32 to index
        %swap3A_805 = arith.constant 80 : index
        %swap3A_806 = tpu.vector_load %arg8[%swap3A_803, %swap3A_804, %swap3A_805] {strides = array<i32>} : memref<4x128x128xf32, #tpu.memory_space<vmem>>, vector<1x1x16xf32>,
        %swap3A_807 = vector.shape_cast %swap3A_806 : vector<1x1x16xf32> to vector<16xf32>
        %swap3A_808 = vector.shape_cast %add3A_801 : vector<16xf32> to vector<1x1x16xf32>
        tpu.vector_store %arg8[%swap3A_803, %swap3A_804, %swap3A_805], %swap3A_808 {strides = array<i32>} : memref<4x128x128xf32, #tpu.memory_space<vmem>>, vector<1x1x16xf32>,
        %get3A_809 = arith.constant 2 : i32
        %get3A_810 = arith.index_cast %get3A_809 : i32 to index
        %get3A_811 = arith.index_cast %scan3A_690 : i32 to index
        %get3A_812 = arith.constant 96 : index
        %get3A_813 = tpu.vector_load %arg8[%get3A_810, %get3A_811, %get3A_812] {strides = array<i32>} : memref<4x128x128xf32, #tpu.memory_space<vmem>>, vector<1x1x16xf32>,
        %get3A_814 = vector.shape_cast %get3A_813 : vector<1x1x16xf32> to vector<16xf32>
        %get3A_815 = arith.constant 0 : i32
        %get3A_816 = arith.index_cast %get3A_815 : i32 to index
        %get3A_817 = arith.index_cast %scan3A_690 : i32 to index
        %get3A_818 = arith.constant 96 : index
        %get3A_819 = tpu.vector_load %arg7[%get3A_816, %get3A_817, %get3A_818] {strides = array<i32>} : memref<2x128x128xf32, #tpu.memory_space<vmem>>, vector<1x1x16xf32>,
        %get3A_820 = vector.shape_cast %get3A_819 : vector<1x1x16xf32> to vector<16xf32>
        %add3A_821 = arith.addf %get3A_814, %get3A_820 : vector<16xf32>
        %swap3A_822 = arith.constant 2 : i32
        %swap3A_823 = arith.index_cast %swap3A_822 : i32 to index
        %swap3A_824 = arith.index_cast %scan3A_690 : i32 to index
        %swap3A_825 = arith.constant 96 : index
        %swap3A_826 = tpu.vector_load %arg8[%swap3A_823, %swap3A_824, %swap3A_825] {strides = array<i32>} : memref<4x128x128xf32, #tpu.memory_space<vmem>>, vector<1x1x16xf32>,
        %swap3A_827 = vector.shape_cast %swap3A_826 : vector<1x1x16xf32> to vector<16xf32>
        %swap3A_828 = vector.shape_cast %add3A_821 : vector<16xf32> to vector<1x1x16xf32>
        tpu.vector_store %arg8[%swap3A_823, %swap3A_824, %swap3A_825], %swap3A_828 {strides = array<i32>} : memref<4x128x128xf32, #tpu.memory_space<vmem>>, vector<1x1x16xf32>,
        %get3A_829 = arith.constant 2 : i32
        %get3A_830 = arith.index_cast %get3A_829 : i32 to index
        %get3A_831 = arith.index_cast %scan3A_690 : i32 to index
        %get3A_832 = arith.constant 112 : index
        %get3A_833 = tpu.vector_load %arg8[%get3A_830, %get3A_831, %get3A_832] {strides = array<i32>} : memref<4x128x128xf32, #tpu.memory_space<vmem>>, vector<1x1x16xf32>,
        %get3A_834 = vector.shape_cast %get3A_833 : vector<1x1x16xf32> to vector<16xf32>
        %get3A_835 = arith.constant 0 : i32
        %get3A_836 = arith.index_cast %get3A_835 : i32 to index
        %get3A_837 = arith.index_cast %scan3A_690 : i32 to index
        %get3A_838 = arith.constant 112 : index
        %get3A_839 = tpu.vector_load %arg7[%get3A_836, %get3A_837, %get3A_838] {strides = array<i32>} : memref<2x128x128xf32, #tpu.memory_space<vmem>>, vector<1x1x16xf32>,
        %get3A_840 = vector.shape_cast %get3A_839 : vector<1x1x16xf32> to vector<16xf32>
        %add3A_841 = arith.addf %get3A_834, %get3A_840 : vector<16xf32>
        %swap3A_842 = arith.constant 2 : i32
        %swap3A_843 = arith.index_cast %swap3A_842 : i32 to index
        %swap3A_844 = arith.index_cast %scan3A_690 : i32 to index
        %swap3A_845 = arith.constant 112 : index
        %swap3A_846 = tpu.vector_load %arg8[%swap3A_843, %swap3A_844, %swap3A_845] {strides = array<i32>} : memref<4x128x128xf32, #tpu.memory_space<vmem>>, vector<1x1x16xf32>,
        %swap3A_847 = vector.shape_cast %swap3A_846 : vector<1x1x16xf32> to vector<16xf32>
        %swap3A_848 = vector.shape_cast %add3A_841 : vector<16xf32> to vector<1x1x16xf32>
        tpu.vector_store %arg8[%swap3A_843, %swap3A_844, %swap3A_845], %swap3A_848 {strides = array<i32>} : memref<4x128x128xf32, #tpu.memory_space<vmem>>, vector<1x1x16xf32>,
      }
      %scan3A_606 = arith.constant 128 : i32
      %mul3A_607 = arith.constant 128 : i32
      %mul3A_608 = arith.muli %add3A_573, %mul3A_607 : i32
      %add3A_609 = arith.addi %mul3A_2, %mul3A_608 : i32
      %dma_start3A_610 = arith.constant 2 : i32
      %dma_start3A_611 = arith.constant 0 : i32
      %dma_start3A_612 = arith.constant 0 : i32
      %dma_start3A_613 = tpu.memref_slice %arg8[%dma_start3A_610, %dma_start3A_611, %dma_start3A_612] : memref<4x128x128xf32, #tpu.memory_space<vmem>> -> memref<1x128x128xf32, #tpu.memory_space<vmem>>
      %dma_start3A_614 = tpu.memref_squeeze %dma_start3A_613 : memref<1x128x128xf32, #tpu.memory_space<vmem>> -> memref<128x128xf32, #tpu.memory_space<vmem>>
      %dma_start3A_615 = arith.constant 0 : i32
      %dma_start3A_616 = tpu.memref_slice %arg5[%add3A_609, %dma_start3A_615] : memref<524288x128xf32, #tpu.memory_space<hbm>> -> memref<128x128xf32, #tpu.memory_space<hbm>>
      %dma_start3A_617 = arith.constant 0 : i32
      %dma_start3A_618 = tpu.memref_slice %arg5[%add3A_609, %dma_start3A_617] : memref<524288x128xf32, #tpu.memory_space<hbm>> -> memref<128x128xf32, #tpu.memory_space<hbm>>
      %dma_start3A_619 = arith.constant 0 : i32
      %dma_start3A_620 = arith.constant 0 : i32
      %dma_start3A_621 = tpu.memref_slice %arg8[%dma_start3A_610, %dma_start3A_619, %dma_start3A_620] : memref<4x128x128xf32, #tpu.memory_space<vmem>> -> memref<1x128x128xf32, #tpu.memory_space<vmem>>
      %dma_start3A_622 = tpu.memref_squeeze %dma_start3A_621 : memref<1x128x128xf32, #tpu.memory_space<vmem>> -> memref<128x128xf32, #tpu.memory_space<vmem>>
      tpu.enqueue_dma source(%dma_start3A_622 : memref<128x128xf32, #tpu.memory_space<vmem>>) target(%dma_start3A_618 : memref<128x128xf32, #tpu.memory_space<hbm>>) target_semaphore(%arg17 : memref<!tpu.dma_semaphore, #tpu.memory_space<semaphore_mem>>)
      %add3A_623 = arith.constant 2 : i32
      %add3A_624 = arith.addi %add3A_573, %add3A_623 : i32
      %lt3A_625 = arith.constant 128 : i32
      %lt3A_626 = arith.cmpi slt, %add3A_624, %lt3A_625 : i32
      %convert_element_type3A_627 = arith.extui %lt3A_626 : i1 to i32
      %cond3A_628 = arith.constant 0 : i32
      %cond3A_629 = arith.cmpi ne, %convert_element_type3A_627, %cond3A_628 : i32
      scf.if %cond3A_629 {
        %add3A_690 = arith.constant 2 : i32
        %add3A_691 = arith.addi %add3A_573, %add3A_690 : i32
        %sub3A = arith.constant 4 : i32
        %sub3A_692 = arith.subi %add3A_691, %sub3A : i32
        %mul3A_693 = arith.constant 128 : i32
        %mul3A_694 = arith.muli %sub3A_692, %mul3A_693 : i32
        %add3A_695 = arith.addi %mul3A_2, %mul3A_694 : i32
        %dma_wait3A_696 = arith.constant 0 : i32
        %dma_wait3A_697 = arith.constant 0 : i32
        %dma_wait3A_698 = arith.constant 0 : i32
        %dma_wait3A_699 = tpu.memref_slice %arg8[%dma_wait3A_696, %dma_wait3A_697, %dma_wait3A_698] : memref<4x128x128xf32, #tpu.memory_space<vmem>> -> memref<1x128x128xf32, #tpu.memory_space<vmem>>
        %dma_wait3A_700 = tpu.memref_squeeze %dma_wait3A_699 : memref<1x128x128xf32, #tpu.memory_space<vmem>> -> memref<128x128xf32, #tpu.memory_space<vmem>>
        %dma_wait3A_701 = arith.constant 0 : i32
        %dma_wait3A_702 = tpu.memref_slice %arg5[%add3A_695, %dma_wait3A_701] : memref<524288x128xf32, #tpu.memory_space<hbm>> -> memref<128x128xf32, #tpu.memory_space<hbm>>
        %dma_wait3A_703 = arith.constant 0 : i32
        %dma_wait3A_704 = tpu.memref_slice %arg5[%add3A_695, %dma_wait3A_703] : memref<524288x128xf32, #tpu.memory_space<hbm>> -> memref<128x128xf32, #tpu.memory_space<hbm>>
        %dma_wait3A_705 = arith.constant 0 : i32
        %dma_wait3A_706 = arith.constant 0 : i32
        %dma_wait3A_707 = tpu.memref_slice %arg8[%dma_wait3A_696, %dma_wait3A_705, %dma_wait3A_706] : memref<4x128x128xf32, #tpu.memory_space<vmem>> -> memref<1x128x128xf32, #tpu.memory_space<vmem>>
        %dma_wait3A_708 = tpu.memref_squeeze %dma_wait3A_707 : memref<1x128x128xf32, #tpu.memory_space<vmem>> -> memref<128x128xf32, #tpu.memory_space<vmem>>
        tpu.wait_dma2 semaphore(%arg15 : memref<!tpu.dma_semaphore, #tpu.memory_space<semaphore_mem>>) src(%dma_wait3A_708 : memref<128x128xf32, #tpu.memory_space<vmem>>) dst(%dma_wait3A_704 : memref<128x128xf32, #tpu.memory_space<hbm>>)
        %add3A_709 = arith.constant 2 : i32
        %add3A_710 = arith.addi %add3A_573, %add3A_709 : i32
        %mul3A_711 = arith.constant 128 : i32
        %mul3A_712 = arith.muli %add3A_710, %mul3A_711 : i32
        %add3A_713 = arith.addi %mul3A_2, %mul3A_712 : i32
        %dma_start3A_714 = arith.constant 0 : i32
        %dma_start3A_715 = arith.constant 0 : i32
        %dma_start3A_716 = arith.constant 0 : i32
        %dma_start3A_717 = tpu.memref_slice %arg7[%dma_start3A_714, %dma_start3A_715, %dma_start3A_716] : memref<2x128x128xf32, #tpu.memory_space<vmem>> -> memref<1x128x128xf32, #tpu.memory_space<vmem>>
        %dma_start3A_718 = tpu.memref_squeeze %dma_start3A_717 : memref<1x128x128xf32, #tpu.memory_space<vmem>> -> memref<128x128xf32, #tpu.memory_space<vmem>>
        %dma_start3A_719 = arith.constant 0 : i32
        %dma_start3A_720 = tpu.memref_slice %arg6[%add3A_710, %dma_start3A_719] : memref<128x128xi32, #tpu.memory_space<vmem>> -> memref<1x128xi32, #tpu.memory_space<vmem>>
        %dma_start3A_721 = tpu.memref_squeeze %dma_start3A_720 : memref<1x128xi32, #tpu.memory_space<vmem>> -> memref<128xi32, #tpu.memory_space<vmem>>
        %dma_start3A_722 = arith.constant 0 : i32
        %dma_start3A_723 = arith.constant 0 : i32
        %dma_start3A_724 = tpu.memref_slice %arg3[%dma_start3A_722, %dma_start3A_723] : memref<262144x128xf32, #tpu.memory_space<hbm>> -> memref<262144x128xf32, #tpu.memory_space<hbm>>
        tpu.enqueue_indirect_dma source(%dma_start3A_724 : memref<262144x128xf32, #tpu.memory_space<hbm>>) target(%dma_start3A_718 : memref<128x128xf32, #tpu.memory_space<vmem>>) offsets(%dma_start3A_721 : memref<128xi32, #tpu.memory_space<vmem>>) semaphore(%arg9 : memref<!tpu.dma_semaphore, #tpu.memory_space<semaphore_mem>>)
        %dma_start3A_725 = arith.constant 0 : i32
        %dma_start3A_726 = arith.constant 0 : i32
        %dma_start3A_727 = arith.constant 0 : i32
        %dma_start3A_728 = tpu.memref_slice %arg8[%dma_start3A_725, %dma_start3A_726, %dma_start3A_727] : memref<4x128x128xf32, #tpu.memory_space<vmem>> -> memref<1x128x128xf32, #tpu.memory_space<vmem>>
        %dma_start3A_729 = tpu.memref_squeeze %dma_start3A_728 : memref<1x128x128xf32, #tpu.memory_space<vmem>> -> memref<128x128xf32, #tpu.memory_space<vmem>>
        %dma_start3A_730 = arith.constant 0 : i32
        %dma_start3A_731 = tpu.memref_slice %arg2[%add3A_713, %dma_start3A_730] : memref<524288x128xf32, #tpu.memory_space<hbm>> -> memref<128x128xf32, #tpu.memory_space<hbm>>
        %dma_start3A_732 = arith.constant 0 : i32
        %dma_start3A_733 = arith.constant 0 : i32
        %dma_start3A_734 = tpu.memref_slice %arg8[%dma_start3A_725, %dma_start3A_732, %dma_start3A_733] : memref<4x128x128xf32, #tpu.memory_space<vmem>> -> memref<1x128x128xf32, #tpu.memory_space<vmem>>
        %dma_start3A_735 = tpu.memref_squeeze %dma_start3A_734 : memref<1x128x128xf32, #tpu.memory_space<vmem>> -> memref<128x128xf32, #tpu.memory_space<vmem>>
        %dma_start3A_736 = arith.constant 0 : i32
        %dma_start3A_737 = tpu.memref_slice %arg2[%add3A_713, %dma_start3A_736] : memref<524288x128xf32, #tpu.memory_space<hbm>> -> memref<128x128xf32, #tpu.memory_space<hbm>>
        tpu.enqueue_dma source(%dma_start3A_737 : memref<128x128xf32, #tpu.memory_space<hbm>>) target(%dma_start3A_735 : memref<128x128xf32, #tpu.memory_space<vmem>>) target_semaphore(%arg11 : memref<!tpu.dma_semaphore, #tpu.memory_space<semaphore_mem>>)
      } else {
      }
      %mul3A_630 = arith.constant 4 : i32
      %mul3A_631 = arith.muli %scan3A_452, %mul3A_630 : i32
      %add3A_632 = arith.constant 3 : i32
      %add3A_633 = arith.addi %mul3A_631, %add3A_632 : i32
      %mul3A_634 = arith.constant 128 : i32
      %mul3A_635 = arith.muli %add3A_633, %mul3A_634 : i32
      %add3A_636 = arith.addi %mul3A_2, %mul3A_635 : i32
      %dma_wait3A_637 = arith.constant 1 : i32
      %dma_wait3A_638 = arith.constant 0 : i32
      %dma_wait3A_639 = arith.constant 0 : i32
      %dma_wait3A_640 = tpu.memref_slice %arg7[%dma_wait3A_637, %dma_wait3A_638, %dma_wait3A_639] : memref<2x128x128xf32, #tpu.memory_space<vmem>> -> memref<1x128x128xf32, #tpu.memory_space<vmem>>
      %dma_wait3A_641 = tpu.memref_squeeze %dma_wait3A_640 : memref<1x128x128xf32, #tpu.memory_space<vmem>> -> memref<128x128xf32, #tpu.memory_space<vmem>>
      %dma_wait3A_642 = arith.constant 0 : i32
      %dma_wait3A_643 = tpu.memref_slice %arg6[%add3A_633, %dma_wait3A_642] : memref<128x128xi32, #tpu.memory_space<vmem>> -> memref<1x128xi32, #tpu.memory_space<vmem>>
      %dma_wait3A_644 = tpu.memref_squeeze %dma_wait3A_643 : memref<1x128xi32, #tpu.memory_space<vmem>> -> memref<128xi32, #tpu.memory_space<vmem>>
      %dma_wait3A_645 = arith.constant 0 : i32
      %dma_wait3A_646 = arith.constant 0 : i32
      %dma_wait3A_647 = tpu.memref_slice %arg3[%dma_wait3A_645, %dma_wait3A_646] : memref<262144x128xf32, #tpu.memory_space<hbm>> -> memref<262144x128xf32, #tpu.memory_space<hbm>>
      tpu.wait_indirect_dma semaphore(%arg10 : memref<!tpu.dma_semaphore, #tpu.memory_space<semaphore_mem>>) src(%dma_wait3A_647 : memref<262144x128xf32, #tpu.memory_space<hbm>>) dst(%dma_wait3A_641 : memref<128x128xf32, #tpu.memory_space<vmem>>)
      %dma_wait3A_648 = arith.constant 3 : i32
      %dma_wait3A_649 = arith.constant 0 : i32
      %dma_wait3A_650 = arith.constant 0 : i32
      %dma_wait3A_651 = tpu.memref_slice %arg8[%dma_wait3A_648, %dma_wait3A_649, %dma_wait3A_650] : memref<4x128x128xf32, #tpu.memory_space<vmem>> -> memref<1x128x128xf32, #tpu.memory_space<vmem>>
      %dma_wait3A_652 = tpu.memref_squeeze %dma_wait3A_651 : memref<1x128x128xf32, #tpu.memory_space<vmem>> -> memref<128x128xf32, #tpu.memory_space<vmem>>
      %dma_wait3A_653 = arith.constant 0 : i32
      %dma_wait3A_654 = tpu.memref_slice %arg2[%add3A_636, %dma_wait3A_653] : memref<524288x128xf32, #tpu.memory_space<hbm>> -> memref<128x128xf32, #tpu.memory_space<hbm>>
      %dma_wait3A_655 = arith.constant 0 : i32
      %dma_wait3A_656 = arith.constant 0 : i32
      %dma_wait3A_657 = tpu.memref_slice %arg8[%dma_wait3A_648, %dma_wait3A_655, %dma_wait3A_656] : memref<4x128x128xf32, #tpu.memory_space<vmem>> -> memref<1x128x128xf32, #tpu.memory_space<vmem>>
      %dma_wait3A_658 = tpu.memref_squeeze %dma_wait3A_657 : memref<1x128x128xf32, #tpu.memory_space<vmem>> -> memref<128x128xf32, #tpu.memory_space<vmem>>
      %dma_wait3A_659 = arith.constant 0 : i32
      %dma_wait3A_660 = tpu.memref_slice %arg2[%add3A_636, %dma_wait3A_659] : memref<524288x128xf32, #tpu.memory_space<hbm>> -> memref<128x128xf32, #tpu.memory_space<hbm>>
      tpu.wait_dma2 semaphore(%arg14 : memref<!tpu.dma_semaphore, #tpu.memory_space<semaphore_mem>>) src(%dma_wait3A_660 : memref<128x128xf32, #tpu.memory_space<hbm>>) dst(%dma_wait3A_658 : memref<128x128xf32, #tpu.memory_space<vmem>>)
      %scan3A_661 = arith.constant 0 : i32
      %scan3A_662 = arith.constant 0 : i32
      %scan3A_663 = arith.constant 128 : i32
      %scan3A_664 = arith.addi %scan3A_662, %scan3A_663 : i32
      %scan3A_665 = arith.constant 1 : i32
      scf.for %scan3A_690 = %scan3A_662 to %scan3A_664 step %scan3A_665  : i32 {
        %get3A = arith.constant 3 : i32
        %get3A_691 = arith.index_cast %get3A : i32 to index
        %get3A_692 = arith.index_cast %scan3A_690 : i32 to index
        %get3A_693 = arith.constant 0 : index
        %get3A_694 = tpu.vector_load %arg8[%get3A_691, %get3A_692, %get3A_693] {strides = array<i32>} : memref<4x128x128xf32, #tpu.memory_space<vmem>>, vector<1x1x16xf32>,
        %get3A_695 = vector.shape_cast %get3A_694 : vector<1x1x16xf32> to vector<16xf32>
        %get3A_696 = arith.constant 1 : i32
        %get3A_697 = arith.index_cast %get3A_696 : i32 to index
        %get3A_698 = arith.index_cast %scan3A_690 : i32 to index
        %get3A_699 = arith.constant 0 : index
        %get3A_700 = tpu.vector_load %arg7[%get3A_697, %get3A_698, %get3A_699] {strides = array<i32>} : memref<2x128x128xf32, #tpu.memory_space<vmem>>, vector<1x1x16xf32>,
        %get3A_701 = vector.shape_cast %get3A_700 : vector<1x1x16xf32> to vector<16xf32>
        %add3A_702 = arith.addf %get3A_695, %get3A_701 : vector<16xf32>
        %swap3A = arith.constant 3 : i32
        %swap3A_703 = arith.index_cast %swap3A : i32 to index
        %swap3A_704 = arith.index_cast %scan3A_690 : i32 to index
        %swap3A_705 = arith.constant 0 : index
        %swap3A_706 = tpu.vector_load %arg8[%swap3A_703, %swap3A_704, %swap3A_705] {strides = array<i32>} : memref<4x128x128xf32, #tpu.memory_space<vmem>>, vector<1x1x16xf32>,
        %swap3A_707 = vector.shape_cast %swap3A_706 : vector<1x1x16xf32> to vector<16xf32>
        %swap3A_708 = vector.shape_cast %add3A_702 : vector<16xf32> to vector<1x1x16xf32>
        tpu.vector_store %arg8[%swap3A_703, %swap3A_704, %swap3A_705], %swap3A_708 {strides = array<i32>} : memref<4x128x128xf32, #tpu.memory_space<vmem>>, vector<1x1x16xf32>,
        %get3A_709 = arith.constant 3 : i32
        %get3A_710 = arith.index_cast %get3A_709 : i32 to index
        %get3A_711 = arith.index_cast %scan3A_690 : i32 to index
        %get3A_712 = arith.constant 16 : index
        %get3A_713 = tpu.vector_load %arg8[%get3A_710, %get3A_711, %get3A_712] {strides = array<i32>} : memref<4x128x128xf32, #tpu.memory_space<vmem>>, vector<1x1x16xf32>,
        %get3A_714 = vector.shape_cast %get3A_713 : vector<1x1x16xf32> to vector<16xf32>
        %get3A_715 = arith.constant 1 : i32
        %get3A_716 = arith.index_cast %get3A_715 : i32 to index
        %get3A_717 = arith.index_cast %scan3A_690 : i32 to index
        %get3A_718 = arith.constant 16 : index
        %get3A_719 = tpu.vector_load %arg7[%get3A_716, %get3A_717, %get3A_718] {strides = array<i32>} : memref<2x128x128xf32, #tpu.memory_space<vmem>>, vector<1x1x16xf32>,
        %get3A_720 = vector.shape_cast %get3A_719 : vector<1x1x16xf32> to vector<16xf32>
        %add3A_721 = arith.addf %get3A_714, %get3A_720 : vector<16xf32>
        %swap3A_722 = arith.constant 3 : i32
        %swap3A_723 = arith.index_cast %swap3A_722 : i32 to index
        %swap3A_724 = arith.index_cast %scan3A_690 : i32 to index
        %swap3A_725 = arith.constant 16 : index
        %swap3A_726 = tpu.vector_load %arg8[%swap3A_723, %swap3A_724, %swap3A_725] {strides = array<i32>} : memref<4x128x128xf32, #tpu.memory_space<vmem>>, vector<1x1x16xf32>,
        %swap3A_727 = vector.shape_cast %swap3A_726 : vector<1x1x16xf32> to vector<16xf32>
        %swap3A_728 = vector.shape_cast %add3A_721 : vector<16xf32> to vector<1x1x16xf32>
        tpu.vector_store %arg8[%swap3A_723, %swap3A_724, %swap3A_725], %swap3A_728 {strides = array<i32>} : memref<4x128x128xf32, #tpu.memory_space<vmem>>, vector<1x1x16xf32>,
        %get3A_729 = arith.constant 3 : i32
        %get3A_730 = arith.index_cast %get3A_729 : i32 to index
        %get3A_731 = arith.index_cast %scan3A_690 : i32 to index
        %get3A_732 = arith.constant 32 : index
        %get3A_733 = tpu.vector_load %arg8[%get3A_730, %get3A_731, %get3A_732] {strides = array<i32>} : memref<4x128x128xf32, #tpu.memory_space<vmem>>, vector<1x1x16xf32>,
        %get3A_734 = vector.shape_cast %get3A_733 : vector<1x1x16xf32> to vector<16xf32>
        %get3A_735 = arith.constant 1 : i32
        %get3A_736 = arith.index_cast %get3A_735 : i32 to index
        %get3A_737 = arith.index_cast %scan3A_690 : i32 to index
        %get3A_738 = arith.constant 32 : index
        %get3A_739 = tpu.vector_load %arg7[%get3A_736, %get3A_737, %get3A_738] {strides = array<i32>} : memref<2x128x128xf32, #tpu.memory_space<vmem>>, vector<1x1x16xf32>,
        %get3A_740 = vector.shape_cast %get3A_739 : vector<1x1x16xf32> to vector<16xf32>
        %add3A_741 = arith.addf %get3A_734, %get3A_740 : vector<16xf32>
        %swap3A_742 = arith.constant 3 : i32
        %swap3A_743 = arith.index_cast %swap3A_742 : i32 to index
        %swap3A_744 = arith.index_cast %scan3A_690 : i32 to index
        %swap3A_745 = arith.constant 32 : index
        %swap3A_746 = tpu.vector_load %arg8[%swap3A_743, %swap3A_744, %swap3A_745] {strides = array<i32>} : memref<4x128x128xf32, #tpu.memory_space<vmem>>, vector<1x1x16xf32>,
        %swap3A_747 = vector.shape_cast %swap3A_746 : vector<1x1x16xf32> to vector<16xf32>
        %swap3A_748 = vector.shape_cast %add3A_741 : vector<16xf32> to vector<1x1x16xf32>
        tpu.vector_store %arg8[%swap3A_743, %swap3A_744, %swap3A_745], %swap3A_748 {strides = array<i32>} : memref<4x128x128xf32, #tpu.memory_space<vmem>>, vector<1x1x16xf32>,
        %get3A_749 = arith.constant 3 : i32
        %get3A_750 = arith.index_cast %get3A_749 : i32 to index
        %get3A_751 = arith.index_cast %scan3A_690 : i32 to index
        %get3A_752 = arith.constant 48 : index
        %get3A_753 = tpu.vector_load %arg8[%get3A_750, %get3A_751, %get3A_752] {strides = array<i32>} : memref<4x128x128xf32, #tpu.memory_space<vmem>>, vector<1x1x16xf32>,
        %get3A_754 = vector.shape_cast %get3A_753 : vector<1x1x16xf32> to vector<16xf32>
        %get3A_755 = arith.constant 1 : i32
        %get3A_756 = arith.index_cast %get3A_755 : i32 to index
        %get3A_757 = arith.index_cast %scan3A_690 : i32 to index
        %get3A_758 = arith.constant 48 : index
        %get3A_759 = tpu.vector_load %arg7[%get3A_756, %get3A_757, %get3A_758] {strides = array<i32>} : memref<2x128x128xf32, #tpu.memory_space<vmem>>, vector<1x1x16xf32>,
        %get3A_760 = vector.shape_cast %get3A_759 : vector<1x1x16xf32> to vector<16xf32>
        %add3A_761 = arith.addf %get3A_754, %get3A_760 : vector<16xf32>
        %swap3A_762 = arith.constant 3 : i32
        %swap3A_763 = arith.index_cast %swap3A_762 : i32 to index
        %swap3A_764 = arith.index_cast %scan3A_690 : i32 to index
        %swap3A_765 = arith.constant 48 : index
        %swap3A_766 = tpu.vector_load %arg8[%swap3A_763, %swap3A_764, %swap3A_765] {strides = array<i32>} : memref<4x128x128xf32, #tpu.memory_space<vmem>>, vector<1x1x16xf32>,
        %swap3A_767 = vector.shape_cast %swap3A_766 : vector<1x1x16xf32> to vector<16xf32>
        %swap3A_768 = vector.shape_cast %add3A_761 : vector<16xf32> to vector<1x1x16xf32>
        tpu.vector_store %arg8[%swap3A_763, %swap3A_764, %swap3A_765], %swap3A_768 {strides = array<i32>} : memref<4x128x128xf32, #tpu.memory_space<vmem>>, vector<1x1x16xf32>,
        %get3A_769 = arith.constant 3 : i32
        %get3A_770 = arith.index_cast %get3A_769 : i32 to index
        %get3A_771 = arith.index_cast %scan3A_690 : i32 to index
        %get3A_772 = arith.constant 64 : index
        %get3A_773 = tpu.vector_load %arg8[%get3A_770, %get3A_771, %get3A_772] {strides = array<i32>} : memref<4x128x128xf32, #tpu.memory_space<vmem>>, vector<1x1x16xf32>,
        %get3A_774 = vector.shape_cast %get3A_773 : vector<1x1x16xf32> to vector<16xf32>
        %get3A_775 = arith.constant 1 : i32
        %get3A_776 = arith.index_cast %get3A_775 : i32 to index
        %get3A_777 = arith.index_cast %scan3A_690 : i32 to index
        %get3A_778 = arith.constant 64 : index
        %get3A_779 = tpu.vector_load %arg7[%get3A_776, %get3A_777, %get3A_778] {strides = array<i32>} : memref<2x128x128xf32, #tpu.memory_space<vmem>>, vector<1x1x16xf32>,
        %get3A_780 = vector.shape_cast %get3A_779 : vector<1x1x16xf32> to vector<16xf32>
        %add3A_781 = arith.addf %get3A_774, %get3A_780 : vector<16xf32>
        %swap3A_782 = arith.constant 3 : i32
        %swap3A_783 = arith.index_cast %swap3A_782 : i32 to index
        %swap3A_784 = arith.index_cast %scan3A_690 : i32 to index
        %swap3A_785 = arith.constant 64 : index
        %swap3A_786 = tpu.vector_load %arg8[%swap3A_783, %swap3A_784, %swap3A_785] {strides = array<i32>} : memref<4x128x128xf32, #tpu.memory_space<vmem>>, vector<1x1x16xf32>,
        %swap3A_787 = vector.shape_cast %swap3A_786 : vector<1x1x16xf32> to vector<16xf32>
        %swap3A_788 = vector.shape_cast %add3A_781 : vector<16xf32> to vector<1x1x16xf32>
        tpu.vector_store %arg8[%swap3A_783, %swap3A_784, %swap3A_785], %swap3A_788 {strides = array<i32>} : memref<4x128x128xf32, #tpu.memory_space<vmem>>, vector<1x1x16xf32>,
        %get3A_789 = arith.constant 3 : i32
        %get3A_790 = arith.index_cast %get3A_789 : i32 to index
        %get3A_791 = arith.index_cast %scan3A_690 : i32 to index
        %get3A_792 = arith.constant 80 : index
        %get3A_793 = tpu.vector_load %arg8[%get3A_790, %get3A_791, %get3A_792] {strides = array<i32>} : memref<4x128x128xf32, #tpu.memory_space<vmem>>, vector<1x1x16xf32>,
        %get3A_794 = vector.shape_cast %get3A_793 : vector<1x1x16xf32> to vector<16xf32>
        %get3A_795 = arith.constant 1 : i32
        %get3A_796 = arith.index_cast %get3A_795 : i32 to index
        %get3A_797 = arith.index_cast %scan3A_690 : i32 to index
        %get3A_798 = arith.constant 80 : index
        %get3A_799 = tpu.vector_load %arg7[%get3A_796, %get3A_797, %get3A_798] {strides = array<i32>} : memref<2x128x128xf32, #tpu.memory_space<vmem>>, vector<1x1x16xf32>,
        %get3A_800 = vector.shape_cast %get3A_799 : vector<1x1x16xf32> to vector<16xf32>
        %add3A_801 = arith.addf %get3A_794, %get3A_800 : vector<16xf32>
        %swap3A_802 = arith.constant 3 : i32
        %swap3A_803 = arith.index_cast %swap3A_802 : i32 to index
        %swap3A_804 = arith.index_cast %scan3A_690 : i32 to index
        %swap3A_805 = arith.constant 80 : index
        %swap3A_806 = tpu.vector_load %arg8[%swap3A_803, %swap3A_804, %swap3A_805] {strides = array<i32>} : memref<4x128x128xf32, #tpu.memory_space<vmem>>, vector<1x1x16xf32>,
        %swap3A_807 = vector.shape_cast %swap3A_806 : vector<1x1x16xf32> to vector<16xf32>
        %swap3A_808 = vector.shape_cast %add3A_801 : vector<16xf32> to vector<1x1x16xf32>
        tpu.vector_store %arg8[%swap3A_803, %swap3A_804, %swap3A_805], %swap3A_808 {strides = array<i32>} : memref<4x128x128xf32, #tpu.memory_space<vmem>>, vector<1x1x16xf32>,
        %get3A_809 = arith.constant 3 : i32
        %get3A_810 = arith.index_cast %get3A_809 : i32 to index
        %get3A_811 = arith.index_cast %scan3A_690 : i32 to index
        %get3A_812 = arith.constant 96 : index
        %get3A_813 = tpu.vector_load %arg8[%get3A_810, %get3A_811, %get3A_812] {strides = array<i32>} : memref<4x128x128xf32, #tpu.memory_space<vmem>>, vector<1x1x16xf32>,
        %get3A_814 = vector.shape_cast %get3A_813 : vector<1x1x16xf32> to vector<16xf32>
        %get3A_815 = arith.constant 1 : i32
        %get3A_816 = arith.index_cast %get3A_815 : i32 to index
        %get3A_817 = arith.index_cast %scan3A_690 : i32 to index
        %get3A_818 = arith.constant 96 : index
        %get3A_819 = tpu.vector_load %arg7[%get3A_816, %get3A_817, %get3A_818] {strides = array<i32>} : memref<2x128x128xf32, #tpu.memory_space<vmem>>, vector<1x1x16xf32>,
        %get3A_820 = vector.shape_cast %get3A_819 : vector<1x1x16xf32> to vector<16xf32>
        %add3A_821 = arith.addf %get3A_814, %get3A_820 : vector<16xf32>
        %swap3A_822 = arith.constant 3 : i32
        %swap3A_823 = arith.index_cast %swap3A_822 : i32 to index
        %swap3A_824 = arith.index_cast %scan3A_690 : i32 to index
        %swap3A_825 = arith.constant 96 : index
        %swap3A_826 = tpu.vector_load %arg8[%swap3A_823, %swap3A_824, %swap3A_825] {strides = array<i32>} : memref<4x128x128xf32, #tpu.memory_space<vmem>>, vector<1x1x16xf32>,
        %swap3A_827 = vector.shape_cast %swap3A_826 : vector<1x1x16xf32> to vector<16xf32>
        %swap3A_828 = vector.shape_cast %add3A_821 : vector<16xf32> to vector<1x1x16xf32>
        tpu.vector_store %arg8[%swap3A_823, %swap3A_824, %swap3A_825], %swap3A_828 {strides = array<i32>} : memref<4x128x128xf32, #tpu.memory_space<vmem>>, vector<1x1x16xf32>,
        %get3A_829 = arith.constant 3 : i32
        %get3A_830 = arith.index_cast %get3A_829 : i32 to index
        %get3A_831 = arith.index_cast %scan3A_690 : i32 to index
        %get3A_832 = arith.constant 112 : index
        %get3A_833 = tpu.vector_load %arg8[%get3A_830, %get3A_831, %get3A_832] {strides = array<i32>} : memref<4x128x128xf32, #tpu.memory_space<vmem>>, vector<1x1x16xf32>,
        %get3A_834 = vector.shape_cast %get3A_833 : vector<1x1x16xf32> to vector<16xf32>
        %get3A_835 = arith.constant 1 : i32
        %get3A_836 = arith.index_cast %get3A_835 : i32 to index
        %get3A_837 = arith.index_cast %scan3A_690 : i32 to index
        %get3A_838 = arith.constant 112 : index
        %get3A_839 = tpu.vector_load %arg7[%get3A_836, %get3A_837, %get3A_838] {strides = array<i32>} : memref<2x128x128xf32, #tpu.memory_space<vmem>>, vector<1x1x16xf32>,
        %get3A_840 = vector.shape_cast %get3A_839 : vector<1x1x16xf32> to vector<16xf32>
        %add3A_841 = arith.addf %get3A_834, %get3A_840 : vector<16xf32>
        %swap3A_842 = arith.constant 3 : i32
        %swap3A_843 = arith.index_cast %swap3A_842 : i32 to index
        %swap3A_844 = arith.index_cast %scan3A_690 : i32 to index
        %swap3A_845 = arith.constant 112 : index
        %swap3A_846 = tpu.vector_load %arg8[%swap3A_843, %swap3A_844, %swap3A_845] {strides = array<i32>} : memref<4x128x128xf32, #tpu.memory_space<vmem>>, vector<1x1x16xf32>,
        %swap3A_847 = vector.shape_cast %swap3A_846 : vector<1x1x16xf32> to vector<16xf32>
        %swap3A_848 = vector.shape_cast %add3A_841 : vector<16xf32> to vector<1x1x16xf32>
        tpu.vector_store %arg8[%swap3A_843, %swap3A_844, %swap3A_845], %swap3A_848 {strides = array<i32>} : memref<4x128x128xf32, #tpu.memory_space<vmem>>, vector<1x1x16xf32>,
      }
      %scan3A_666 = arith.constant 128 : i32
      %mul3A_667 = arith.constant 128 : i32
      %mul3A_668 = arith.muli %add3A_633, %mul3A_667 : i32
      %add3A_669 = arith.addi %mul3A_2, %mul3A_668 : i32
      %dma_start3A_670 = arith.constant 3 : i32
      %dma_start3A_671 = arith.constant 0 : i32
      %dma_start3A_672 = arith.constant 0 : i32
      %dma_start3A_673 = tpu.memref_slice %arg8[%dma_start3A_670, %dma_start3A_671, %dma_start3A_672] : memref<4x128x128xf32, #tpu.memory_space<vmem>> -> memref<1x128x128xf32, #tpu.memory_space<vmem>>
      %dma_start3A_674 = tpu.memref_squeeze %dma_start3A_673 : memref<1x128x128xf32, #tpu.memory_space<vmem>> -> memref<128x128xf32, #tpu.memory_space<vmem>>
      %dma_start3A_675 = arith.constant 0 : i32
      %dma_start3A_676 = tpu.memref_slice %arg5[%add3A_669, %dma_start3A_675] : memref<524288x128xf32, #tpu.memory_space<hbm>> -> memref<128x128xf32, #tpu.memory_space<hbm>>
      %dma_start3A_677 = arith.constant 0 : i32
      %dma_start3A_678 = tpu.memref_slice %arg5[%add3A_669, %dma_start3A_677] : memref<524288x128xf32, #tpu.memory_space<hbm>> -> memref<128x128xf32, #tpu.memory_space<hbm>>
      %dma_start3A_679 = arith.constant 0 : i32
      %dma_start3A_680 = arith.constant 0 : i32
      %dma_start3A_681 = tpu.memref_slice %arg8[%dma_start3A_670, %dma_start3A_679, %dma_start3A_680] : memref<4x128x128xf32, #tpu.memory_space<vmem>> -> memref<1x128x128xf32, #tpu.memory_space<vmem>>
      %dma_start3A_682 = tpu.memref_squeeze %dma_start3A_681 : memref<1x128x128xf32, #tpu.memory_space<vmem>> -> memref<128x128xf32, #tpu.memory_space<vmem>>
      tpu.enqueue_dma source(%dma_start3A_682 : memref<128x128xf32, #tpu.memory_space<vmem>>) target(%dma_start3A_678 : memref<128x128xf32, #tpu.memory_space<hbm>>) target_semaphore(%arg18 : memref<!tpu.dma_semaphore, #tpu.memory_space<semaphore_mem>>)
      %add3A_683 = arith.constant 2 : i32
      %add3A_684 = arith.addi %add3A_633, %add3A_683 : i32
      %lt3A_685 = arith.constant 128 : i32
      %lt3A_686 = arith.cmpi slt, %add3A_684, %lt3A_685 : i32
      %convert_element_type3A_687 = arith.extui %lt3A_686 : i1 to i32
      %cond3A_688 = arith.constant 0 : i32
      %cond3A_689 = arith.cmpi ne, %convert_element_type3A_687, %cond3A_688 : i32
      scf.if %cond3A_689 {
        %add3A_690 = arith.constant 2 : i32
        %add3A_691 = arith.addi %add3A_633, %add3A_690 : i32
        %sub3A = arith.constant 4 : i32
        %sub3A_692 = arith.subi %add3A_691, %sub3A : i32
        %mul3A_693 = arith.constant 128 : i32
        %mul3A_694 = arith.muli %sub3A_692, %mul3A_693 : i32
        %add3A_695 = arith.addi %mul3A_2, %mul3A_694 : i32
        %dma_wait3A_696 = arith.constant 1 : i32
        %dma_wait3A_697 = arith.constant 0 : i32
        %dma_wait3A_698 = arith.constant 0 : i32
        %dma_wait3A_699 = tpu.memref_slice %arg8[%dma_wait3A_696, %dma_wait3A_697, %dma_wait3A_698] : memref<4x128x128xf32, #tpu.memory_space<vmem>> -> memref<1x128x128xf32, #tpu.memory_space<vmem>>
        %dma_wait3A_700 = tpu.memref_squeeze %dma_wait3A_699 : memref<1x128x128xf32, #tpu.memory_space<vmem>> -> memref<128x128xf32, #tpu.memory_space<vmem>>
        %dma_wait3A_701 = arith.constant 0 : i32
        %dma_wait3A_702 = tpu.memref_slice %arg5[%add3A_695, %dma_wait3A_701] : memref<524288x128xf32, #tpu.memory_space<hbm>> -> memref<128x128xf32, #tpu.memory_space<hbm>>
        %dma_wait3A_703 = arith.constant 0 : i32
        %dma_wait3A_704 = tpu.memref_slice %arg5[%add3A_695, %dma_wait3A_703] : memref<524288x128xf32, #tpu.memory_space<hbm>> -> memref<128x128xf32, #tpu.memory_space<hbm>>
        %dma_wait3A_705 = arith.constant 0 : i32
        %dma_wait3A_706 = arith.constant 0 : i32
        %dma_wait3A_707 = tpu.memref_slice %arg8[%dma_wait3A_696, %dma_wait3A_705, %dma_wait3A_706] : memref<4x128x128xf32, #tpu.memory_space<vmem>> -> memref<1x128x128xf32, #tpu.memory_space<vmem>>
        %dma_wait3A_708 = tpu.memref_squeeze %dma_wait3A_707 : memref<1x128x128xf32, #tpu.memory_space<vmem>> -> memref<128x128xf32, #tpu.memory_space<vmem>>
        tpu.wait_dma2 semaphore(%arg16 : memref<!tpu.dma_semaphore, #tpu.memory_space<semaphore_mem>>) src(%dma_wait3A_708 : memref<128x128xf32, #tpu.memory_space<vmem>>) dst(%dma_wait3A_704 : memref<128x128xf32, #tpu.memory_space<hbm>>)
        %add3A_709 = arith.constant 2 : i32
        %add3A_710 = arith.addi %add3A_633, %add3A_709 : i32
        %mul3A_711 = arith.constant 128 : i32
        %mul3A_712 = arith.muli %add3A_710, %mul3A_711 : i32
        %add3A_713 = arith.addi %mul3A_2, %mul3A_712 : i32
        %dma_start3A_714 = arith.constant 1 : i32
        %dma_start3A_715 = arith.constant 0 : i32
        %dma_start3A_716 = arith.constant 0 : i32
        %dma_start3A_717 = tpu.memref_slice %arg7[%dma_start3A_714, %dma_start3A_715, %dma_start3A_716] : memref<2x128x128xf32, #tpu.memory_space<vmem>> -> memref<1x128x128xf32, #tpu.memory_space<vmem>>
        %dma_start3A_718 = tpu.memref_squeeze %dma_start3A_717 : memref<1x128x128xf32, #tpu.memory_space<vmem>> -> memref<128x128xf32, #tpu.memory_space<vmem>>
        %dma_start3A_719 = arith.constant 0 : i32
        %dma_start3A_720 = tpu.memref_slice %arg6[%add3A_710, %dma_start3A_719] : memref<128x128xi32, #tpu.memory_space<vmem>> -> memref<1x128xi32, #tpu.memory_space<vmem>>
        %dma_start3A_721 = tpu.memref_squeeze %dma_start3A_720 : memref<1x128xi32, #tpu.memory_space<vmem>> -> memref<128xi32, #tpu.memory_space<vmem>>
        %dma_start3A_722 = arith.constant 0 : i32
        %dma_start3A_723 = arith.constant 0 : i32
        %dma_start3A_724 = tpu.memref_slice %arg3[%dma_start3A_722, %dma_start3A_723] : memref<262144x128xf32, #tpu.memory_space<hbm>> -> memref<262144x128xf32, #tpu.memory_space<hbm>>
        tpu.enqueue_indirect_dma source(%dma_start3A_724 : memref<262144x128xf32, #tpu.memory_space<hbm>>) target(%dma_start3A_718 : memref<128x128xf32, #tpu.memory_space<vmem>>) offsets(%dma_start3A_721 : memref<128xi32, #tpu.memory_space<vmem>>) semaphore(%arg10 : memref<!tpu.dma_semaphore, #tpu.memory_space<semaphore_mem>>)
        %dma_start3A_725 = arith.constant 1 : i32
        %dma_start3A_726 = arith.constant 0 : i32
        %dma_start3A_727 = arith.constant 0 : i32
        %dma_start3A_728 = tpu.memref_slice %arg8[%dma_start3A_725, %dma_start3A_726, %dma_start3A_727] : memref<4x128x128xf32, #tpu.memory_space<vmem>> -> memref<1x128x128xf32, #tpu.memory_space<vmem>>
        %dma_start3A_729 = tpu.memref_squeeze %dma_start3A_728 : memref<1x128x128xf32, #tpu.memory_space<vmem>> -> memref<128x128xf32, #tpu.memory_space<vmem>>
        %dma_start3A_730 = arith.constant 0 : i32
        %dma_start3A_731 = tpu.memref_slice %arg2[%add3A_713, %dma_start3A_730] : memref<524288x128xf32, #tpu.memory_space<hbm>> -> memref<128x128xf32, #tpu.memory_space<hbm>>
        %dma_start3A_732 = arith.constant 0 : i32
        %dma_start3A_733 = arith.constant 0 : i32
        %dma_start3A_734 = tpu.memref_slice %arg8[%dma_start3A_725, %dma_start3A_732, %dma_start3A_733] : memref<4x128x128xf32, #tpu.memory_space<vmem>> -> memref<1x128x128xf32, #tpu.memory_space<vmem>>
        %dma_start3A_735 = tpu.memref_squeeze %dma_start3A_734 : memref<1x128x128xf32, #tpu.memory_space<vmem>> -> memref<128x128xf32, #tpu.memory_space<vmem>>
        %dma_start3A_736 = arith.constant 0 : i32
        %dma_start3A_737 = tpu.memref_slice %arg2[%add3A_713, %dma_start3A_736] : memref<524288x128xf32, #tpu.memory_space<hbm>> -> memref<128x128xf32, #tpu.memory_space<hbm>>
        tpu.enqueue_dma source(%dma_start3A_737 : memref<128x128xf32, #tpu.memory_space<hbm>>) target(%dma_start3A_735 : memref<128x128xf32, #tpu.memory_space<vmem>>) target_semaphore(%arg12 : memref<!tpu.dma_semaphore, #tpu.memory_space<semaphore_mem>>)
      } else {
      }
    }
    %scan3A_391 = arith.constant 31 : i32
    %add3A_392 = arith.constant 15872 : i32
    %add3A_393 = arith.addi %mul3A_2, %add3A_392 : i32
    %dma_wait3A_394 = arith.constant 0 : i32
    %dma_wait3A_395 = arith.constant 0 : i32
    %dma_wait3A_396 = arith.constant 0 : i32
    %dma_wait3A_397 = tpu.memref_slice %arg8[%dma_wait3A_394, %dma_wait3A_395, %dma_wait3A_396] : memref<4x128x128xf32, #tpu.memory_space<vmem>> -> memref<1x128x128xf32, #tpu.memory_space<vmem>>
    %dma_wait3A_398 = tpu.memref_squeeze %dma_wait3A_397 : memref<1x128x128xf32, #tpu.memory_space<vmem>> -> memref<128x128xf32, #tpu.memory_space<vmem>>
    %dma_wait3A_399 = arith.constant 0 : i32
    %dma_wait3A_400 = tpu.memref_slice %arg5[%add3A_393, %dma_wait3A_399] : memref<524288x128xf32, #tpu.memory_space<hbm>> -> memref<128x128xf32, #tpu.memory_space<hbm>>
    %dma_wait3A_401 = arith.constant 0 : i32
    %dma_wait3A_402 = tpu.memref_slice %arg5[%add3A_393, %dma_wait3A_401] : memref<524288x128xf32, #tpu.memory_space<hbm>> -> memref<128x128xf32, #tpu.memory_space<hbm>>
    %dma_wait3A_403 = arith.constant 0 : i32
    %dma_wait3A_404 = arith.constant 0 : i32
    %dma_wait3A_405 = tpu.memref_slice %arg8[%dma_wait3A_394, %dma_wait3A_403, %dma_wait3A_404] : memref<4x128x128xf32, #tpu.memory_space<vmem>> -> memref<1x128x128xf32, #tpu.memory_space<vmem>>
    %dma_wait3A_406 = tpu.memref_squeeze %dma_wait3A_405 : memref<1x128x128xf32, #tpu.memory_space<vmem>> -> memref<128x128xf32, #tpu.memory_space<vmem>>
    tpu.wait_dma2 semaphore(%arg15 : memref<!tpu.dma_semaphore, #tpu.memory_space<semaphore_mem>>) src(%dma_wait3A_406 : memref<128x128xf32, #tpu.memory_space<vmem>>) dst(%dma_wait3A_402 : memref<128x128xf32, #tpu.memory_space<hbm>>)
    %add3A_407 = arith.constant 16000 : i32
    %add3A_408 = arith.addi %mul3A_2, %add3A_407 : i32
    %dma_wait3A_409 = arith.constant 1 : i32
    %dma_wait3A_410 = arith.constant 0 : i32
    %dma_wait3A_411 = arith.constant 0 : i32
    %dma_wait3A_412 = tpu.memref_slice %arg8[%dma_wait3A_409, %dma_wait3A_410, %dma_wait3A_411] : memref<4x128x128xf32, #tpu.memory_space<vmem>> -> memref<1x128x128xf32, #tpu.memory_space<vmem>>
    %dma_wait3A_413 = tpu.memref_squeeze %dma_wait3A_412 : memref<1x128x128xf32, #tpu.memory_space<vmem>> -> memref<128x128xf32, #tpu.memory_space<vmem>>
    %dma_wait3A_414 = arith.constant 0 : i32
    %dma_wait3A_415 = tpu.memref_slice %arg5[%add3A_408, %dma_wait3A_414] : memref<524288x128xf32, #tpu.memory_space<hbm>> -> memref<128x128xf32, #tpu.memory_space<hbm>>
    %dma_wait3A_416 = arith.constant 0 : i32
    %dma_wait3A_417 = tpu.memref_slice %arg5[%add3A_408, %dma_wait3A_416] : memref<524288x128xf32, #tpu.memory_space<hbm>> -> memref<128x128xf32, #tpu.memory_space<hbm>>
    %dma_wait3A_418 = arith.constant 0 : i32
    %dma_wait3A_419 = arith.constant 0 : i32
    %dma_wait3A_420 = tpu.memref_slice %arg8[%dma_wait3A_409, %dma_wait3A_418, %dma_wait3A_419] : memref<4x128x128xf32, #tpu.memory_space<vmem>> -> memref<1x128x128xf32, #tpu.memory_space<vmem>>
    %dma_wait3A_421 = tpu.memref_squeeze %dma_wait3A_420 : memref<1x128x128xf32, #tpu.memory_space<vmem>> -> memref<128x128xf32, #tpu.memory_space<vmem>>
    tpu.wait_dma2 semaphore(%arg16 : memref<!tpu.dma_semaphore, #tpu.memory_space<semaphore_mem>>) src(%dma_wait3A_421 : memref<128x128xf32, #tpu.memory_space<vmem>>) dst(%dma_wait3A_417 : memref<128x128xf32, #tpu.memory_space<hbm>>)
    %add3A_422 = arith.constant 16128 : i32
    %add3A_423 = arith.addi %mul3A_2, %add3A_422 : i32
    %dma_wait3A_424 = arith.constant 2 : i32
    %dma_wait3A_425 = arith.constant 0 : i32
    %dma_wait3A_426 = arith.constant 0 : i32
    %dma_wait3A_427 = tpu.memref_slice %arg8[%dma_wait3A_424, %dma_wait3A_425, %dma_wait3A_426] : memref<4x128x128xf32, #tpu.memory_space<vmem>> -> memref<1x128x128xf32, #tpu.memory_space<vmem>>
    %dma_wait3A_428 = tpu.memref_squeeze %dma_wait3A_427 : memref<1x128x128xf32, #tpu.memory_space<vmem>> -> memref<128x128xf32, #tpu.memory_space<vmem>>
    %dma_wait3A_429 = arith.constant 0 : i32
    %dma_wait3A_430 = tpu.memref_slice %arg5[%add3A_423, %dma_wait3A_429] : memref<524288x128xf32, #tpu.memory_space<hbm>> -> memref<128x128xf32, #tpu.memory_space<hbm>>
    %dma_wait3A_431 = arith.constant 0 : i32
    %dma_wait3A_432 = tpu.memref_slice %arg5[%add3A_423, %dma_wait3A_431] : memref<524288x128xf32, #tpu.memory_space<hbm>> -> memref<128x128xf32, #tpu.memory_space<hbm>>
    %dma_wait3A_433 = arith.constant 0 : i32
    %dma_wait3A_434 = arith.constant 0 : i32
    %dma_wait3A_435 = tpu.memref_slice %arg8[%dma_wait3A_424, %dma_wait3A_433, %dma_wait3A_434] : memref<4x128x128xf32, #tpu.memory_space<vmem>> -> memref<1x128x128xf32, #tpu.memory_space<vmem>>
    %dma_wait3A_436 = tpu.memref_squeeze %dma_wait3A_435 : memref<1x128x128xf32, #tpu.memory_space<vmem>> -> memref<128x128xf32, #tpu.memory_space<vmem>>
    tpu.wait_dma2 semaphore(%arg17 : memref<!tpu.dma_semaphore, #tpu.memory_space<semaphore_mem>>) src(%dma_wait3A_436 : memref<128x128xf32, #tpu.memory_space<vmem>>) dst(%dma_wait3A_432 : memref<128x128xf32, #tpu.memory_space<hbm>>)
    %add3A_437 = arith.constant 16256 : i32
    %add3A_438 = arith.addi %mul3A_2, %add3A_437 : i32
    %dma_wait3A_439 = arith.constant 3 : i32
    %dma_wait3A_440 = arith.constant 0 : i32
    %dma_wait3A_441 = arith.constant 0 : i32
    %dma_wait3A_442 = tpu.memref_slice %arg8[%dma_wait3A_439, %dma_wait3A_440, %dma_wait3A_441] : memref<4x128x128xf32, #tpu.memory_space<vmem>> -> memref<1x128x128xf32, #tpu.memory_space<vmem>>
    %dma_wait3A_443 = tpu.memref_squeeze %dma_wait3A_442 : memref<1x128x128xf32, #tpu.memory_space<vmem>> -> memref<128x128xf32, #tpu.memory_space<vmem>>
    %dma_wait3A_444 = arith.constant 0 : i32
    %dma_wait3A_445 = tpu.memref_slice %arg5[%add3A_438, %dma_wait3A_444] : memref<524288x128xf32, #tpu.memory_space<hbm>> -> memref<128x128xf32, #tpu.memory_space<hbm>>
    %dma_wait3A_446 = arith.constant 0 : i32
    %dma_wait3A_447 = tpu.memref_slice %arg5[%add3A_438, %dma_wait3A_446] : memref<524288x128xf32, #tpu.memory_space<hbm>> -> memref<128x128xf32, #tpu.memory_space<hbm>>
    %dma_wait3A_448 = arith.constant 0 : i32
    %dma_wait3A_449 = arith.constant 0 : i32
    %dma_wait3A_450 = tpu.memref_slice %arg8[%dma_wait3A_439, %dma_wait3A_448, %dma_wait3A_449] : memref<4x128x128xf32, #tpu.memory_space<vmem>> -> memref<1x128x128xf32, #tpu.memory_space<vmem>>
    %dma_wait3A_451 = tpu.memref_squeeze %dma_wait3A_450 : memref<1x128x128xf32, #tpu.memory_space<vmem>> -> memref<128x128xf32, #tpu.memory_space<vmem>>
    tpu.wait_dma2 semaphore(%arg18 : memref<!tpu.dma_semaphore, #tpu.memory_space<semaphore_mem>>) src(%dma_wait3A_451 : memref<128x128xf32, #tpu.memory_space<vmem>>) dst(%dma_wait3A_447 : memref<128x128xf32, #tpu.memory_space<hbm>>)
    return
  }
}

</mosaic_0001>

<sc_bundles>
// kernel: kernel.3.cloned.1.call-start
scs
__scs_entry_jumppad:
0x0: {  	(pc) =	sbr.rel $0x88, $3  }
0x1: {  	(tag) =	ssettag $0x0;
	lr =	simm.s32 $0x1  }
0x2: {  	[smem:$0x3F9E] =	sst lr;
	_ =	strace $0xD0000000  }
0x3: {  	_ = 	snop  }
0x4: {  	_ = 	snop  }
0x5: {  	_ = 	snop  }
0x6: {  	_ = 	snop  }
0x7: {  	_ = 	snop  }
__scs_overlays_trampoline_lowered:
0x8: {  	[smem:$0x3FAD] =	sst s0  }
0x9: {  	[smem:$0x3FAE] =	sst s1  }
0xa: {  	[smem:$0x3FAF] =	sst s2  }
0xb: {  	[smem:$0x3FB0] =	sst s3  }
0xc: {  	[smem:$0x3FB1] =	sst s4  }
0xd: {  	[smem:$0x3FB2] =	sst s5  }
0xe: {  	[smem:$0x3FB3] =	sst s6  }
0xf: {  	[smem:$0x3FB4] =	sst s7  }
0x10: {  	[smem:$0x3FB5] =	sst s8  }
0x11: {  	[smem:$0x3FB6] =	sst s9;
	s0 =	simm.s32 @!p0 $0x0  }
0x12: {  	s1 =	sld [smem:$0x3F9C];
	s0 =	simm.s32 @p0 $0x1  }
0x13: {  	[smem:$0x3FB7] =	sst s0;
	s0 =	simm.s32 @!p1 $0x0  }
0x14: {  	s2 =	sld [smem:$0x3F9B];
	s0 =	simm.s32 @p1 $0x1  }
0x15: {  	[smem:$0x3FB8] =	sst s0;
	s0 =	simm.s32 @!p2 $0x0  }
0x16: {  	s3 =	sld [smem:$0x3FDB];
	s0 =	simm.s32 @p2 $0x1  }
0x17: {  	s4 =	simm.s32 $0x1BF5;
	[smem:$0x3FBA] =	sst s0  }
0x18: {  	s0 =	sld [smem:$0x3F9D];
	_ =	swait.ge [sflag:s4], $0x0  }
0x19: {  	s7 =	sld [smem:$0x3F9E]  }
0x1a: {  	s8 =	sadd.s32 $0xFFFFE003, lr  }
0x1b: {  	s9 =	sadd.s32 $0xFFFFFEF7, lr;
	s5 =	simm.s32 $0xFFFFFFFF;
	p2 =	slt.u32 s8, $0xFFFFF086  }
0x1c: {  	p1 =	slt.u32 s9, $0xF7A;
	s5 =	simm.s32 @!p2 $0x0  }
0x1d: {  	s5 =	simm.s32 @p1 $0x1;
	p0 =	seq.s32 s7, s2  }
0x1e: {  	s7 =	smul.u32 @!p0 $0xF7A, s2;
	p2 =	seq.s32 @!p0 s5, $0x0  }
0x1f: {  	s9 =	smul.u32 $0xF7A, s1;
	s8 =	simm.s32 @!p0 $0x1BF5;
	p2 =	por !p2, p0  }
0x20: {  	[sflag:s8] =	ssyncset.s32 @!p0 $0xFFFFF086;
	s6 =	sadd.s32 @!p0 s3, s7;
	s7 =	simm.s32 @!p0 $0x108  }
0x21: {  	s3 =	sadd.s32 s3, s9;
	s6 =	sadd.s32 @!p0 $0x88, s6;
	s7 =	simm.s32 @p2 $0x1082  }
0x22: {  	[simem:s7], [sflag:s8] =	dma.local @!p0 [hbm:s6], $0xF7A  }
0x23: {  	s9 =	sor.u32 $0xD0000000, s2;
	s6 =	simm.s32 $0x108;
	_ =	swait.ge @!p0 [sflag:s8], $0x0  }
0x24: {  	s3 =	sadd.s32 $0x88, s3;
	s6 =	simm.s32 @!p1 $0x1082;
	[sflag:s4] =	ssyncset.s32 $0xFFFFF086  }
0x25: {  	[simem:s6], [sflag:s4] =	dma.local [hbm:s3], $0xF7A  }
0x26: {  	[smem:$0x3F9E] =	sst s1;
	(tag) =	ssettag s2;
	_ =	strace s9  }
0x27: {  	s1 =	sld [smem:$0x3FAE]  }
0x28: {  	s2 =	sld [smem:$0x3FAF]  }
0x29: {  	s4 =	sld [smem:$0x3FB1]  }
0x2a: {  	p0 =	seq.s32 s5, $0x0;
	s5 =	sld [smem:$0x3FB2]  }
0x2b: {  	s6 =	sld [smem:$0x3FB3]  }
0x2c: {  	s7 =	sld [smem:$0x3FB4]  }
0x2d: {  	s3 =	simm.s32 $0x108;
	s8 =	sld [smem:$0x3FB5]  }
0x2e: {  	s3 =	simm.s32 @!p0 $0x1082;
	s9 =	sld [smem:$0x3FB6]  }
0x2f: {  	lr =	sadd.s32 s0, s3;
	s0 =	sld [smem:$0x3FAD]  }
0x30: {  	s3 =	sld [smem:$0x3FB0]  }
0x31: {  	[smem:$0x3FB9] =	sst s10  }
0x32: {  	s10 =	sld [smem:$0x3FB7];
	_ =	sdelay $0x3  }
0x33: {  	p0 =	seq.s32 s10, $0x1;
	s10 =	sld [smem:$0x3FB9];
	_ =	sdelay $0x3  }
0x34: {  	[smem:$0x3FB9] =	sst s10  }
0x35: {  	s10 =	sld [smem:$0x3FB8];
	_ =	sdelay $0x3  }
0x36: {  	p1 =	seq.s32 s10, $0x1;
	s10 =	sld [smem:$0x3FB9];
	_ =	sdelay $0x3  }
0x37: {  	[smem:$0x3FB9] =	sst s10  }
0x38: {  	s10 =	sld [smem:$0x3FBA]  }
0x39: {  	_ = 	snop;
	(pc) =	sbr.ind lr, $3  }
0x3a: {  	_ = 	snop  }
0x3b: {  	_ = 	snop  }
0x3c: {  	p2 =	seq.s32 s10, $0x1;
	s10 =	sld [smem:$0x3FB9]  }
0x3d: {  	_ =	shalt  }
0x3e: {  	_ =	shalt  }
0x3f: {  	_ =	shalt  }
0x40: {  	_ =	shalt  }
0x41: {  	_ =	shalt  }
0x42: {  	_ =	shalt  }
0x43: {  	_ =	shalt  }
0x44: {  	_ =	shalt  }
0x45: {  	_ =	shalt  }
0x46: {  	_ =	shalt  }
0x47: {  	_ =	shalt  }
0x48: {  	_ =	shalt  }
0x49: {  	_ =	shalt  }
0x4a: {  	_ =	shalt  }
0x4b: {  	_ =	shalt  }
0x4c: {  	_ =	shalt  }
0x4d: {  	_ =	shalt  }
0x4e: {  	_ =	shalt  }
0x4f: {  	_ =	shalt  }
0x50: {  	_ =	shalt  }
0x51: {  	_ =	shalt  }
0x52: {  	_ =	shalt  }
0x53: {  	_ =	shalt  }
0x54: {  	_ =	shalt  }
0x55: {  	_ =	shalt  }
0x56: {  	_ =	shalt  }
0x57: {  	_ =	shalt  }
0x58: {  	_ =	shalt  }
0x59: {  	_ =	shalt  }
0x5a: {  	_ =	shalt  }
0x5b: {  	_ =	shalt  }
0x5c: {  	_ =	shalt  }
0x5d: {  	_ =	shalt  }
0x5e: {  	_ =	shalt  }
0x5f: {  	_ =	shalt  }
0x60: {  	_ =	shalt  }
0x61: {  	_ =	shalt  }
0x62: {  	_ =	shalt  }
0x63: {  	_ =	shalt  }
0x64: {  	_ =	shalt  }
0x65: {  	_ =	shalt  }
0x66: {  	_ =	shalt  }
0x67: {  	_ =	shalt  }
0x68: {  	_ =	shalt  }
0x69: {  	_ =	shalt  }
0x6a: {  	_ =	shalt  }
0x6b: {  	_ =	shalt  }
0x6c: {  	_ =	shalt  }
0x6d: {  	_ =	shalt  }
0x6e: {  	_ =	shalt  }
0x6f: {  	_ =	shalt  }
0x70: {  	_ =	shalt  }
0x71: {  	_ =	shalt  }
0x72: {  	_ =	shalt  }
0x73: {  	_ =	shalt  }
0x74: {  	_ =	shalt  }
0x75: {  	_ =	shalt  }
0x76: {  	_ =	shalt  }
0x77: {  	_ =	shalt  }
0x78: {  	_ =	shalt  }
0x79: {  	_ =	shalt  }
0x7a: {  	_ =	shalt  }
0x7b: {  	_ =	shalt  }
0x7c: {  	_ =	shalt  }
0x7d: {  	_ =	shalt  }
0x7e: {  	_ =	shalt  }
0x7f: {  	_ =	shalt  }
0x80: {  	_ =	shalt  }
0x81: {  	_ =	shalt  }
0x82: {  	_ =	shalt  }
0x83: {  	_ =	shalt  }
0x84: {  	_ =	shalt  }
0x85: {  	_ =	shalt  }
0x86: {  	_ =	shalt  }
0x87: {  	_ =	shalt  }
.Lfunc_end0:
.L_simem_size_0:
called_computation_lowered:
.L_overlay_start_0:
0x88: {  	s2 =	sld [smem:$0x3FD9]  }
0x89: {  	s3 =	sld [smem:$0x3FFE];
	_ =	sdelay $0x1  }
0x8a: {  	s1 =	srdreg.scid  }
0x8b: {  	s0 =	sand.u32 $0x1, s1  }
0x8c: {  	s18 =	sshll.u32 s0, $0xA;
	s2 =	sadd.s32 s3, s2  }
0x8d: {  	s2 =	sadd.s32 s2, s18  }
0x8e: {  	[smem:$0x3FC5] =	sst s2  }
0x8f: {  	_ = 	snop  }
0x90: {  	s2 =	sld [smem:$0x3FC9]  }
0x91: {  	s19 =	sld [smem:$0x3FC8]  }
0x92: {  	s4 =	sld [smem:$0x3FC7]  }
0x93: {  	s5 =	sld [smem:$0x3FD0];
	(tm) =	ssettm $0x1  }
0x94: {  	s6 =	sld [smem:$0x3FFB];
	_ =	sdelay $0x3  }
0x95: {  	_ =	strace s6  }
0x96: {  	s6 =	sld [smem:$0x3FFC];
	_ =	sdelay $0x3  }
0x97: {  	_ =	strace s6  }
0x98: {  	s6 =	sld [smem:$0x3FFD];
	_ =	sdelay $0x3  }
0x99: {  	_ =	strace s6  }
0x9a: {  	_ =	strace $0x8FFFFFFF  }
0x9b: {  	s20 =	sld [smem:$0x3FDB];
	_ =	sdelay $0x1  }
0x9c: {  	s7 =	simm.s32 $_scs_section_size  }
0x9d: {  	s8 =	simm.s32 $_size__tile_overlayer_lowered;
	s9 =	simm.s32 $_tile_overlayer_lowered  }
0x9e: {  	s23 =	simm.s32 $0x1BFF;
	s22 =	sshll.u32 s9, $0x1;
	s6 =	sadd.s32 s7, s20  }
0x9f: {  	s10 =	simm.s32 $0x0;
	s21 =	sshll.u32 s8, $0x1;
	s8 =	sadd.s32 s22, s6  }
0xa0: {  	[timem:s10], [sflag:s23] =	dma.local [hbm:s8], s21  }
0xa1: {  	_ =	swait.ge [sflag:s23], s21  }
0xa2: {  	s7 =	ssub.s32 $0x0, s21;
	[sflag:s23] =	ssyncset.done $0x0  }
0xa3: {  	[sflag:s23] =	ssyncadd.s32 s7;
	_ =	sdelay $0x1  }
0xa4: {  	s24 =	simm.s32 $0x1B8B  }
0xa5: {  	_ =	swait.ge [sflag:s24], $0x1  }
0xa6: {  	[sflag:s24] =	ssyncset.done $0x0  }
0xa7: {  	s25 =	simm.s32 $0x1B8E;
	[sflag:s24] =	ssyncadd.s32 $0xFFFFFFFF  }
0xa8: {  	s26 =	simm.s32 $execute0_lowered;
	[smem:$0x3FD2] =	sst s25  }
0xa9: {  	s7 =	sshll.u32 s26, $0x1;
	_ =	strace $0x80000046;
	[dreg:$0x1] =	wrdreg $0xFFFFFFFF  }
0xaa: {  	s28 =	simm.s32 $_size_execute0_lowered;
	s6 =	sadd.s32 s6, s7;
	[dreg:$0x0] =	wrdreg $0x0  }
0xab: {  	s7 =	sshll.u32 s28, $0x1;
	[dreg:$0x2] =	wrdreg s6  }
0xac: {  	[dreg:$0x3] =	wrdreg s7  }
0xad: {  	[dreg:$0x4] =	wrdreg $0xC0  }
0xae: {  	_ =	task [dreg:s10], $0x5FFFF  }
0xaf: {  	[dreg:$0x1] =	wrdreg $0xFFFFFFFF  }
0xb0: {  	[dreg:$0x0] =	wrdreg $0x60  }
0xb1: {  	[dreg:$0x2] =	wrdreg s2  }
0xb2: {  	[dreg:$0x3] =	wrdreg s19  }
0xb3: {  	[dreg:$0x4] =	wrdreg s4  }
0xb4: {  	[dreg:$0x5] =	wrdreg s5  }
0xb5: {  	[dreg:$0x6] =	wrdreg $0x9  }
0xb6: {  	_ =	task.clear_ibuf [dreg:s10], $0x7FFFF;
	_ =	strace $0x90000046  }
0xb7: {  	s29 =	simm.s32 $0x9;
	_ =	strace $0x80000048  }
0xb8: {  	_ =	swait.ge [sflag:s29], $0x1  }
0xb9: {  	[sflag:s29] =	ssyncadd.s32 $0xFFFFFFFF  }
0xba: {  	_ =	strace $0x90000048  }
0xbb: {  	_ =	sfence  }
0xbc: {  	s30 =	sld [smem:$0x0];
	_ =	sdelay $0x2  }
0xbd: {  	s31 =	sshll.u32 s1, $0xD;
	s1 =	sshrl.u32 s1, $0x2  }
0xbe: {  	s3 =	sand.u32 $0x4000, s31;
	s1 =	sadd.s32 s1, s30  }
0xbf: {  	s0 =	sor.u32 s3, s0;
	s1 =	sshll.u32 s1, $0x11  }
0xc0: {  	s0 =	sor.u32 s1, s0  }
0xc1: {  	s0 =	sadd.s32 $0x8F2B, s0  }
0xc2: {  	[sflag:s0] =	ssyncadd.remote.s32 $0x1  }
0xc3: {  	_ =	sfence.sel $0xFFFF  }
0xc4: {  	[dreg:$0x0] =	wrdreg $0xFFFFFFFF;
	(pc) =	sbr.abs _section_cstart, $3  }
0xc5: {  	[dreg:$0x1] =	wrdreg $0xFFFFFFFF  }
0xc6: {  	_ =	task.clear_ibuf [dreg:s10], $0x2FFFF;
	_ =	strace $0x9FFFFFFF  }
0xc7: {  	(tm) =	ssettm $0x7FFFFFFF  }
tec
execute0_lowered:
.L_overlay_start_1:
0x0: {  	(tag) =	ssettag $0x1  }
0x1: {  	s1 =	rddreg [dreg:$0x0]  }
0x2: {  	s2 =	rddreg [dreg:$0x1]  }
0x3: {  	s0 =	rddreg [dreg:$0x2]  }
0x4: {  	s4 =	rddreg [dreg:$0x3];
	s3 =	srdreg.scid;
	s5 =	simm.s32 $0x0  }
0x5: {  	s7 =	stileid.u32;
	s29 =	simm.s32 $0x14000;
	s30 =	simm.s32 $0x2  }
0x6: {  	s31 =	simm.s32 $0x4;
	s28 =	simm.s32 $0x5;
	s12 =	simm.s32 $0xA  }
0x7: {  	s13 =	simm.s32 $0x0;
	s3 =	sand.u32 $0x1, s3;
	s7 =	sshll.u32 s7, $0x1  }
0x8: {  	[smem:$0x7FF] =	sst s5;
	s6 =	ssub.s32 $0x2, s3;
	s3 =	sor.u32 s3, s7  }
0x9: {  	_ =	strace $0x80000047;
	s7 =	simm.s32 $0x6;
	s15 =	sshll.u32 s3, $0xB  }
0xa: {  	s8 =	sshrl.u32 s6, $0x1;
	s9 =	sshll.u32 s3, $0x12;
	s0 =	sadd.s32 s0, s15  }
0xb: {  	s16 =	sor.u32 $0x800, s9;
	s11 =	sadd.s32 s1, s9;
	[dreg:$0x5] =	wrdreg s0  }
0xc: {  	s18 =	sor.u32 $0x1000, s9;
	s17 =	sadd.s32 s1, s16;
	[dreg:$0x6] =	wrdreg s11  }
0xd: {  	s14 =	ssub.s32 s6, s8;
	s19 =	sadd.s32 s1, s18;
	[dreg:$0x7] =	wrdreg s17  }
0xe: {  	s20 =	sor.u32 $0x1800, s9;
	s0 =	sadd.s32 s4, s16;
	[dreg:$0x8] =	wrdreg s19  }
0xf: {  	s6 =	sshll.u32 s3, $0xE;
	s21 =	sadd.s32 s1, s20;
	[dreg:$0x9] =	wrdreg s0  }
0x10: {  	s10 =	sadd.s32 s4, s9;
	s22 =	sadd.s32 s4, s18;
	[dreg:$0xa] =	wrdreg s21  }
0x11: {  	s3 =	simm.s32 $0x18000;
	s23 =	sadd.s32 $0x2000, s11;
	[dreg:$0xb] =	wrdreg s22  }
0x12: {  	s9 =	simm.s32 $0x8;
	s24 =	sadd.s32 s4, s20;
	[dreg:$0xc] =	wrdreg s23  }
.Ltmp0:
0x13: {  	s25 =	sadd.s32 $0x2800, s11;
	[dreg:$0xd] =	wrdreg s24;
	(pc) =	sbr.rel .LBB2_1-.Ltmp0, $4  }
0x14: {  	s26 =	smax.u32 s14, $0x1;
	s20 =	simm.s32 $0x80;
	[dreg:$0xe] =	wrdreg s25  }
0x15: {  	s11 =	simm.s32 $0x9;
	[dreg:$0xf] =	wrdreg s26;
	s21 =	simm.s32 $0x4000  }
0x16: {  	s22 =	simm.s32 $0xC000;
	s23 =	simm.s32 $0x8000;
	s24 =	simm.s32 $0x10000  }
0x17: {  	s25 =	simm.s32 $0x1;
	s26 =	simm.s32 $0x3;
	s0 =	simm.s32 $0x7  }
.LBB2_20:
0x18: {  	_ =	swait.ge [sflag:s0], $0x4000  }
0x19: {  	[sflag:s0] =	ssyncset.done $0x0  }
0x1a: {  	[sflag:s0] =	ssyncadd.s32 $0xFFFFC000  }
0x1b: {  	_ =	swait.ge [sflag:s9], $0x4000  }
0x1c: {  	[sflag:s9] =	ssyncset.done $0x0  }
0x1d: {  	[sflag:s9] =	ssyncadd.s32 $0xFFFFC000  }
0x1e: {  	_ =	swait.ge [sflag:s11], $0x4000  }
0x1f: {  	[sflag:s11] =	ssyncset.done $0x0  }
0x20: {  	[sflag:s11] =	ssyncadd.s32 $0xFFFFC000  }
0x21: {  	_ =	swait.ge [sflag:s12], $0x4000  }
0x22: {  	s13 =	sadd.s32 $0x1, s13;
	s8 =	rddreg [dreg:$0xf]  }
0x23: {  	p0 =	sne.s32 s13, s8  }
.Ltmp1:
0x24: {  	_ = 	snop;
	(pc) =	sbr.rel @!p0 .LBB2_21-.Ltmp1, $3  }
0x25: {  	_ =	sdelay $0x1  }
0x26: {  	[sflag:s12] =	ssyncset.done $0x0  }
0x27: {  	[sflag:s12] =	ssyncadd.s32 $0xFFFFC000  }
.LBB2_1:
0x28: {  	s8 =	rddreg [dreg:$0x5];
	s17 =	simm.s32 $0xB  }
0x29: {  	[tilespmem:s5], [sflag:$0xB] =	stream.linear.gather [hbm4b:s8+s5], $0x4000, $0x38;
	[tilespmem:$0x1C000] =	vst v63  }
0x2a: {  	_ =	swait.ge [sflag:s17], $0x4000  }
0x2b: {  	[sflag:s17] =	ssyncset.done $0x0  }
0x2c: {  	[sflag:s17] =	ssyncadd.s32 $0xFFFFC000  }
0x2d: {  	[tilespmem:s21], [sflag:$0x1] =	stream.indirect.gather [hbm4b:s2+s20], $0x80, s5, s20, $0xb8;
	[tilespmem:$0x1C000] =	vst v63  }
0x2e: {  	s18 =	rddreg [dreg:$0x6]  }
0x2f: {  	[tilespmem:s22], [sflag:$0x3] =	stream.linear.gather [hbm4b:s18+s5], $0x4000, $0x38;
	[tilespmem:$0x1C000] =	vst v63  }
0x30: {  	_ = 	snop  }
0x31: {  	[tilespmem:s23], [sflag:$0x2] =	stream.indirect.gather [hbm4b:s2+s20], $0x80, s20, s20, $0xb8;
	[tilespmem:$0x1C000] =	vst v63  }
0x32: {  	s19 =	rddreg [dreg:$0x7]  }
0x33: {  	[tilespmem:s24], [sflag:$0x4] =	stream.linear.gather [hbm4b:s19+s5], $0x4000, $0x38;
	[tilespmem:$0x1C000] =	vst v63  }
0x34: {  	_ =	swait.ge [sflag:s25], $0x4000  }
0x35: {  	[sflag:s25] =	ssyncset.done $0x0  }
0x36: {  	[sflag:s25] =	ssyncadd.s32 $0xFFFFC000  }
0x37: {  	_ =	swait.ge [sflag:s26], $0x4000  }
0x38: {  	[sflag:s26] =	ssyncset.done $0x0  }
0x39: {  	s14 =	simm.s32 $0x0;
	[sflag:s26] =	ssyncadd.s32 $0xFFFFC000  }
0x3a: {  	v7 =	vld [tilespmem:s14+$0x4000]  }
0x3b: {  	v11 =	vld [tilespmem:s14+$0x4010]  }
0x3c: {  	v5 =	vld [tilespmem:s14+$0x4020]  }
0x3d: {  	v4 =	vld [tilespmem:s14+$0x4030]  }
0x3e: {  	v3 =	vld [tilespmem:s14+$0x4040]  }
0x3f: {  	v2 =	vld [tilespmem:s14+$0x4050]  }
0x40: {  	v1 =	vld [tilespmem:s14+$0x4060]  }
0x41: {  	v0 =	vld [tilespmem:s14+$0x4070]  }
0x42: {  	v12 =	vld [tilespmem:s14+$0xC000]  }
0x43: {  	v13 =	vld [tilespmem:s14+$0xC010]  }
0x44: {  	v10 =	vld [tilespmem:s14+$0xC020]  }
0x45: {  	v9 =	vld [tilespmem:s14+$0xC030]  }
0x46: {  	v8 =	vld [tilespmem:s14+$0xC040]  }
0x47: {  	v6 =	vld [tilespmem:s14+$0xC050];
	v12 =	vadd.f32 v7, v12  }
0x48: {  	s15 =	simm.s32 $0x200;
	v11 =	vadd.f32 v11, v13;
	v7 =	vld [tilespmem:s14+$0xC060]  }
.LBB2_2:
0x49: {  	s8 =	sshra.s32 s15, $0x2;
	p0 =	sne.s32 s15, $0xFE00;
	[tilespmem:s14+$0xC000] =	vst v12;
	v5 =	vadd.f32 v5, v10;
	v10 =	vld [tilespmem:s14+$0xC070]  }
0x4a: {  	v12 =	vld [tilespmem:s8+$0x4000];
	[tilespmem:s14+$0xC010] =	vst v11;
	v4 =	vadd.f32 v4, v9  }
0x4b: {  	v11 =	vld [tilespmem:s8+$0x4010];
	[tilespmem:s14+$0xC020] =	vst v5;
	v3 =	vadd.f32 v3, v8  }
0x4c: {  	v5 =	vld [tilespmem:s8+$0x4020];
	[tilespmem:s14+$0xC030] =	vst v4;
	v2 =	vadd.f32 v2, v6  }
0x4d: {  	v4 =	vld [tilespmem:s8+$0x4030];
	[tilespmem:s14+$0xC040] =	vst v3;
	v1 =	vadd.f32 v1, v7  }
0x4e: {  	v3 =	vld [tilespmem:s8+$0x4040];
	[tilespmem:s14+$0xC050] =	vst v2;
	v0 =	vadd.f32 v0, v10  }
0x4f: {  	v2 =	vld [tilespmem:s8+$0x4050];
	[tilespmem:s14+$0xC060] =	vst v1  }
0x50: {  	v1 =	vld [tilespmem:s8+$0x4060];
	[tilespmem:s14+$0xC070] =	vst v0;
	s14 =	smov.u32 s8  }
0x51: {  	v0 =	vld [tilespmem:s14+$0x4070]  }
0x52: {  	v6 =	vld [tilespmem:s14+$0xC000]  }
0x53: {  	v7 =	vld [tilespmem:s14+$0xC010]  }
.Ltmp2:
0x54: {  	v10 =	vld [tilespmem:s14+$0xC020];
	(pc) =	sbr.rel @p0 .LBB2_2-.Ltmp2, $4  }
0x55: {  	v9 =	vld [tilespmem:s14+$0xC030]  }
0x56: {  	v8 =	vld [tilespmem:s14+$0xC040]  }
0x57: {  	v12 =	vadd.f32 v12, v6;
	v6 =	vld [tilespmem:s14+$0xC050]  }
0x58: {  	s15 =	sadd.s32 $0x200, s15;
	v11 =	vadd.f32 v11, v7;
	v7 =	vld [tilespmem:s14+$0xC060]  }
0x59: {  	[tilespmem:s14+$0xC000] =	vst v12;
	v5 =	vadd.f32 v5, v10;
	v10 =	vld [tilespmem:s14+$0xC070]  }
0x5a: {  	[tilespmem:s14+$0xC010] =	vst v11;
	v4 =	vadd.f32 v4, v9  }
0x5b: {  	[tilespmem:s14+$0xC020] =	vst v5;
	v3 =	vadd.f32 v3, v8  }
0x5c: {  	[tilespmem:s14+$0xC030] =	vst v4;
	v2 =	vadd.f32 v2, v6  }
0x5d: {  	[tilespmem:s14+$0xC040] =	vst v3;
	v1 =	vadd.f32 v1, v7  }
0x5e: {  	[tilespmem:s14+$0xC050] =	vst v2;
	v0 =	vadd.f32 v0, v10  }
0x5f: {  	[tilespmem:s14+$0xC060] =	vst v1  }
0x60: {  	s8 =	simm.s32 $0x0;
	[tilespmem:s14+$0xC070] =	vst v0  }
0x61: {  	[hbm4b:s10+s8] =	stream.linear.scatter [tilespmem:s22], [sflag:$0x7], $0x4000, $0x38;
	[tilespmem:$0x1C000] =	vst v63  }
0x62: {  	s18 =	simm.s32 $0x100  }
0x63: {  	[tilespmem:s21], [sflag:$0x1] =	stream.indirect.gather [hbm4b:s2+s20], $0x80, s18, s20, $0xb8;
	[tilespmem:$0x1C000] =	vst v63  }
0x64: {  	s19 =	rddreg [dreg:$0x8]  }
0x65: {  	[tilespmem:s29], [sflag:$0x5] =	stream.linear.gather [hbm4b:s19+s8], $0x4000, $0x38;
	[tilespmem:$0x1C000] =	vst v63  }
0x66: {  	_ =	swait.ge [sflag:s30], $0x4000  }
0x67: {  	[sflag:s30] =	ssyncset.done $0x0  }
0x68: {  	[sflag:s30] =	ssyncadd.s32 $0xFFFFC000  }
0x69: {  	_ =	swait.ge [sflag:s31], $0x4000  }
0x6a: {  	[sflag:s31] =	ssyncset.done $0x0  }
0x6b: {  	s14 =	simm.s32 $0x0;
	[sflag:s31] =	ssyncadd.s32 $0xFFFFC000  }
0x6c: {  	v7 =	vld [tilespmem:s14+$0x8000]  }
0x6d: {  	v11 =	vld [tilespmem:s14+$0x8010]  }
0x6e: {  	v5 =	vld [tilespmem:s14+$0x8020]  }
0x6f: {  	v4 =	vld [tilespmem:s14+$0x8030]  }
0x70: {  	v3 =	vld [tilespmem:s14+$0x8040]  }
0x71: {  	v2 =	vld [tilespmem:s14+$0x8050]  }
0x72: {  	v1 =	vld [tilespmem:s14+$0x8060]  }
0x73: {  	v0 =	vld [tilespmem:s14+$0x8070]  }
0x74: {  	v12 =	vld [tilespmem:s14+$0x10000]  }
0x75: {  	v13 =	vld [tilespmem:s14+$0x10010]  }
0x76: {  	v10 =	vld [tilespmem:s14+$0x10020]  }
0x77: {  	v9 =	vld [tilespmem:s14+$0x10030]  }
0x78: {  	v8 =	vld [tilespmem:s14+$0x10040]  }
0x79: {  	v6 =	vld [tilespmem:s14+$0x10050];
	v12 =	vadd.f32 v7, v12  }
0x7a: {  	s15 =	simm.s32 $0x200;
	v11 =	vadd.f32 v11, v13;
	v7 =	vld [tilespmem:s14+$0x10060]  }
.LBB2_4:
0x7b: {  	s8 =	sshra.s32 s15, $0x2;
	p0 =	sne.s32 s15, $0xFE00;
	[tilespmem:s14+$0x10000] =	vst v12;
	v5 =	vadd.f32 v5, v10;
	v10 =	vld [tilespmem:s14+$0x10070]  }
0x7c: {  	v12 =	vld [tilespmem:s8+$0x8000];
	[tilespmem:s14+$0x10010] =	vst v11;
	v4 =	vadd.f32 v4, v9  }
0x7d: {  	v11 =	vld [tilespmem:s8+$0x8010];
	[tilespmem:s14+$0x10020] =	vst v5;
	v3 =	vadd.f32 v3, v8  }
0x7e: {  	v5 =	vld [tilespmem:s8+$0x8020];
	[tilespmem:s14+$0x10030] =	vst v4;
	v2 =	vadd.f32 v2, v6  }
0x7f: {  	v4 =	vld [tilespmem:s8+$0x8030];
	[tilespmem:s14+$0x10040] =	vst v3;
	v1 =	vadd.f32 v1, v7  }
0x80: {  	v3 =	vld [tilespmem:s8+$0x8040];
	[tilespmem:s14+$0x10050] =	vst v2;
	v0 =	vadd.f32 v0, v10  }
0x81: {  	v2 =	vld [tilespmem:s8+$0x8050];
	[tilespmem:s14+$0x10060] =	vst v1  }
0x82: {  	v1 =	vld [tilespmem:s8+$0x8060];
	[tilespmem:s14+$0x10070] =	vst v0;
	s14 =	smov.u32 s8  }
0x83: {  	v0 =	vld [tilespmem:s14+$0x8070]  }
0x84: {  	v6 =	vld [tilespmem:s14+$0x10000]  }
0x85: {  	v7 =	vld [tilespmem:s14+$0x10010]  }
.Ltmp3:
0x86: {  	v10 =	vld [tilespmem:s14+$0x10020];
	(pc) =	sbr.rel @p0 .LBB2_4-.Ltmp3, $4  }
0x87: {  	v9 =	vld [tilespmem:s14+$0x10030]  }
0x88: {  	v8 =	vld [tilespmem:s14+$0x10040]  }
0x89: {  	v12 =	vadd.f32 v12, v6;
	v6 =	vld [tilespmem:s14+$0x10050]  }
0x8a: {  	s15 =	sadd.s32 $0x200, s15;
	v11 =	vadd.f32 v11, v7;
	v7 =	vld [tilespmem:s14+$0x10060]  }
0x8b: {  	[tilespmem:s14+$0x10000] =	vst v12;
	v5 =	vadd.f32 v5, v10;
	v10 =	vld [tilespmem:s14+$0x10070]  }
0x8c: {  	[tilespmem:s14+$0x10010] =	vst v11;
	v4 =	vadd.f32 v4, v9  }
0x8d: {  	[tilespmem:s14+$0x10020] =	vst v5;
	v3 =	vadd.f32 v3, v8  }
0x8e: {  	[tilespmem:s14+$0x10030] =	vst v4;
	v2 =	vadd.f32 v2, v6  }
0x8f: {  	[tilespmem:s14+$0x10040] =	vst v3;
	v1 =	vadd.f32 v1, v7  }
0x90: {  	[tilespmem:s14+$0x10050] =	vst v2;
	v0 =	vadd.f32 v0, v10  }
0x91: {  	[tilespmem:s14+$0x10060] =	vst v1  }
0x92: {  	s8 =	simm.s32 $0x0;
	s17 =	rddreg [dreg:$0x9];
	[tilespmem:s14+$0x10070] =	vst v0  }
0x93: {  	[hbm4b:s17+s8] =	stream.linear.scatter [tilespmem:s24], [sflag:$0x8], $0x4000, $0x38;
	[tilespmem:$0x1C000] =	vst v63  }
0x94: {  	s18 =	simm.s32 $0x180  }
0x95: {  	[tilespmem:s23], [sflag:$0x2] =	stream.indirect.gather [hbm4b:s2+s20], $0x80, s18, s20, $0xb8;
	[tilespmem:$0x1C000] =	vst v63  }
0x96: {  	s19 =	rddreg [dreg:$0xa]  }
0x97: {  	[tilespmem:s3], [sflag:$0x6] =	stream.linear.gather [hbm4b:s19+s8], $0x4000, $0x38;
	[tilespmem:$0x1C000] =	vst v63  }
0x98: {  	_ =	swait.ge [sflag:s25], $0x4000  }
0x99: {  	[sflag:s25] =	ssyncset.done $0x0  }
0x9a: {  	[sflag:s25] =	ssyncadd.s32 $0xFFFFC000  }
0x9b: {  	_ =	swait.ge [sflag:s28], $0x4000  }
0x9c: {  	[sflag:s28] =	ssyncset.done $0x0  }
0x9d: {  	s14 =	simm.s32 $0x0;
	[sflag:s28] =	ssyncadd.s32 $0xFFFFC000  }
0x9e: {  	v7 =	vld [tilespmem:s14+$0x4000]  }
0x9f: {  	v11 =	vld [tilespmem:s14+$0x4010]  }
0xa0: {  	v5 =	vld [tilespmem:s14+$0x4020]  }
0xa1: {  	v4 =	vld [tilespmem:s14+$0x4030]  }
0xa2: {  	v3 =	vld [tilespmem:s14+$0x4040]  }
0xa3: {  	v2 =	vld [tilespmem:s14+$0x4050]  }
0xa4: {  	v1 =	vld [tilespmem:s14+$0x4060]  }
0xa5: {  	v0 =	vld [tilespmem:s14+$0x4070]  }
0xa6: {  	v12 =	vld [tilespmem:s14+$0x14000]  }
0xa7: {  	v13 =	vld [tilespmem:s14+$0x14010]  }
0xa8: {  	v10 =	vld [tilespmem:s14+$0x14020]  }
0xa9: {  	v9 =	vld [tilespmem:s14+$0x14030]  }
0xaa: {  	v8 =	vld [tilespmem:s14+$0x14040]  }
0xab: {  	v6 =	vld [tilespmem:s14+$0x14050];
	v12 =	vadd.f32 v7, v12  }
0xac: {  	s15 =	simm.s32 $0x200;
	v11 =	vadd.f32 v11, v13;
	v7 =	vld [tilespmem:s14+$0x14060]  }
.LBB2_6:
0xad: {  	s8 =	sshra.s32 s15, $0x2;
	p0 =	sne.s32 s15, $0xFE00;
	[tilespmem:s14+$0x14000] =	vst v12;
	v5 =	vadd.f32 v5, v10;
	v10 =	vld [tilespmem:s14+$0x14070]  }
0xae: {  	v12 =	vld [tilespmem:s8+$0x4000];
	[tilespmem:s14+$0x14010] =	vst v11;
	v4 =	vadd.f32 v4, v9  }
0xaf: {  	v11 =	vld [tilespmem:s8+$0x4010];
	[tilespmem:s14+$0x14020] =	vst v5;
	v3 =	vadd.f32 v3, v8  }
0xb0: {  	v5 =	vld [tilespmem:s8+$0x4020];
	[tilespmem:s14+$0x14030] =	vst v4;
	v2 =	vadd.f32 v2, v6  }
0xb1: {  	v4 =	vld [tilespmem:s8+$0x4030];
	[tilespmem:s14+$0x14040] =	vst v3;
	v1 =	vadd.f32 v1, v7  }
0xb2: {  	v3 =	vld [tilespmem:s8+$0x4040];
	[tilespmem:s14+$0x14050] =	vst v2;
	v0 =	vadd.f32 v0, v10  }
0xb3: {  	v2 =	vld [tilespmem:s8+$0x4050];
	[tilespmem:s14+$0x14060] =	vst v1  }
0xb4: {  	v1 =	vld [tilespmem:s8+$0x4060];
	[tilespmem:s14+$0x14070] =	vst v0;
	s14 =	smov.u32 s8  }
0xb5: {  	v0 =	vld [tilespmem:s14+$0x4070]  }
0xb6: {  	v6 =	vld [tilespmem:s14+$0x14000]  }
0xb7: {  	v7 =	vld [tilespmem:s14+$0x14010]  }
.Ltmp4:
0xb8: {  	v10 =	vld [tilespmem:s14+$0x14020];
	(pc) =	sbr.rel @p0 .LBB2_6-.Ltmp4, $4  }
0xb9: {  	v9 =	vld [tilespmem:s14+$0x14030]  }
0xba: {  	v8 =	vld [tilespmem:s14+$0x14040]  }
0xbb: {  	v12 =	vadd.f32 v12, v6;
	v6 =	vld [tilespmem:s14+$0x14050]  }
0xbc: {  	s15 =	sadd.s32 $0x200, s15;
	v11 =	vadd.f32 v11, v7;
	v7 =	vld [tilespmem:s14+$0x14060]  }
0xbd: {  	[tilespmem:s14+$0x14000] =	vst v12;
	v5 =	vadd.f32 v5, v10;
	v10 =	vld [tilespmem:s14+$0x14070]  }
0xbe: {  	[tilespmem:s14+$0x14010] =	vst v11;
	v4 =	vadd.f32 v4, v9  }
0xbf: {  	[tilespmem:s14+$0x14020] =	vst v5;
	v3 =	vadd.f32 v3, v8  }
0xc0: {  	[tilespmem:s14+$0x14030] =	vst v4;
	v2 =	vadd.f32 v2, v6  }
0xc1: {  	[tilespmem:s14+$0x14040] =	vst v3;
	v1 =	vadd.f32 v1, v7  }
0xc2: {  	[tilespmem:s14+$0x14050] =	vst v2;
	v0 =	vadd.f32 v0, v10  }
0xc3: {  	[tilespmem:s14+$0x14060] =	vst v1  }
0xc4: {  	s8 =	simm.s32 $0x0;
	s17 =	rddreg [dreg:$0xb];
	[tilespmem:s14+$0x14070] =	vst v0  }
0xc5: {  	[hbm4b:s17+s8] =	stream.linear.scatter [tilespmem:s29], [sflag:$0x9], $0x4000, $0x38;
	[tilespmem:$0x1C000] =	vst v63  }
0xc6: {  	_ =	swait.ge [sflag:s0], $0x4000  }
0xc7: {  	[sflag:s0] =	ssyncset.done $0x0  }
0xc8: {  	s18 =	simm.s32 $0x200;
	[sflag:s0] =	ssyncadd.s32 $0xFFFFC000  }
0xc9: {  	[tilespmem:s21], [sflag:$0x1] =	stream.indirect.gather [hbm4b:s2+s20], $0x80, s18, s20, $0xb8;
	[tilespmem:$0x1C000] =	vst v63  }
0xca: {  	s19 =	rddreg [dreg:$0xc]  }
0xcb: {  	[tilespmem:s22], [sflag:$0x3] =	stream.linear.gather [hbm4b:s19+s8], $0x4000, $0x38;
	[tilespmem:$0x1C000] =	vst v63  }
0xcc: {  	_ =	swait.ge [sflag:s30], $0x4000  }
0xcd: {  	[sflag:s30] =	ssyncset.done $0x0  }
0xce: {  	[sflag:s30] =	ssyncadd.s32 $0xFFFFC000  }
0xcf: {  	_ =	swait.ge [sflag:s7], $0x4000  }
0xd0: {  	[sflag:s7] =	ssyncset.done $0x0  }
0xd1: {  	s14 =	simm.s32 $0x0;
	[sflag:s7] =	ssyncadd.s32 $0xFFFFC000  }
0xd2: {  	v7 =	vld [tilespmem:s14+$0x8000]  }
0xd3: {  	v11 =	vld [tilespmem:s14+$0x8010]  }
0xd4: {  	v5 =	vld [tilespmem:s14+$0x8020]  }
0xd5: {  	v4 =	vld [tilespmem:s14+$0x8030]  }
0xd6: {  	v3 =	vld [tilespmem:s14+$0x8040]  }
0xd7: {  	v2 =	vld [tilespmem:s14+$0x8050]  }
0xd8: {  	v1 =	vld [tilespmem:s14+$0x8060]  }
0xd9: {  	v0 =	vld [tilespmem:s14+$0x8070]  }
0xda: {  	v12 =	vld [tilespmem:s14+$0x18000]  }
0xdb: {  	v13 =	vld [tilespmem:s14+$0x18010]  }
0xdc: {  	v10 =	vld [tilespmem:s14+$0x18020]  }
0xdd: {  	v9 =	vld [tilespmem:s14+$0x18030]  }
0xde: {  	v8 =	vld [tilespmem:s14+$0x18040]  }
0xdf: {  	v6 =	vld [tilespmem:s14+$0x18050];
	v12 =	vadd.f32 v7, v12  }
0xe0: {  	s15 =	simm.s32 $0x200;
	v11 =	vadd.f32 v11, v13;
	v7 =	vld [tilespmem:s14+$0x18060]  }
.LBB2_8:
0xe1: {  	s8 =	sshra.s32 s15, $0x2;
	p0 =	sne.s32 s15, $0xFE00;
	[tilespmem:s14+$0x18000] =	vst v12;
	v5 =	vadd.f32 v5, v10;
	v10 =	vld [tilespmem:s14+$0x18070]  }
0xe2: {  	v12 =	vld [tilespmem:s8+$0x8000];
	[tilespmem:s14+$0x18010] =	vst v11;
	v4 =	vadd.f32 v4, v9  }
0xe3: {  	v11 =	vld [tilespmem:s8+$0x8010];
	[tilespmem:s14+$0x18020] =	vst v5;
	v3 =	vadd.f32 v3, v8  }
0xe4: {  	v5 =	vld [tilespmem:s8+$0x8020];
	[tilespmem:s14+$0x18030] =	vst v4;
	v2 =	vadd.f32 v2, v6  }
0xe5: {  	v4 =	vld [tilespmem:s8+$0x8030];
	[tilespmem:s14+$0x18040] =	vst v3;
	v1 =	vadd.f32 v1, v7  }
0xe6: {  	v3 =	vld [tilespmem:s8+$0x8040];
	[tilespmem:s14+$0x18050] =	vst v2;
	v0 =	vadd.f32 v0, v10  }
0xe7: {  	v2 =	vld [tilespmem:s8+$0x8050];
	[tilespmem:s14+$0x18060] =	vst v1  }
0xe8: {  	v1 =	vld [tilespmem:s8+$0x8060];
	[tilespmem:s14+$0x18070] =	vst v0;
	s14 =	smov.u32 s8  }
0xe9: {  	v0 =	vld [tilespmem:s14+$0x8070]  }
0xea: {  	v6 =	vld [tilespmem:s14+$0x18000]  }
0xeb: {  	v7 =	vld [tilespmem:s14+$0x18010]  }
.Ltmp5:
0xec: {  	v10 =	vld [tilespmem:s14+$0x18020];
	(pc) =	sbr.rel @p0 .LBB2_8-.Ltmp5, $4  }
0xed: {  	v9 =	vld [tilespmem:s14+$0x18030]  }
0xee: {  	v8 =	vld [tilespmem:s14+$0x18040]  }
0xef: {  	v12 =	vadd.f32 v12, v6;
	v6 =	vld [tilespmem:s14+$0x18050]  }
0xf0: {  	s15 =	sadd.s32 $0x200, s15;
	v11 =	vadd.f32 v11, v7;
	v7 =	vld [tilespmem:s14+$0x18060]  }
0xf1: {  	[tilespmem:s14+$0x18000] =	vst v12;
	v5 =	vadd.f32 v5, v10;
	v63 =	vld [tilespmem:s14+$0x18070]  }
0xf2: {  	[tilespmem:s14+$0x18010] =	vst v11;
	v4 =	vadd.f32 v4, v9  }
0xf3: {  	[tilespmem:s14+$0x18020] =	vst v5;
	v3 =	vadd.f32 v3, v8  }
0xf4: {  	[tilespmem:s14+$0x18030] =	vst v4;
	v2 =	vadd.f32 v2, v6  }
0xf5: {  	[tilespmem:s14+$0x18040] =	vst v3;
	v1 =	vadd.f32 v1, v7  }
0xf6: {  	[tilespmem:s14+$0x18050] =	vst v2;
	v0 =	vadd.f32 v0, v63  }
0xf7: {  	[tilespmem:s14+$0x18060] =	vst v1  }
0xf8: {  	s8 =	rddreg [dreg:$0xd];
	[tilespmem:s14+$0x18070] =	vst v0  }
0xf9: {  	[hbm4b:s8+s5] =	stream.linear.scatter [tilespmem:s3], [sflag:$0xA], $0x4000, $0x38;
	[tilespmem:$0x1C000] =	vst v63  }
0xfa: {  	_ =	swait.ge [sflag:s9], $0x4000  }
0xfb: {  	[sflag:s9] =	ssyncset.done $0x0  }
0xfc: {  	s18 =	simm.s32 $0x280;
	[sflag:s9] =	ssyncadd.s32 $0xFFFFC000  }
0xfd: {  	[tilespmem:s23], [sflag:$0x2] =	stream.indirect.gather [hbm4b:s2+s20], $0x80, s18, s20, $0xb8;
	[tilespmem:$0x1C000] =	vst v63  }
0xfe: {  	s14 =	simm.s32 $0x1;
	s19 =	rddreg [dreg:$0xe]  }
0xff: {  	[tilespmem:s24], [sflag:$0x4] =	stream.linear.gather [hbm4b:s19+s5], $0x4000, $0x38;
	[tilespmem:$0x1C000] =	vst v63  }
.LBB2_10:
0x100: {  	_ =	swait.ge [sflag:s25], $0x4000  }
0x101: {  	[sflag:s25] =	ssyncset.done $0x0  }
0x102: {  	[sflag:s25] =	ssyncadd.s32 $0xFFFFC000  }
0x103: {  	_ =	swait.ge [sflag:s26], $0x4000  }
0x104: {  	[sflag:s26] =	ssyncset.done $0x0  }
0x105: {  	s15 =	simm.s32 $0x0;
	[sflag:s26] =	ssyncadd.s32 $0xFFFFC000  }
0x106: {  	v7 =	vld [tilespmem:s15+$0x4000]  }
0x107: {  	v11 =	vld [tilespmem:s15+$0x4010]  }
0x108: {  	v5 =	vld [tilespmem:s15+$0x4020]  }
0x109: {  	v4 =	vld [tilespmem:s15+$0x4030]  }
0x10a: {  	v3 =	vld [tilespmem:s15+$0x4040]  }
0x10b: {  	v2 =	vld [tilespmem:s15+$0x4050]  }
0x10c: {  	v1 =	vld [tilespmem:s15+$0x4060]  }
0x10d: {  	v0 =	vld [tilespmem:s15+$0x4070]  }
0x10e: {  	v12 =	vld [tilespmem:s15+$0xC000]  }
0x10f: {  	v13 =	vld [tilespmem:s15+$0xC010]  }
0x110: {  	v10 =	vld [tilespmem:s15+$0xC020]  }
0x111: {  	v9 =	vld [tilespmem:s15+$0xC030]  }
0x112: {  	v8 =	vld [tilespmem:s15+$0xC040]  }
0x113: {  	v6 =	vld [tilespmem:s15+$0xC050];
	v12 =	vadd.f32 v7, v12  }
0x114: {  	s16 =	simm.s32 $0x200;
	v11 =	vadd.f32 v11, v13;
	v7 =	vld [tilespmem:s15+$0xC060]  }
.LBB2_11:
0x115: {  	s8 =	sshra.s32 s16, $0x2;
	p0 =	sne.s32 s16, $0xFE00;
	[tilespmem:s15+$0xC000] =	vst v12;
	v5 =	vadd.f32 v5, v10;
	v10 =	vld [tilespmem:s15+$0xC070]  }
0x116: {  	v12 =	vld [tilespmem:s8+$0x4000];
	[tilespmem:s15+$0xC010] =	vst v11;
	v4 =	vadd.f32 v4, v9  }
0x117: {  	v11 =	vld [tilespmem:s8+$0x4010];
	[tilespmem:s15+$0xC020] =	vst v5;
	v3 =	vadd.f32 v3, v8  }
0x118: {  	v5 =	vld [tilespmem:s8+$0x4020];
	[tilespmem:s15+$0xC030] =	vst v4;
	v2 =	vadd.f32 v2, v6  }
0x119: {  	v4 =	vld [tilespmem:s8+$0x4030];
	[tilespmem:s15+$0xC040] =	vst v3;
	v1 =	vadd.f32 v1, v7  }
0x11a: {  	v3 =	vld [tilespmem:s8+$0x4040];
	[tilespmem:s15+$0xC050] =	vst v2;
	v0 =	vadd.f32 v0, v10  }
0x11b: {  	v2 =	vld [tilespmem:s8+$0x4050];
	[tilespmem:s15+$0xC060] =	vst v1  }
0x11c: {  	v1 =	vld [tilespmem:s8+$0x4060];
	[tilespmem:s15+$0xC070] =	vst v0;
	s15 =	smov.u32 s8  }
0x11d: {  	v0 =	vld [tilespmem:s15+$0x4070]  }
0x11e: {  	v6 =	vld [tilespmem:s15+$0xC000]  }
0x11f: {  	v7 =	vld [tilespmem:s15+$0xC010]  }
.Ltmp6:
0x120: {  	v10 =	vld [tilespmem:s15+$0xC020];
	(pc) =	sbr.rel @p0 .LBB2_11-.Ltmp6, $4  }
0x121: {  	v9 =	vld [tilespmem:s15+$0xC030]  }
0x122: {  	v8 =	vld [tilespmem:s15+$0xC040]  }
0x123: {  	v12 =	vadd.f32 v12, v6;
	v6 =	vld [tilespmem:s15+$0xC050]  }
0x124: {  	s16 =	sadd.s32 $0x200, s16;
	v11 =	vadd.f32 v11, v7;
	v7 =	vld [tilespmem:s15+$0xC060]  }
0x125: {  	[tilespmem:s15+$0xC000] =	vst v12;
	v5 =	vadd.f32 v5, v10;
	v10 =	vld [tilespmem:s15+$0xC070]  }
0x126: {  	[tilespmem:s15+$0xC010] =	vst v11;
	v4 =	vadd.f32 v4, v9  }
0x127: {  	[tilespmem:s15+$0xC020] =	vst v5;
	v3 =	vadd.f32 v3, v8  }
0x128: {  	[tilespmem:s15+$0xC030] =	vst v4;
	v2 =	vadd.f32 v2, v6  }
0x129: {  	[tilespmem:s15+$0xC040] =	vst v3;
	v1 =	vadd.f32 v1, v7  }
0x12a: {  	[tilespmem:s15+$0xC050] =	vst v2;
	v0 =	vadd.f32 v0, v10  }
0x12b: {  	s8 =	sshll.u32 s14, $0xD;
	s16 =	sshll.u32 s14, $0x2;
	[tilespmem:s15+$0xC060] =	vst v1  }
0x12c: {  	s18 =	simm.s32 $0x0;
	s8 =	sadd.s32 s8, s10;
	s17 =	sor.u32 $0x2, s16;
	[tilespmem:s15+$0xC070] =	vst v0  }
0x12d: {  	[hbm4b:s8+s18] =	stream.linear.scatter [tilespmem:s22], [sflag:$0x7], $0x4000, $0x38;
	[tilespmem:$0x1C000] =	vst v63  }
0x12e: {  	s19 =	sshll.u32 s17, $0x7;
	_ =	swait.ge [sflag:s11], $0x4000  }
0x12f: {  	s8 =	sadd.s32 s6, s19;
	[sflag:s11] =	ssyncset.done $0x0  }
0x130: {  	s8 =	sshll.u32 s8, $0x4;
	[sflag:s11] =	ssyncadd.s32 $0xFFFFC000  }
0x131: {  	[tilespmem:s21], [sflag:$0x1] =	stream.indirect.gather [hbm4b:s2+s20], $0x80, s19, s20, $0xb8;
	[tilespmem:$0x1C000] =	vst v63  }
0x132: {  	s8 =	sadd.s32 s1, s8  }
0x133: {  	[tilespmem:s29], [sflag:$0x5] =	stream.linear.gather [hbm4b:s8+s18], $0x4000, $0x38;
	[tilespmem:$0x1C000] =	vst v63  }
0x134: {  	_ =	swait.ge [sflag:s30], $0x4000  }
0x135: {  	[sflag:s30] =	ssyncset.done $0x0  }
0x136: {  	[sflag:s30] =	ssyncadd.s32 $0xFFFFC000  }
0x137: {  	_ =	swait.ge [sflag:s31], $0x4000  }
0x138: {  	[sflag:s31] =	ssyncset.done $0x0  }
0x139: {  	s18 =	simm.s32 $0x0;
	[sflag:s31] =	ssyncadd.s32 $0xFFFFC000  }
0x13a: {  	v6 =	vld [tilespmem:s18+$0x8000]  }
0x13b: {  	v11 =	vld [tilespmem:s18+$0x8010]  }
0x13c: {  	v5 =	vld [tilespmem:s18+$0x8020]  }
0x13d: {  	v4 =	vld [tilespmem:s18+$0x8030]  }
0x13e: {  	v3 =	vld [tilespmem:s18+$0x8040]  }
0x13f: {  	v2 =	vld [tilespmem:s18+$0x8050]  }
0x140: {  	v1 =	vld [tilespmem:s18+$0x8060]  }
0x141: {  	v0 =	vld [tilespmem:s18+$0x8070]  }
0x142: {  	v12 =	vld [tilespmem:s18+$0x10000]  }
0x143: {  	v13 =	vld [tilespmem:s18+$0x10010]  }
0x144: {  	v10 =	vld [tilespmem:s18+$0x10020]  }
0x145: {  	v9 =	vld [tilespmem:s18+$0x10030]  }
0x146: {  	v8 =	vld [tilespmem:s18+$0x10040]  }
0x147: {  	v7 =	vld [tilespmem:s18+$0x10050];
	v12 =	vadd.f32 v6, v12  }
0x148: {  	s15 =	simm.s32 $0x200;
	v11 =	vadd.f32 v11, v13;
	v6 =	vld [tilespmem:s18+$0x10060]  }
.LBB2_13:
0x149: {  	s8 =	sshra.s32 s15, $0x2;
	p0 =	sne.s32 s15, $0xFE00;
	[tilespmem:s18+$0x10000] =	vst v12;
	v5 =	vadd.f32 v5, v10;
	v10 =	vld [tilespmem:s18+$0x10070]  }
0x14a: {  	v12 =	vld [tilespmem:s8+$0x8000];
	[tilespmem:s18+$0x10010] =	vst v11;
	v4 =	vadd.f32 v4, v9  }
0x14b: {  	v11 =	vld [tilespmem:s8+$0x8010];
	[tilespmem:s18+$0x10020] =	vst v5;
	v3 =	vadd.f32 v3, v8  }
0x14c: {  	v5 =	vld [tilespmem:s8+$0x8020];
	[tilespmem:s18+$0x10030] =	vst v4;
	v2 =	vadd.f32 v2, v7  }
0x14d: {  	v4 =	vld [tilespmem:s8+$0x8030];
	[tilespmem:s18+$0x10040] =	vst v3;
	v1 =	vadd.f32 v1, v6  }
0x14e: {  	v3 =	vld [tilespmem:s8+$0x8040];
	[tilespmem:s18+$0x10050] =	vst v2;
	v0 =	vadd.f32 v0, v10  }
0x14f: {  	v2 =	vld [tilespmem:s8+$0x8050];
	[tilespmem:s18+$0x10060] =	vst v1  }
0x150: {  	v1 =	vld [tilespmem:s8+$0x8060];
	[tilespmem:s18+$0x10070] =	vst v0;
	s18 =	smov.u32 s8  }
0x151: {  	v0 =	vld [tilespmem:s18+$0x8070]  }
0x152: {  	v6 =	vld [tilespmem:s18+$0x10000]  }
0x153: {  	v13 =	vld [tilespmem:s18+$0x10010]  }
.Ltmp7:
0x154: {  	v10 =	vld [tilespmem:s18+$0x10020];
	(pc) =	sbr.rel @p0 .LBB2_13-.Ltmp7, $4  }
0x155: {  	v9 =	vld [tilespmem:s18+$0x10030]  }
0x156: {  	v8 =	vld [tilespmem:s18+$0x10040]  }
0x157: {  	v12 =	vadd.f32 v12, v6;
	v7 =	vld [tilespmem:s18+$0x10050]  }
0x158: {  	s15 =	sadd.s32 $0x200, s15;
	v11 =	vadd.f32 v11, v13;
	v6 =	vld [tilespmem:s18+$0x10060]  }
0x159: {  	[tilespmem:s18+$0x10000] =	vst v12;
	v5 =	vadd.f32 v5, v10;
	v10 =	vld [tilespmem:s18+$0x10070]  }
0x15a: {  	[tilespmem:s18+$0x10010] =	vst v11;
	v4 =	vadd.f32 v4, v9  }
0x15b: {  	[tilespmem:s18+$0x10020] =	vst v5;
	v3 =	vadd.f32 v3, v8  }
0x15c: {  	s15 =	sshll.u32 s14, $0x9;
	[tilespmem:s18+$0x10030] =	vst v4;
	v2 =	vadd.f32 v2, v7  }
0x15d: {  	s8 =	sadd.s32 s15, s6;
	[tilespmem:s18+$0x10040] =	vst v3;
	v1 =	vadd.f32 v1, v6  }
0x15e: {  	s8 =	sshll.u32 s8, $0x4;
	[tilespmem:s18+$0x10050] =	vst v2;
	v0 =	vadd.f32 v0, v10  }
0x15f: {  	s8 =	sadd.s32 s4, s8;
	[tilespmem:s18+$0x10060] =	vst v1  }
0x160: {  	s16 =	sor.u32 $0x3, s16;
	s8 =	sadd.s32 $0x800, s8;
	[tilespmem:s18+$0x10070] =	vst v0;
	s18 =	simm.s32 $0x0  }
0x161: {  	[hbm4b:s8+s18] =	stream.linear.scatter [tilespmem:s24], [sflag:$0x8], $0x4000, $0x38;
	[tilespmem:$0x1C000] =	vst v63  }
0x162: {  	s19 =	sshll.u32 s16, $0x7;
	_ =	swait.ge [sflag:s12], $0x4000  }
0x163: {  	s8 =	sadd.s32 s6, s19;
	[sflag:s12] =	ssyncset.done $0x0  }
0x164: {  	s8 =	sshll.u32 s8, $0x4;
	[sflag:s12] =	ssyncadd.s32 $0xFFFFC000  }
0x165: {  	[tilespmem:s23], [sflag:$0x2] =	stream.indirect.gather [hbm4b:s2+s20], $0x80, s19, s20, $0xb8;
	[tilespmem:$0x1C000] =	vst v63  }
0x166: {  	s8 =	sadd.s32 s1, s8  }
0x167: {  	[tilespmem:s3], [sflag:$0x6] =	stream.linear.gather [hbm4b:s8+s18], $0x4000, $0x38;
	[tilespmem:$0x1C000] =	vst v63  }
0x168: {  	_ =	swait.ge [sflag:s25], $0x4000  }
0x169: {  	[sflag:s25] =	ssyncset.done $0x0  }
0x16a: {  	[sflag:s25] =	ssyncadd.s32 $0xFFFFC000  }
0x16b: {  	_ =	swait.ge [sflag:s28], $0x4000  }
0x16c: {  	[sflag:s28] =	ssyncset.done $0x0  }
0x16d: {  	s18 =	simm.s32 $0x0;
	[sflag:s28] =	ssyncadd.s32 $0xFFFFC000  }
0x16e: {  	v7 =	vld [tilespmem:s18+$0x4000]  }
0x16f: {  	v11 =	vld [tilespmem:s18+$0x4010]  }
0x170: {  	v5 =	vld [tilespmem:s18+$0x4020]  }
0x171: {  	v4 =	vld [tilespmem:s18+$0x4030]  }
0x172: {  	v3 =	vld [tilespmem:s18+$0x4040]  }
0x173: {  	v2 =	vld [tilespmem:s18+$0x4050]  }
0x174: {  	v1 =	vld [tilespmem:s18+$0x4060]  }
0x175: {  	v0 =	vld [tilespmem:s18+$0x4070]  }
0x176: {  	v12 =	vld [tilespmem:s18+$0x14000]  }
0x177: {  	v13 =	vld [tilespmem:s18+$0x14010]  }
0x178: {  	v10 =	vld [tilespmem:s18+$0x14020]  }
0x179: {  	v9 =	vld [tilespmem:s18+$0x14030]  }
0x17a: {  	v8 =	vld [tilespmem:s18+$0x14040]  }
0x17b: {  	v6 =	vld [tilespmem:s18+$0x14050];
	v12 =	vadd.f32 v7, v12  }
0x17c: {  	s8 =	simm.s32 $0x200;
	v11 =	vadd.f32 v11, v13;
	v7 =	vld [tilespmem:s18+$0x14060]  }
.LBB2_15:
0x17d: {  	s19 =	sshra.s32 s8, $0x2;
	p0 =	sne.s32 s8, $0xFE00;
	[tilespmem:s18+$0x14000] =	vst v12;
	v5 =	vadd.f32 v5, v10;
	v10 =	vld [tilespmem:s18+$0x14070]  }
0x17e: {  	v12 =	vld [tilespmem:s19+$0x4000];
	[tilespmem:s18+$0x14010] =	vst v11;
	v4 =	vadd.f32 v4, v9  }
0x17f: {  	v11 =	vld [tilespmem:s19+$0x4010];
	[tilespmem:s18+$0x14020] =	vst v5;
	v3 =	vadd.f32 v3, v8  }
0x180: {  	v5 =	vld [tilespmem:s19+$0x4020];
	[tilespmem:s18+$0x14030] =	vst v4;
	v2 =	vadd.f32 v2, v6  }
0x181: {  	v4 =	vld [tilespmem:s19+$0x4030];
	[tilespmem:s18+$0x14040] =	vst v3;
	v1 =	vadd.f32 v1, v7  }
0x182: {  	v3 =	vld [tilespmem:s19+$0x4040];
	[tilespmem:s18+$0x14050] =	vst v2;
	v0 =	vadd.f32 v0, v10  }
0x183: {  	v2 =	vld [tilespmem:s19+$0x4050];
	[tilespmem:s18+$0x14060] =	vst v1  }
0x184: {  	v1 =	vld [tilespmem:s19+$0x4060];
	[tilespmem:s18+$0x14070] =	vst v0;
	s18 =	smov.u32 s19  }
0x185: {  	v0 =	vld [tilespmem:s18+$0x4070]  }
0x186: {  	v6 =	vld [tilespmem:s18+$0x14000]  }
0x187: {  	v7 =	vld [tilespmem:s18+$0x14010]  }
.Ltmp8:
0x188: {  	v10 =	vld [tilespmem:s18+$0x14020];
	(pc) =	sbr.rel @p0 .LBB2_15-.Ltmp8, $4  }
0x189: {  	v9 =	vld [tilespmem:s18+$0x14030]  }
0x18a: {  	v8 =	vld [tilespmem:s18+$0x14040]  }
0x18b: {  	v12 =	vadd.f32 v12, v6;
	v6 =	vld [tilespmem:s18+$0x14050]  }
0x18c: {  	s8 =	sadd.s32 $0x200, s8;
	v11 =	vadd.f32 v11, v7;
	v7 =	vld [tilespmem:s18+$0x14060]  }
0x18d: {  	[tilespmem:s18+$0x14000] =	vst v12;
	v5 =	vadd.f32 v5, v10;
	v10 =	vld [tilespmem:s18+$0x14070]  }
0x18e: {  	[tilespmem:s18+$0x14010] =	vst v11;
	v4 =	vadd.f32 v4, v9  }
0x18f: {  	[tilespmem:s18+$0x14020] =	vst v5;
	v3 =	vadd.f32 v3, v8  }
0x190: {  	[tilespmem:s18+$0x14030] =	vst v4;
	v2 =	vadd.f32 v2, v6  }
0x191: {  	[tilespmem:s18+$0x14040] =	vst v3;
	v1 =	vadd.f32 v1, v7  }
0x192: {  	[tilespmem:s18+$0x14050] =	vst v2;
	v0 =	vadd.f32 v0, v10  }
0x193: {  	s8 =	sshll.u32 s17, $0xB;
	[tilespmem:s18+$0x14060] =	vst v1  }
0x194: {  	p0 =	seq.s32 s14, $0x1F;
	s8 =	sadd.s32 s8, s10;
	[tilespmem:s18+$0x14070] =	vst v0  }
0x195: {  	[hbm4b:s8+s5] =	stream.linear.scatter [tilespmem:s29], [sflag:$0x9], $0x4000, $0x38;
	[tilespmem:$0x1C000] =	vst v63  }
0x196: {  	s8 =	simm.s32 @!p0 $0x7  }
0x197: {  	_ =	swait.ge @!p0 [sflag:s8], $0x4000  }
0x198: {  	s17 =	simm.s32 @!p0 $0x80;
	[sflag:s8] =	ssyncset.done @!p0 $0x0  }
0x199: {  	s18 =	simm.s32 @!p0 $0x4000;
	[sflag:s8] =	ssyncadd.s32 @!p0 $0xFFFFC000;
	s8 =	sadd.s32 @!p0 $0x200, s15  }
0x19a: {  	[tilespmem:s18], [sflag:$0x1] =	stream.indirect.gather @!p0 [hbm4b:s2+s17], $0x80, s8, s17, $0xb8;
	[tilespmem:$0x1C000] =	vst v63  }
0x19b: {  	s8 =	sadd.s32 @!p0 s6, s8  }
0x19c: {  	s8 =	sshll.u32 @!p0 s8, $0x4  }
0x19d: {  	s17 =	simm.s32 @!p0 $0x0;
	s18 =	simm.s32 @!p0 $0xC000;
	s8 =	sadd.s32 @!p0 s1, s8  }
0x19e: {  	[tilespmem:s18], [sflag:$0x3] =	stream.linear.gather @!p0 [hbm4b:s8+s17], $0x4000, $0x38;
	[tilespmem:$0x1C000] =	vst v63  }
0x19f: {  	_ =	swait.ge [sflag:s30], $0x4000  }
0x1a0: {  	[sflag:s30] =	ssyncset.done $0x0  }
0x1a1: {  	[sflag:s30] =	ssyncadd.s32 $0xFFFFC000  }
0x1a2: {  	_ =	swait.ge [sflag:s7], $0x4000  }
0x1a3: {  	[sflag:s7] =	ssyncset.done $0x0  }
0x1a4: {  	s17 =	simm.s32 $0x0;
	[sflag:s7] =	ssyncadd.s32 $0xFFFFC000  }
0x1a5: {  	v7 =	vld [tilespmem:s17+$0x8000]  }
0x1a6: {  	v11 =	vld [tilespmem:s17+$0x8010]  }
0x1a7: {  	v5 =	vld [tilespmem:s17+$0x8020]  }
0x1a8: {  	v4 =	vld [tilespmem:s17+$0x8030]  }
0x1a9: {  	v3 =	vld [tilespmem:s17+$0x8040]  }
0x1aa: {  	v2 =	vld [tilespmem:s17+$0x8050]  }
0x1ab: {  	v1 =	vld [tilespmem:s17+$0x8060]  }
0x1ac: {  	v0 =	vld [tilespmem:s17+$0x8070]  }
0x1ad: {  	v12 =	vld [tilespmem:s17+$0x18000]  }
0x1ae: {  	v13 =	vld [tilespmem:s17+$0x18010]  }
0x1af: {  	v10 =	vld [tilespmem:s17+$0x18020]  }
0x1b0: {  	v9 =	vld [tilespmem:s17+$0x18030]  }
0x1b1: {  	v8 =	vld [tilespmem:s17+$0x18040]  }
0x1b2: {  	v6 =	vld [tilespmem:s17+$0x18050];
	v12 =	vadd.f32 v7, v12  }
0x1b3: {  	s8 =	simm.s32 $0x200;
	v11 =	vadd.f32 v11, v13;
	v7 =	vld [tilespmem:s17+$0x18060]  }
.LBB2_17:
0x1b4: {  	s18 =	sshra.s32 s8, $0x2;
	p1 =	sne.s32 s8, $0xFE00;
	[tilespmem:s17+$0x18000] =	vst v12;
	v5 =	vadd.f32 v5, v10;
	v10 =	vld [tilespmem:s17+$0x18070]  }
0x1b5: {  	v12 =	vld [tilespmem:s18+$0x8000];
	[tilespmem:s17+$0x18010] =	vst v11;
	v4 =	vadd.f32 v4, v9  }
0x1b6: {  	v11 =	vld [tilespmem:s18+$0x8010];
	[tilespmem:s17+$0x18020] =	vst v5;
	v3 =	vadd.f32 v3, v8  }
0x1b7: {  	v5 =	vld [tilespmem:s18+$0x8020];
	[tilespmem:s17+$0x18030] =	vst v4;
	v2 =	vadd.f32 v2, v6  }
0x1b8: {  	v4 =	vld [tilespmem:s18+$0x8030];
	[tilespmem:s17+$0x18040] =	vst v3;
	v1 =	vadd.f32 v1, v7  }
0x1b9: {  	v3 =	vld [tilespmem:s18+$0x8040];
	[tilespmem:s17+$0x18050] =	vst v2;
	v0 =	vadd.f32 v0, v10  }
0x1ba: {  	v2 =	vld [tilespmem:s18+$0x8050];
	[tilespmem:s17+$0x18060] =	vst v1  }
0x1bb: {  	v1 =	vld [tilespmem:s18+$0x8060];
	[tilespmem:s17+$0x18070] =	vst v0;
	s17 =	smov.u32 s18  }
0x1bc: {  	v0 =	vld [tilespmem:s17+$0x8070]  }
0x1bd: {  	v6 =	vld [tilespmem:s17+$0x18000]  }
0x1be: {  	v7 =	vld [tilespmem:s17+$0x18010]  }
.Ltmp9:
0x1bf: {  	v10 =	vld [tilespmem:s17+$0x18020];
	(pc) =	sbr.rel @p1 .LBB2_17-.Ltmp9, $4  }
0x1c0: {  	v9 =	vld [tilespmem:s17+$0x18030]  }
0x1c1: {  	v8 =	vld [tilespmem:s17+$0x18040]  }
0x1c2: {  	v12 =	vadd.f32 v12, v6;
	v6 =	vld [tilespmem:s17+$0x18050]  }
0x1c3: {  	s8 =	sadd.s32 $0x200, s8;
	v11 =	vadd.f32 v11, v7;
	v7 =	vld [tilespmem:s17+$0x18060]  }
0x1c4: {  	[tilespmem:s17+$0x18000] =	vst v12;
	v5 =	vadd.f32 v5, v10;
	v63 =	vld [tilespmem:s17+$0x18070]  }
0x1c5: {  	[tilespmem:s17+$0x18010] =	vst v11;
	v4 =	vadd.f32 v4, v9  }
0x1c6: {  	[tilespmem:s17+$0x18020] =	vst v5;
	v3 =	vadd.f32 v3, v8  }
0x1c7: {  	[tilespmem:s17+$0x18030] =	vst v4;
	v2 =	vadd.f32 v2, v6  }
.Ltmp10:
0x1c8: {  	[tilespmem:s17+$0x18040] =	vst v3;
	v1 =	vadd.f32 v1, v7;
	(pc) =	sbr.rel @p0 .LBB2_20-.Ltmp10, $4  }
0x1c9: {  	[tilespmem:s17+$0x18050] =	vst v2;
	v0 =	vadd.f32 v0, v63  }
0x1ca: {  	s8 =	sshll.u32 s16, $0xB;
	[tilespmem:s17+$0x18060] =	vst v1  }
0x1cb: {  	s8 =	sadd.s32 s8, s10;
	[tilespmem:s17+$0x18070] =	vst v0  }
0x1cc: {  	[hbm4b:s8+s5] =	stream.linear.scatter [tilespmem:s3], [sflag:$0xA], $0x4000, $0x38;
	[tilespmem:$0x1C000] =	vst v63  }
0x1cd: {  	_ =	swait.ge [sflag:s9], $0x4000  }
0x1ce: {  	[sflag:s9] =	ssyncset.done $0x0  }
0x1cf: {  	s8 =	sadd.s32 $0x280, s15;
	[sflag:s9] =	ssyncadd.s32 $0xFFFFC000  }
0x1d0: {  	[tilespmem:s23], [sflag:$0x2] =	stream.indirect.gather [hbm4b:s2+s20], $0x80, s8, s20, $0xb8;
	[tilespmem:$0x1C000] =	vst v63  }
.Ltmp11:
0x1d1: {  	_ = 	snop;
	(pc) =	sbr.rel .LBB2_10-.Ltmp11, $4  }
0x1d2: {  	s8 =	sadd.s32 s6, s8  }
0x1d3: {  	s8 =	sshll.u32 s8, $0x4  }
0x1d4: {  	s14 =	sadd.s32 $0x1, s14;
	s8 =	sadd.s32 s1, s8  }
0x1d5: {  	[tilespmem:s24], [sflag:$0x4] =	stream.linear.gather [hbm4b:s8+s5], $0x4000, $0x38;
	[tilespmem:$0x1C000] =	vst v63  }
.LBB2_21:
0x1d6: {  	_ =	sfence.sel $0x180000  }
0x1d7: {  	[bflag:$0x0] =	sbarrier.arrive $0xFFFF  }
0x1d8: {  	_ =	strace $0x90000047  }
0x1d9: {  	s0 =	stileid.u32;
	[bflag:$0x2] =	sbarrier.arrive $0xFFFF  }
0x1da: {  	p0 =	sne.s32 s0, $0x0;
	s0 =	rddreg [dreg:$0x4]  }
0x1db: {  	s0 =	sadd.s32 @!p0 $0x100000, s0  }
0x1dc: {  	[sflag:s0] =	ssyncadd.tile.s32 @!p0 $0x1;
	_ =	shalt  }
.Lfunc_end2:
_tile_overlayer_lowered:
.L_overlay_start_2:
0x1dd: {  	(tag) =	ssettag $0x2  }
0x1de: {  	s0 =	rddreg [dreg:$0x0];
	s2 =	stileid.u32  }
0x1df: {  	s1 =	rddreg [dreg:$0x1];
	p0 =	sne.s32 s2, $0x0  }
0x1e0: {  	s3 =	rddreg [dreg:$0x2];
	[bflag:$0x3] =	sbarrier.arrive $0xFFFF;
	s2 =	simm.s32 @!p0 $0x1C0B  }
0x1e1: {  	[timem:s3], [sflag:s2] =	dma.local @!p0 [hbm:s0], s1  }
0x1e2: {  	s0 =	simm.s32 @!p0 $0xB  }
0x1e3: {  	_ =	swait.ge @!p0 [sflag:s0], s1  }
0x1e4: {  	s1 =	ssub.s32 @!p0 $0x0, s1;
	[sflag:s0] =	ssyncset.done @!p0 $0x0  }
0x1e5: {  	[sflag:s0] =	ssyncadd.s32 @!p0 s1  }
0x1e6: {  	[bflag:$0x3] =	sbarrier.arrive $0xFFFF  }
0x1e7: {  	_ =	shalt  }

</sc_bundles>
